<compile_context>
chip_gen: v7x
topology: tpu7x:2x2x1
jax: 0.10.2.dev20260603
libtpu: 0.0.44.dev20260713+nightly
codegen_flags: <defaults>
</compile_context>

<pallas_src>
import functools
import math

import jax
import jax.numpy as jnp
from jax import lax
from jax.experimental import pallas as pl
from jax.experimental.pallas import tpu as pltpu
from jax.experimental.pallas import tpu_sc as plsc

D_MODEL = 64
SCALE = math.sqrt(D_MODEL)
NTOK = 1000000
NB, NT = 4096, 200
NC, NS, L = 2, 16, 16
NW = NC * NS
CHUNK = 128

COLS = 16384
NBLK = 31
LROWS = NBLK * COLS
CBITS = COLS.bit_length() - 1
MAXBLK = NTOK // COLS

_mesh = plsc.VectorSubcoreMesh(core_axis_name="c", subcore_axis_name="s")


def _k1_body(a_ref, b_ref, o_ref):
    o_ref[:, 0:64] = a_ref[...].T * SCALE
    o_ref[:, 64:128] = b_ref[...].T * SCALE


def _linearize_table(tt):
    return pl.pallas_call(
        _k1_body,
        grid=(NBLK,),
        in_specs=[
            pl.BlockSpec((64, COLS), lambda i: (0, 2 * i)),
            pl.BlockSpec((64, COLS),
                         lambda i: (0, jnp.minimum(2 * i + 1, MAXBLK))),
        ],
        out_specs=pl.BlockSpec((COLS, 128), lambda i: (i, 0)),
        out_shape=jax.ShapeDtypeStruct((LROWS, 128), jnp.float32),
        compiler_params=pltpu.CompilerParams(
            vmem_limit_bytes=120 * 1024 * 1024),
    )(tt, tt)


@functools.partial(
    pl.kernel,
    out_type=jax.ShapeDtypeStruct((NT, 8, NB // CHUNK, 8, CHUNK), jnp.float32),
    mesh=_mesh,
    scratch_types=[
        pltpu.VMEM((NT, CHUNK), jnp.int32),
        pltpu.VMEM((CHUNK, D_MODEL), jnp.float32),
        pltpu.VMEM((CHUNK, D_MODEL), jnp.float32),
        pltpu.VMEM((D_MODEL, CHUNK), jnp.float32),
        pltpu.VMEM((D_MODEL, CHUNK), jnp.float32),
        pltpu.SemaphoreType.DMA,
        pltpu.SemaphoreType.DMA,
        pltpu.SemaphoreType.DMA,
    ],
    compiler_params=pltpu.CompilerParams(
        use_tc_tiling_on_sc=False, needs_layout_passes=False),
)
def _gather_tr(xg_hbm, tab_hbm, out_hbm, idx_v, rows0, rows1, tb0, tb1,
               gsem, ssem0, ssem1):
    wid = lax.axis_index("s") * NC + lax.axis_index("c")
    pltpu.sync_copy(xg_hbm.at[wid], idx_v)

    def xf_row(t, carry):
        for j in range(CHUNK // L):
            sl = pl.ds(j * L, L)
            q = idx_v[t, sl]
            idx_v[t, sl] = (((q >> (CBITS + 1)) << (CBITS + 1))
                            + ((q & (COLS - 1)) << 1) + ((q >> CBITS) & 1))
        return carry

    lax.fori_loop(0, NT, xf_row, 0)

    iota = lax.iota(jnp.int32, L)
    perms = [(iota + k) & 15 for k in range(L)]

    def fire_gather(t, rows):
        pltpu.async_copy(tab_hbm.at[idx_v.at[t]], rows, gsem)

    def drain_gather(rows):
        pltpu.make_async_copy(tab_hbm.at[pl.ds(0, CHUNK)], rows, gsem).wait()

    def transpose(rows, tb):
        @plsc.parallel_loop(0, (CHUNK // L) * (D_MODEL // L), unroll=2)
        def _(b):
            r0 = (b >> 2) << 4
            c0 = (b & 3) << 4
            rv = iota + r0
            for k in range(L):
                pv = perms[k] + c0
                val = plsc.load_gather(rows, [rv, pv])
                plsc.store_scatter(tb, [pv, rv], val)

    def fire_stores(t, tb, ssem):
        for db in range(8):
            pltpu.async_copy(tb.at[pl.ds(db * 8, 8)],
                             out_hbm.at[t, db, wid], ssem)

    def drain_stores(tb, ssem):
        for db in range(8):
            pltpu.make_async_copy(tb.at[pl.ds(db * 8, 8)],
                                  out_hbm.at[0, db, wid], ssem).wait()

    fire_gather(0, rows0)

    def super2(u, carry):
        t0 = 2 * u
        drain_gather(rows0)
        fire_gather(t0 + 1, rows1)

        @pl.when(u > 0)
        def _():
            drain_stores(tb0, ssem0)

        transpose(rows0, tb0)
        fire_stores(t0, tb0, ssem0)

        drain_gather(rows1)

        @pl.when(u < NT // 2 - 1)
        def _():
            fire_gather(t0 + 2, rows0)

        @pl.when(u > 0)
        def _():
            drain_stores(tb1, ssem1)

        transpose(rows1, tb1)
        fire_stores(t0 + 1, tb1, ssem1)
        return carry

    lax.fori_loop(0, NT // 2, super2, 0)
    drain_stores(tb0, ssem0)
    drain_stores(tb1, ssem1)


def kernel(x, table):
    tt = table.T
    ltab = _linearize_table(tt).reshape(2 * LROWS, D_MODEL)
    xg = x.T.astype(jnp.int32).reshape(NT, NW, CHUNK).transpose(1, 0, 2)
    o5 = _gather_tr(xg, ltab)
    return o5.transpose(2, 4, 0, 1, 3).reshape(NB, NT, D_MODEL)

# --- scband reference (transcript-rebuilt; emitter-appended) ---
"""Pipeline reference for scband-embedder-4922032521567 (READ-ONLY COPY).

The authoritative reference and input builder live on the scoring server;
editing this copy changes nothing except your own understanding.
"""

import jax, jax.numpy as jnp
import numpy as np
import math

NTOKEN = 1000000
D_MODEL = 64

def setup_inputs(seed: int = 0) -> dict:
    key = jax.random.key(seed)
    k1, k2 = jax.random.split(key)
    x = jax.random.randint(k1, (4096, 200), 0, NTOKEN, dtype=jnp.int64 if jax.config.jax_enable_x64 else jnp.int32)
    table = jax.random.normal(k2, (NTOKEN, D_MODEL), dtype=jnp.float32)
    return {"x": x, "table": table}

def reference(x, table):
    # Embedder.forward: embedding(x) * sqrt(d_model)
    emb = jnp.take(table, x, axis=0)
    return emb * math.sqrt(D_MODEL)

if __name__ == "__main__":
    import jax
    _d = setup_inputs()
    print(jax.jit(kernel)(*tuple(_d.values())))

</pallas_src>

<mosaic_0001>
#map = affine_map<(d0, d1) -> (0, 0, 0)>
#map1 = affine_map<(d0, d1) -> (0, 0)>
#map2 = affine_map<(d0, d1) -> (0, 0, 0, 0, 0)>
module attributes {stable_mosaic.version = 14 : i64} {
  func.func @_gather_tr(%arg0: i32, %arg1: i32, %arg2: memref<32x200x128xi32, #tpu.memory_space<hbm>>, %arg3: memref<1015808x64xf32, #tpu.memory_space<hbm>>, %arg4: memref<200x8x32x8x128xf32, #tpu.memory_space<hbm>>, %arg5: memref<200x128xi32, #tpu.memory_space<vmem>>, %arg6: memref<128x64xf32, #tpu.memory_space<vmem>>, %arg7: memref<128x64xf32, #tpu.memory_space<vmem>>, %arg8: memref<64x128xf32, #tpu.memory_space<vmem>>, %arg9: memref<64x128xf32, #tpu.memory_space<vmem>>, %arg10: memref<!tpu.dma_semaphore, #tpu.memory_space<semaphore_mem>>, %arg11: memref<!tpu.dma_semaphore, #tpu.memory_space<semaphore_mem>>, %arg12: memref<!tpu.dma_semaphore, #tpu.memory_space<semaphore_mem>>) attributes {dimension_semantics = [#tpu.dimension_semantics<core_parallel>, #tpu.dimension_semantics<subcore_parallel>], iteration_bounds = array<i64: 2, 16>, scalar_prefetch = 0 : i64, scratch_operands = 8 : i64, tpu.core_type = #tpu.core_type<sc_vector_subcore>, window_params = [{transform_indices = #map}, {transform_indices = #map1}, {transform_indices = #map2}]} {
    %mul3A = arith.constant 2 : i32
    %mul3A_0 = arith.muli %arg1, %mul3A : i32
    %add3A = arith.addi %mul3A_0, %arg0 : i32
    "tpu.region"() ({
      %run_scoped3A = tpu.sem_alloc : memref<!tpu.dma_semaphore, #tpu.memory_space<semaphore_mem>>
      %dma_start3A_368 = arith.constant 0 : i32
      %dma_start3A_369 = arith.constant 0 : i32
      %dma_start3A_370 = tpu.memref_slice %arg2[%add3A, %dma_start3A_368, %dma_start3A_369] : memref<32x200x128xi32, #tpu.memory_space<hbm>> -> memref<1x200x128xi32, #tpu.memory_space<hbm>>
      %dma_start3A_371 = tpu.memref_squeeze %dma_start3A_370 : memref<1x200x128xi32, #tpu.memory_space<hbm>> -> memref<200x128xi32, #tpu.memory_space<hbm>>
      %dma_start3A_372 = arith.constant 0 : i32
      %dma_start3A_373 = arith.constant 0 : i32
      %dma_start3A_374 = tpu.memref_slice %arg2[%add3A, %dma_start3A_372, %dma_start3A_373] : memref<32x200x128xi32, #tpu.memory_space<hbm>> -> memref<1x200x128xi32, #tpu.memory_space<hbm>>
      %dma_start3A_375 = tpu.memref_squeeze %dma_start3A_374 : memref<1x200x128xi32, #tpu.memory_space<hbm>> -> memref<200x128xi32, #tpu.memory_space<hbm>>
      tpu.enqueue_dma source(%dma_start3A_375 : memref<200x128xi32, #tpu.memory_space<hbm>>) target(%arg5 : memref<200x128xi32, #tpu.memory_space<vmem>>) target_semaphore(%run_scoped3A : memref<!tpu.dma_semaphore, #tpu.memory_space<semaphore_mem>>)
      %dma_wait3A_376 = arith.constant 0 : i32
      %dma_wait3A_377 = arith.constant 0 : i32
      %dma_wait3A_378 = tpu.memref_slice %arg2[%add3A, %dma_wait3A_376, %dma_wait3A_377] : memref<32x200x128xi32, #tpu.memory_space<hbm>> -> memref<1x200x128xi32, #tpu.memory_space<hbm>>
      %dma_wait3A_379 = tpu.memref_squeeze %dma_wait3A_378 : memref<1x200x128xi32, #tpu.memory_space<hbm>> -> memref<200x128xi32, #tpu.memory_space<hbm>>
      %dma_wait3A_380 = arith.constant 0 : i32
      %dma_wait3A_381 = arith.constant 0 : i32
      %dma_wait3A_382 = tpu.memref_slice %arg2[%add3A, %dma_wait3A_380, %dma_wait3A_381] : memref<32x200x128xi32, #tpu.memory_space<hbm>> -> memref<1x200x128xi32, #tpu.memory_space<hbm>>
      %dma_wait3A_383 = tpu.memref_squeeze %dma_wait3A_382 : memref<1x200x128xi32, #tpu.memory_space<hbm>> -> memref<200x128xi32, #tpu.memory_space<hbm>>
      tpu.wait_dma2 semaphore(%run_scoped3A : memref<!tpu.dma_semaphore, #tpu.memory_space<semaphore_mem>>) src(%dma_wait3A_383 : memref<200x128xi32, #tpu.memory_space<hbm>>) dst(%arg5 : memref<200x128xi32, #tpu.memory_space<vmem>>)
      tpu.yield
    }) : () -> ()
    %scan3A = arith.constant 0 : i32
    %scan3A_1 = arith.constant 0 : i32
    %scan3A_2 = arith.constant 200 : i32
    %scan3A_3 = arith.addi %scan3A_1, %scan3A_2 : i32
    %scan3A_4 = arith.constant 1 : i32
    scf.for %scan3A_368 = %scan3A_1 to %scan3A_3 step %scan3A_4  : i32 {
      %get3A = arith.index_cast %scan3A_368 : i32 to index
      %get3A_369 = arith.constant 0 : index
      %get3A_370 = tpu.vector_load %arg5[%get3A, %get3A_369] {strides = array<i32>} : memref<200x128xi32, #tpu.memory_space<vmem>>, vector<16xi32>,
      %shift_right_arithmetic3A = arith.constant 15 : i32
      %shift_right_arithmetic3A_371 = vector.broadcast %shift_right_arithmetic3A : i32 to vector<16xi32>
      %shift_right_arithmetic3A_372 = arith.shrsi %get3A_370, %shift_right_arithmetic3A_371 : vector<16xi32>
      %shift_left3A = arith.constant 15 : i32
      %shift_left3A_373 = vector.broadcast %shift_left3A : i32 to vector<16xi32>
      %shift_left3A_374 = arith.shli %shift_right_arithmetic3A_372, %shift_left3A_373 : vector<16xi32>
      %and3A_375 = arith.constant 16383 : i32
      %and3A_376 = vector.broadcast %and3A_375 : i32 to vector<16xi32>
      %and3A_377 = arith.andi %get3A_370, %and3A_376 : vector<16xi32>
      %shift_left3A_378 = arith.constant 1 : i32
      %shift_left3A_379 = vector.broadcast %shift_left3A_378 : i32 to vector<16xi32>
      %shift_left3A_380 = arith.shli %and3A_377, %shift_left3A_379 : vector<16xi32>
      %add3A_381 = arith.addi %shift_left3A_374, %shift_left3A_380 : vector<16xi32>
      %shift_right_arithmetic3A_382 = arith.constant 14 : i32
      %shift_right_arithmetic3A_383 = vector.broadcast %shift_right_arithmetic3A_382 : i32 to vector<16xi32>
      %shift_right_arithmetic3A_384 = arith.shrsi %get3A_370, %shift_right_arithmetic3A_383 : vector<16xi32>
      %and3A_385 = arith.constant 1 : i32
      %and3A_386 = vector.broadcast %and3A_385 : i32 to vector<16xi32>
      %and3A_387 = arith.andi %shift_right_arithmetic3A_384, %and3A_386 : vector<16xi32>
      %add3A_388 = arith.addi %add3A_381, %and3A_387 : vector<16xi32>
      %swap3A = arith.index_cast %scan3A_368 : i32 to index
      %swap3A_389 = arith.constant 0 : index
      %swap3A_390 = tpu.vector_load %arg5[%swap3A, %swap3A_389] {strides = array<i32>} : memref<200x128xi32, #tpu.memory_space<vmem>>, vector<16xi32>,
      tpu.vector_store %arg5[%swap3A, %swap3A_389], %add3A_388 {strides = array<i32>} : memref<200x128xi32, #tpu.memory_space<vmem>>, vector<16xi32>,
      %get3A_391 = arith.index_cast %scan3A_368 : i32 to index
      %get3A_392 = arith.constant 16 : index
      %get3A_393 = tpu.vector_load %arg5[%get3A_391, %get3A_392] {strides = array<i32>} : memref<200x128xi32, #tpu.memory_space<vmem>>, vector<16xi32>,
      %shift_right_arithmetic3A_394 = arith.constant 15 : i32
      %shift_right_arithmetic3A_395 = vector.broadcast %shift_right_arithmetic3A_394 : i32 to vector<16xi32>
      %shift_right_arithmetic3A_396 = arith.shrsi %get3A_393, %shift_right_arithmetic3A_395 : vector<16xi32>
      %shift_left3A_397 = arith.constant 15 : i32
      %shift_left3A_398 = vector.broadcast %shift_left3A_397 : i32 to vector<16xi32>
      %shift_left3A_399 = arith.shli %shift_right_arithmetic3A_396, %shift_left3A_398 : vector<16xi32>
      %and3A_400 = arith.constant 16383 : i32
      %and3A_401 = vector.broadcast %and3A_400 : i32 to vector<16xi32>
      %and3A_402 = arith.andi %get3A_393, %and3A_401 : vector<16xi32>
      %shift_left3A_403 = arith.constant 1 : i32
      %shift_left3A_404 = vector.broadcast %shift_left3A_403 : i32 to vector<16xi32>
      %shift_left3A_405 = arith.shli %and3A_402, %shift_left3A_404 : vector<16xi32>
      %add3A_406 = arith.addi %shift_left3A_399, %shift_left3A_405 : vector<16xi32>
      %shift_right_arithmetic3A_407 = arith.constant 14 : i32
      %shift_right_arithmetic3A_408 = vector.broadcast %shift_right_arithmetic3A_407 : i32 to vector<16xi32>
      %shift_right_arithmetic3A_409 = arith.shrsi %get3A_393, %shift_right_arithmetic3A_408 : vector<16xi32>
      %and3A_410 = arith.constant 1 : i32
      %and3A_411 = vector.broadcast %and3A_410 : i32 to vector<16xi32>
      %and3A_412 = arith.andi %shift_right_arithmetic3A_409, %and3A_411 : vector<16xi32>
      %add3A_413 = arith.addi %add3A_406, %and3A_412 : vector<16xi32>
      %swap3A_414 = arith.index_cast %scan3A_368 : i32 to index
      %swap3A_415 = arith.constant 16 : index
      %swap3A_416 = tpu.vector_load %arg5[%swap3A_414, %swap3A_415] {strides = array<i32>} : memref<200x128xi32, #tpu.memory_space<vmem>>, vector<16xi32>,
      tpu.vector_store %arg5[%swap3A_414, %swap3A_415], %add3A_413 {strides = array<i32>} : memref<200x128xi32, #tpu.memory_space<vmem>>, vector<16xi32>,
      %get3A_417 = arith.index_cast %scan3A_368 : i32 to index
      %get3A_418 = arith.constant 32 : index
      %get3A_419 = tpu.vector_load %arg5[%get3A_417, %get3A_418] {strides = array<i32>} : memref<200x128xi32, #tpu.memory_space<vmem>>, vector<16xi32>,
      %shift_right_arithmetic3A_420 = arith.constant 15 : i32
      %shift_right_arithmetic3A_421 = vector.broadcast %shift_right_arithmetic3A_420 : i32 to vector<16xi32>
      %shift_right_arithmetic3A_422 = arith.shrsi %get3A_419, %shift_right_arithmetic3A_421 : vector<16xi32>
      %shift_left3A_423 = arith.constant 15 : i32
      %shift_left3A_424 = vector.broadcast %shift_left3A_423 : i32 to vector<16xi32>
      %shift_left3A_425 = arith.shli %shift_right_arithmetic3A_422, %shift_left3A_424 : vector<16xi32>
      %and3A_426 = arith.constant 16383 : i32
      %and3A_427 = vector.broadcast %and3A_426 : i32 to vector<16xi32>
      %and3A_428 = arith.andi %get3A_419, %and3A_427 : vector<16xi32>
      %shift_left3A_429 = arith.constant 1 : i32
      %shift_left3A_430 = vector.broadcast %shift_left3A_429 : i32 to vector<16xi32>
      %shift_left3A_431 = arith.shli %and3A_428, %shift_left3A_430 : vector<16xi32>
      %add3A_432 = arith.addi %shift_left3A_425, %shift_left3A_431 : vector<16xi32>
      %shift_right_arithmetic3A_433 = arith.constant 14 : i32
      %shift_right_arithmetic3A_434 = vector.broadcast %shift_right_arithmetic3A_433 : i32 to vector<16xi32>
      %shift_right_arithmetic3A_435 = arith.shrsi %get3A_419, %shift_right_arithmetic3A_434 : vector<16xi32>
      %and3A_436 = arith.constant 1 : i32
      %and3A_437 = vector.broadcast %and3A_436 : i32 to vector<16xi32>
      %and3A_438 = arith.andi %shift_right_arithmetic3A_435, %and3A_437 : vector<16xi32>
      %add3A_439 = arith.addi %add3A_432, %and3A_438 : vector<16xi32>
      %swap3A_440 = arith.index_cast %scan3A_368 : i32 to index
      %swap3A_441 = arith.constant 32 : index
      %swap3A_442 = tpu.vector_load %arg5[%swap3A_440, %swap3A_441] {strides = array<i32>} : memref<200x128xi32, #tpu.memory_space<vmem>>, vector<16xi32>,
      tpu.vector_store %arg5[%swap3A_440, %swap3A_441], %add3A_439 {strides = array<i32>} : memref<200x128xi32, #tpu.memory_space<vmem>>, vector<16xi32>,
      %get3A_443 = arith.index_cast %scan3A_368 : i32 to index
      %get3A_444 = arith.constant 48 : index
      %get3A_445 = tpu.vector_load %arg5[%get3A_443, %get3A_444] {strides = array<i32>} : memref<200x128xi32, #tpu.memory_space<vmem>>, vector<16xi32>,
      %shift_right_arithmetic3A_446 = arith.constant 15 : i32
      %shift_right_arithmetic3A_447 = vector.broadcast %shift_right_arithmetic3A_446 : i32 to vector<16xi32>
      %shift_right_arithmetic3A_448 = arith.shrsi %get3A_445, %shift_right_arithmetic3A_447 : vector<16xi32>
      %shift_left3A_449 = arith.constant 15 : i32
      %shift_left3A_450 = vector.broadcast %shift_left3A_449 : i32 to vector<16xi32>
      %shift_left3A_451 = arith.shli %shift_right_arithmetic3A_448, %shift_left3A_450 : vector<16xi32>
      %and3A_452 = arith.constant 16383 : i32
      %and3A_453 = vector.broadcast %and3A_452 : i32 to vector<16xi32>
      %and3A_454 = arith.andi %get3A_445, %and3A_453 : vector<16xi32>
      %shift_left3A_455 = arith.constant 1 : i32
      %shift_left3A_456 = vector.broadcast %shift_left3A_455 : i32 to vector<16xi32>
      %shift_left3A_457 = arith.shli %and3A_454, %shift_left3A_456 : vector<16xi32>
      %add3A_458 = arith.addi %shift_left3A_451, %shift_left3A_457 : vector<16xi32>
      %shift_right_arithmetic3A_459 = arith.constant 14 : i32
      %shift_right_arithmetic3A_460 = vector.broadcast %shift_right_arithmetic3A_459 : i32 to vector<16xi32>
      %shift_right_arithmetic3A_461 = arith.shrsi %get3A_445, %shift_right_arithmetic3A_460 : vector<16xi32>
      %and3A_462 = arith.constant 1 : i32
      %and3A_463 = vector.broadcast %and3A_462 : i32 to vector<16xi32>
      %and3A_464 = arith.andi %shift_right_arithmetic3A_461, %and3A_463 : vector<16xi32>
      %add3A_465 = arith.addi %add3A_458, %and3A_464 : vector<16xi32>
      %swap3A_466 = arith.index_cast %scan3A_368 : i32 to index
      %swap3A_467 = arith.constant 48 : index
      %swap3A_468 = tpu.vector_load %arg5[%swap3A_466, %swap3A_467] {strides = array<i32>} : memref<200x128xi32, #tpu.memory_space<vmem>>, vector<16xi32>,
      tpu.vector_store %arg5[%swap3A_466, %swap3A_467], %add3A_465 {strides = array<i32>} : memref<200x128xi32, #tpu.memory_space<vmem>>, vector<16xi32>,
      %get3A_469 = arith.index_cast %scan3A_368 : i32 to index
      %get3A_470 = arith.constant 64 : index
      %get3A_471 = tpu.vector_load %arg5[%get3A_469, %get3A_470] {strides = array<i32>} : memref<200x128xi32, #tpu.memory_space<vmem>>, vector<16xi32>,
      %shift_right_arithmetic3A_472 = arith.constant 15 : i32
      %shift_right_arithmetic3A_473 = vector.broadcast %shift_right_arithmetic3A_472 : i32 to vector<16xi32>
      %shift_right_arithmetic3A_474 = arith.shrsi %get3A_471, %shift_right_arithmetic3A_473 : vector<16xi32>
      %shift_left3A_475 = arith.constant 15 : i32
      %shift_left3A_476 = vector.broadcast %shift_left3A_475 : i32 to vector<16xi32>
      %shift_left3A_477 = arith.shli %shift_right_arithmetic3A_474, %shift_left3A_476 : vector<16xi32>
      %and3A_478 = arith.constant 16383 : i32
      %and3A_479 = vector.broadcast %and3A_478 : i32 to vector<16xi32>
      %and3A_480 = arith.andi %get3A_471, %and3A_479 : vector<16xi32>
      %shift_left3A_481 = arith.constant 1 : i32
      %shift_left3A_482 = vector.broadcast %shift_left3A_481 : i32 to vector<16xi32>
      %shift_left3A_483 = arith.shli %and3A_480, %shift_left3A_482 : vector<16xi32>
      %add3A_484 = arith.addi %shift_left3A_477, %shift_left3A_483 : vector<16xi32>
      %shift_right_arithmetic3A_485 = arith.constant 14 : i32
      %shift_right_arithmetic3A_486 = vector.broadcast %shift_right_arithmetic3A_485 : i32 to vector<16xi32>
      %shift_right_arithmetic3A_487 = arith.shrsi %get3A_471, %shift_right_arithmetic3A_486 : vector<16xi32>
      %and3A_488 = arith.constant 1 : i32
      %and3A_489 = vector.broadcast %and3A_488 : i32 to vector<16xi32>
      %and3A_490 = arith.andi %shift_right_arithmetic3A_487, %and3A_489 : vector<16xi32>
      %add3A_491 = arith.addi %add3A_484, %and3A_490 : vector<16xi32>
      %swap3A_492 = arith.index_cast %scan3A_368 : i32 to index
      %swap3A_493 = arith.constant 64 : index
      %swap3A_494 = tpu.vector_load %arg5[%swap3A_492, %swap3A_493] {strides = array<i32>} : memref<200x128xi32, #tpu.memory_space<vmem>>, vector<16xi32>,
      tpu.vector_store %arg5[%swap3A_492, %swap3A_493], %add3A_491 {strides = array<i32>} : memref<200x128xi32, #tpu.memory_space<vmem>>, vector<16xi32>,
      %get3A_495 = arith.index_cast %scan3A_368 : i32 to index
      %get3A_496 = arith.constant 80 : index
      %get3A_497 = tpu.vector_load %arg5[%get3A_495, %get3A_496] {strides = array<i32>} : memref<200x128xi32, #tpu.memory_space<vmem>>, vector<16xi32>,
      %shift_right_arithmetic3A_498 = arith.constant 15 : i32
      %shift_right_arithmetic3A_499 = vector.broadcast %shift_right_arithmetic3A_498 : i32 to vector<16xi32>
      %shift_right_arithmetic3A_500 = arith.shrsi %get3A_497, %shift_right_arithmetic3A_499 : vector<16xi32>
      %shift_left3A_501 = arith.constant 15 : i32
      %shift_left3A_502 = vector.broadcast %shift_left3A_501 : i32 to vector<16xi32>
      %shift_left3A_503 = arith.shli %shift_right_arithmetic3A_500, %shift_left3A_502 : vector<16xi32>
      %and3A_504 = arith.constant 16383 : i32
      %and3A_505 = vector.broadcast %and3A_504 : i32 to vector<16xi32>
      %and3A_506 = arith.andi %get3A_497, %and3A_505 : vector<16xi32>
      %shift_left3A_507 = arith.constant 1 : i32
      %shift_left3A_508 = vector.broadcast %shift_left3A_507 : i32 to vector<16xi32>
      %shift_left3A_509 = arith.shli %and3A_506, %shift_left3A_508 : vector<16xi32>
      %add3A_510 = arith.addi %shift_left3A_503, %shift_left3A_509 : vector<16xi32>
      %shift_right_arithmetic3A_511 = arith.constant 14 : i32
      %shift_right_arithmetic3A_512 = vector.broadcast %shift_right_arithmetic3A_511 : i32 to vector<16xi32>
      %shift_right_arithmetic3A_513 = arith.shrsi %get3A_497, %shift_right_arithmetic3A_512 : vector<16xi32>
      %and3A_514 = arith.constant 1 : i32
      %and3A_515 = vector.broadcast %and3A_514 : i32 to vector<16xi32>
      %and3A_516 = arith.andi %shift_right_arithmetic3A_513, %and3A_515 : vector<16xi32>
      %add3A_517 = arith.addi %add3A_510, %and3A_516 : vector<16xi32>
      %swap3A_518 = arith.index_cast %scan3A_368 : i32 to index
      %swap3A_519 = arith.constant 80 : index
      %swap3A_520 = tpu.vector_load %arg5[%swap3A_518, %swap3A_519] {strides = array<i32>} : memref<200x128xi32, #tpu.memory_space<vmem>>, vector<16xi32>,
      tpu.vector_store %arg5[%swap3A_518, %swap3A_519], %add3A_517 {strides = array<i32>} : memref<200x128xi32, #tpu.memory_space<vmem>>, vector<16xi32>,
      %get3A_521 = arith.index_cast %scan3A_368 : i32 to index
      %get3A_522 = arith.constant 96 : index
      %get3A_523 = tpu.vector_load %arg5[%get3A_521, %get3A_522] {strides = array<i32>} : memref<200x128xi32, #tpu.memory_space<vmem>>, vector<16xi32>,
      %shift_right_arithmetic3A_524 = arith.constant 15 : i32
      %shift_right_arithmetic3A_525 = vector.broadcast %shift_right_arithmetic3A_524 : i32 to vector<16xi32>
      %shift_right_arithmetic3A_526 = arith.shrsi %get3A_523, %shift_right_arithmetic3A_525 : vector<16xi32>
      %shift_left3A_527 = arith.constant 15 : i32
      %shift_left3A_528 = vector.broadcast %shift_left3A_527 : i32 to vector<16xi32>
      %shift_left3A_529 = arith.shli %shift_right_arithmetic3A_526, %shift_left3A_528 : vector<16xi32>
      %and3A_530 = arith.constant 16383 : i32
      %and3A_531 = vector.broadcast %and3A_530 : i32 to vector<16xi32>
      %and3A_532 = arith.andi %get3A_523, %and3A_531 : vector<16xi32>
      %shift_left3A_533 = arith.constant 1 : i32
      %shift_left3A_534 = vector.broadcast %shift_left3A_533 : i32 to vector<16xi32>
      %shift_left3A_535 = arith.shli %and3A_532, %shift_left3A_534 : vector<16xi32>
      %add3A_536 = arith.addi %shift_left3A_529, %shift_left3A_535 : vector<16xi32>
      %shift_right_arithmetic3A_537 = arith.constant 14 : i32
      %shift_right_arithmetic3A_538 = vector.broadcast %shift_right_arithmetic3A_537 : i32 to vector<16xi32>
      %shift_right_arithmetic3A_539 = arith.shrsi %get3A_523, %shift_right_arithmetic3A_538 : vector<16xi32>
      %and3A_540 = arith.constant 1 : i32
      %and3A_541 = vector.broadcast %and3A_540 : i32 to vector<16xi32>
      %and3A_542 = arith.andi %shift_right_arithmetic3A_539, %and3A_541 : vector<16xi32>
      %add3A_543 = arith.addi %add3A_536, %and3A_542 : vector<16xi32>
      %swap3A_544 = arith.index_cast %scan3A_368 : i32 to index
      %swap3A_545 = arith.constant 96 : index
      %swap3A_546 = tpu.vector_load %arg5[%swap3A_544, %swap3A_545] {strides = array<i32>} : memref<200x128xi32, #tpu.memory_space<vmem>>, vector<16xi32>,
      tpu.vector_store %arg5[%swap3A_544, %swap3A_545], %add3A_543 {strides = array<i32>} : memref<200x128xi32, #tpu.memory_space<vmem>>, vector<16xi32>,
      %get3A_547 = arith.index_cast %scan3A_368 : i32 to index
      %get3A_548 = arith.constant 112 : index
      %get3A_549 = tpu.vector_load %arg5[%get3A_547, %get3A_548] {strides = array<i32>} : memref<200x128xi32, #tpu.memory_space<vmem>>, vector<16xi32>,
      %shift_right_arithmetic3A_550 = arith.constant 15 : i32
      %shift_right_arithmetic3A_551 = vector.broadcast %shift_right_arithmetic3A_550 : i32 to vector<16xi32>
      %shift_right_arithmetic3A_552 = arith.shrsi %get3A_549, %shift_right_arithmetic3A_551 : vector<16xi32>
      %shift_left3A_553 = arith.constant 15 : i32
      %shift_left3A_554 = vector.broadcast %shift_left3A_553 : i32 to vector<16xi32>
      %shift_left3A_555 = arith.shli %shift_right_arithmetic3A_552, %shift_left3A_554 : vector<16xi32>
      %and3A_556 = arith.constant 16383 : i32
      %and3A_557 = vector.broadcast %and3A_556 : i32 to vector<16xi32>
      %and3A_558 = arith.andi %get3A_549, %and3A_557 : vector<16xi32>
      %shift_left3A_559 = arith.constant 1 : i32
      %shift_left3A_560 = vector.broadcast %shift_left3A_559 : i32 to vector<16xi32>
      %shift_left3A_561 = arith.shli %and3A_558, %shift_left3A_560 : vector<16xi32>
      %add3A_562 = arith.addi %shift_left3A_555, %shift_left3A_561 : vector<16xi32>
      %shift_right_arithmetic3A_563 = arith.constant 14 : i32
      %shift_right_arithmetic3A_564 = vector.broadcast %shift_right_arithmetic3A_563 : i32 to vector<16xi32>
      %shift_right_arithmetic3A_565 = arith.shrsi %get3A_549, %shift_right_arithmetic3A_564 : vector<16xi32>
      %and3A_566 = arith.constant 1 : i32
      %and3A_567 = vector.broadcast %and3A_566 : i32 to vector<16xi32>
      %and3A_568 = arith.andi %shift_right_arithmetic3A_565, %and3A_567 : vector<16xi32>
      %add3A_569 = arith.addi %add3A_562, %and3A_568 : vector<16xi32>
      %swap3A_570 = arith.index_cast %scan3A_368 : i32 to index
      %swap3A_571 = arith.constant 112 : index
      %swap3A_572 = tpu.vector_load %arg5[%swap3A_570, %swap3A_571] {strides = array<i32>} : memref<200x128xi32, #tpu.memory_space<vmem>>, vector<16xi32>,
      tpu.vector_store %arg5[%swap3A_570, %swap3A_571], %add3A_569 {strides = array<i32>} : memref<200x128xi32, #tpu.memory_space<vmem>>, vector<16xi32>,
    }
    %scan3A_5 = arith.constant 200 : i32
    %iota3A = tpu.iota {dimensions = array<i32: 0>} : vector<16xi32>
    %add3A_6 = arith.constant 0 : i32
    %add3A_7 = vector.broadcast %add3A_6 : i32 to vector<16xi32>
    %add3A_8 = arith.addi %iota3A, %add3A_7 : vector<16xi32>
    %and3A = arith.constant 15 : i32
    %and3A_9 = vector.broadcast %and3A : i32 to vector<16xi32>
    %and3A_10 = arith.andi %add3A_8, %and3A_9 : vector<16xi32>
    %add3A_11 = arith.constant 1 : i32
    %add3A_12 = vector.broadcast %add3A_11 : i32 to vector<16xi32>
    %add3A_13 = arith.addi %iota3A, %add3A_12 : vector<16xi32>
    %and3A_14 = arith.constant 15 : i32
    %and3A_15 = vector.broadcast %and3A_14 : i32 to vector<16xi32>
    %and3A_16 = arith.andi %add3A_13, %and3A_15 : vector<16xi32>
    %add3A_17 = arith.constant 2 : i32
    %add3A_18 = vector.broadcast %add3A_17 : i32 to vector<16xi32>
    %add3A_19 = arith.addi %iota3A, %add3A_18 : vector<16xi32>
    %and3A_20 = arith.constant 15 : i32
    %and3A_21 = vector.broadcast %and3A_20 : i32 to vector<16xi32>
    %and3A_22 = arith.andi %add3A_19, %and3A_21 : vector<16xi32>
    %add3A_23 = arith.constant 3 : i32
    %add3A_24 = vector.broadcast %add3A_23 : i32 to vector<16xi32>
    %add3A_25 = arith.addi %iota3A, %add3A_24 : vector<16xi32>
    %and3A_26 = arith.constant 15 : i32
    %and3A_27 = vector.broadcast %and3A_26 : i32 to vector<16xi32>
    %and3A_28 = arith.andi %add3A_25, %and3A_27 : vector<16xi32>
    %add3A_29 = arith.constant 4 : i32
    %add3A_30 = vector.broadcast %add3A_29 : i32 to vector<16xi32>
    %add3A_31 = arith.addi %iota3A, %add3A_30 : vector<16xi32>
    %and3A_32 = arith.constant 15 : i32
    %and3A_33 = vector.broadcast %and3A_32 : i32 to vector<16xi32>
    %and3A_34 = arith.andi %add3A_31, %and3A_33 : vector<16xi32>
    %add3A_35 = arith.constant 5 : i32
    %add3A_36 = vector.broadcast %add3A_35 : i32 to vector<16xi32>
    %add3A_37 = arith.addi %iota3A, %add3A_36 : vector<16xi32>
    %and3A_38 = arith.constant 15 : i32
    %and3A_39 = vector.broadcast %and3A_38 : i32 to vector<16xi32>
    %and3A_40 = arith.andi %add3A_37, %and3A_39 : vector<16xi32>
    %add3A_41 = arith.constant 6 : i32
    %add3A_42 = vector.broadcast %add3A_41 : i32 to vector<16xi32>
    %add3A_43 = arith.addi %iota3A, %add3A_42 : vector<16xi32>
    %and3A_44 = arith.constant 15 : i32
    %and3A_45 = vector.broadcast %and3A_44 : i32 to vector<16xi32>
    %and3A_46 = arith.andi %add3A_43, %and3A_45 : vector<16xi32>
    %add3A_47 = arith.constant 7 : i32
    %add3A_48 = vector.broadcast %add3A_47 : i32 to vector<16xi32>
    %add3A_49 = arith.addi %iota3A, %add3A_48 : vector<16xi32>
    %and3A_50 = arith.constant 15 : i32
    %and3A_51 = vector.broadcast %and3A_50 : i32 to vector<16xi32>
    %and3A_52 = arith.andi %add3A_49, %and3A_51 : vector<16xi32>
    %add3A_53 = arith.constant 8 : i32
    %add3A_54 = vector.broadcast %add3A_53 : i32 to vector<16xi32>
    %add3A_55 = arith.addi %iota3A, %add3A_54 : vector<16xi32>
    %and3A_56 = arith.constant 15 : i32
    %and3A_57 = vector.broadcast %and3A_56 : i32 to vector<16xi32>
    %and3A_58 = arith.andi %add3A_55, %and3A_57 : vector<16xi32>
    %add3A_59 = arith.constant 9 : i32
    %add3A_60 = vector.broadcast %add3A_59 : i32 to vector<16xi32>
    %add3A_61 = arith.addi %iota3A, %add3A_60 : vector<16xi32>
    %and3A_62 = arith.constant 15 : i32
    %and3A_63 = vector.broadcast %and3A_62 : i32 to vector<16xi32>
    %and3A_64 = arith.andi %add3A_61, %and3A_63 : vector<16xi32>
    %add3A_65 = arith.constant 10 : i32
    %add3A_66 = vector.broadcast %add3A_65 : i32 to vector<16xi32>
    %add3A_67 = arith.addi %iota3A, %add3A_66 : vector<16xi32>
    %and3A_68 = arith.constant 15 : i32
    %and3A_69 = vector.broadcast %and3A_68 : i32 to vector<16xi32>
    %and3A_70 = arith.andi %add3A_67, %and3A_69 : vector<16xi32>
    %add3A_71 = arith.constant 11 : i32
    %add3A_72 = vector.broadcast %add3A_71 : i32 to vector<16xi32>
    %add3A_73 = arith.addi %iota3A, %add3A_72 : vector<16xi32>
    %and3A_74 = arith.constant 15 : i32
    %and3A_75 = vector.broadcast %and3A_74 : i32 to vector<16xi32>
    %and3A_76 = arith.andi %add3A_73, %and3A_75 : vector<16xi32>
    %add3A_77 = arith.constant 12 : i32
    %add3A_78 = vector.broadcast %add3A_77 : i32 to vector<16xi32>
    %add3A_79 = arith.addi %iota3A, %add3A_78 : vector<16xi32>
    %and3A_80 = arith.constant 15 : i32
    %and3A_81 = vector.broadcast %and3A_80 : i32 to vector<16xi32>
    %and3A_82 = arith.andi %add3A_79, %and3A_81 : vector<16xi32>
    %add3A_83 = arith.constant 13 : i32
    %add3A_84 = vector.broadcast %add3A_83 : i32 to vector<16xi32>
    %add3A_85 = arith.addi %iota3A, %add3A_84 : vector<16xi32>
    %and3A_86 = arith.constant 15 : i32
    %and3A_87 = vector.broadcast %and3A_86 : i32 to vector<16xi32>
    %and3A_88 = arith.andi %add3A_85, %and3A_87 : vector<16xi32>
    %add3A_89 = arith.constant 14 : i32
    %add3A_90 = vector.broadcast %add3A_89 : i32 to vector<16xi32>
    %add3A_91 = arith.addi %iota3A, %add3A_90 : vector<16xi32>
    %and3A_92 = arith.constant 15 : i32
    %and3A_93 = vector.broadcast %and3A_92 : i32 to vector<16xi32>
    %and3A_94 = arith.andi %add3A_91, %and3A_93 : vector<16xi32>
    %add3A_95 = arith.constant 15 : i32
    %add3A_96 = vector.broadcast %add3A_95 : i32 to vector<16xi32>
    %add3A_97 = arith.addi %iota3A, %add3A_96 : vector<16xi32>
    %and3A_98 = arith.constant 15 : i32
    %and3A_99 = vector.broadcast %and3A_98 : i32 to vector<16xi32>
    %and3A_100 = arith.andi %add3A_97, %and3A_99 : vector<16xi32>
    %dma_start3A = arith.constant 0 : i32
    %dma_start3A_101 = arith.constant 0 : i32
    %dma_start3A_102 = tpu.memref_slice %arg5[%dma_start3A, %dma_start3A_101] : memref<200x128xi32, #tpu.memory_space<vmem>> -> memref<1x128xi32, #tpu.memory_space<vmem>>
    %dma_start3A_103 = tpu.memref_squeeze %dma_start3A_102 : memref<1x128xi32, #tpu.memory_space<vmem>> -> memref<128xi32, #tpu.memory_space<vmem>>
    %dma_start3A_104 = arith.constant 0 : i32
    %dma_start3A_105 = arith.constant 0 : i32
    %dma_start3A_106 = tpu.memref_slice %arg3[%dma_start3A_104, %dma_start3A_105] : memref<1015808x64xf32, #tpu.memory_space<hbm>> -> memref<1015808x64xf32, #tpu.memory_space<hbm>>
    tpu.enqueue_indirect_dma source(%dma_start3A_106 : memref<1015808x64xf32, #tpu.memory_space<hbm>>) target(%arg6 : memref<128x64xf32, #tpu.memory_space<vmem>>) offsets(%dma_start3A_103 : memref<128xi32, #tpu.memory_space<vmem>>) semaphore(%arg10 : memref<!tpu.dma_semaphore, #tpu.memory_space<semaphore_mem>>)
    %scan3A_107 = arith.constant 0 : i32
    %scan3A_108 = arith.constant 0 : i32
    %scan3A_109 = arith.constant 100 : i32
    %scan3A_110 = arith.addi %scan3A_108, %scan3A_109 : i32
    %scan3A_111 = arith.constant 1 : i32
    scf.for %scan3A_368 = %scan3A_108 to %scan3A_110 step %scan3A_111  : i32 {
      %mul3A_369 = arith.constant 2 : i32
      %mul3A_370 = arith.muli %mul3A_369, %scan3A_368 : i32
      %dma_wait3A_371 = arith.constant 0 : i32
      %dma_wait3A_372 = arith.constant 0 : i32
      %dma_wait3A_373 = tpu.memref_slice %arg3[%dma_wait3A_371, %dma_wait3A_372] : memref<1015808x64xf32, #tpu.memory_space<hbm>> -> memref<128x64xf32, #tpu.memory_space<hbm>>
      %dma_wait3A_374 = arith.constant 0 : i32
      %dma_wait3A_375 = arith.constant 0 : i32
      %dma_wait3A_376 = tpu.memref_slice %arg3[%dma_wait3A_374, %dma_wait3A_375] : memref<1015808x64xf32, #tpu.memory_space<hbm>> -> memref<128x64xf32, #tpu.memory_space<hbm>>
      tpu.wait_dma2 semaphore(%arg10 : memref<!tpu.dma_semaphore, #tpu.memory_space<semaphore_mem>>) src(%dma_wait3A_376 : memref<128x64xf32, #tpu.memory_space<hbm>>) dst(%arg6 : memref<128x64xf32, #tpu.memory_space<vmem>>)
      %add3A_377 = arith.constant 1 : i32
      %add3A_378 = arith.addi %mul3A_370, %add3A_377 : i32
      %dma_start3A_379 = arith.constant 0 : i32
      %dma_start3A_380 = tpu.memref_slice %arg5[%add3A_378, %dma_start3A_379] : memref<200x128xi32, #tpu.memory_space<vmem>> -> memref<1x128xi32, #tpu.memory_space<vmem>>
      %dma_start3A_381 = tpu.memref_squeeze %dma_start3A_380 : memref<1x128xi32, #tpu.memory_space<vmem>> -> memref<128xi32, #tpu.memory_space<vmem>>
      %dma_start3A_382 = arith.constant 0 : i32
      %dma_start3A_383 = arith.constant 0 : i32
      %dma_start3A_384 = tpu.memref_slice %arg3[%dma_start3A_382, %dma_start3A_383] : memref<1015808x64xf32, #tpu.memory_space<hbm>> -> memref<1015808x64xf32, #tpu.memory_space<hbm>>
      tpu.enqueue_indirect_dma source(%dma_start3A_384 : memref<1015808x64xf32, #tpu.memory_space<hbm>>) target(%arg7 : memref<128x64xf32, #tpu.memory_space<vmem>>) offsets(%dma_start3A_381 : memref<128xi32, #tpu.memory_space<vmem>>) semaphore(%arg10 : memref<!tpu.dma_semaphore, #tpu.memory_space<semaphore_mem>>)
      %gt3A = arith.constant 0 : i32
      %gt3A_385 = arith.cmpi sgt, %scan3A_368, %gt3A : i32
      %convert_element_type3A = arith.extui %gt3A_385 : i1 to i32
      %cond3A = arith.constant 0 : i32
      %cond3A_386 = arith.cmpi ne, %convert_element_type3A, %cond3A : i32
      scf.if %cond3A_386 {
        %dma_wait3A_649 = arith.constant 0 : i32
        %dma_wait3A_650 = arith.constant 0 : i32
        %dma_wait3A_651 = arith.constant 0 : i32
        %dma_wait3A_652 = arith.constant 0 : i32
        %dma_wait3A_653 = tpu.memref_slice %arg8[%dma_wait3A_651, %dma_wait3A_652] : memref<64x128xf32, #tpu.memory_space<vmem>> -> memref<8x128xf32, #tpu.memory_space<vmem>>
        %dma_wait3A_654 = arith.constant 0 : i32
        %dma_wait3A_655 = arith.constant 0 : i32
        %dma_wait3A_656 = tpu.memref_slice %arg4[%dma_wait3A_649, %dma_wait3A_650, %add3A, %dma_wait3A_654, %dma_wait3A_655] : memref<200x8x32x8x128xf32, #tpu.memory_space<hbm>> -> memref<1x1x1x8x128xf32, #tpu.memory_space<hbm>>
        %dma_wait3A_657 = tpu.memref_squeeze %dma_wait3A_656 : memref<1x1x1x8x128xf32, #tpu.memory_space<hbm>> -> memref<8x128xf32, #tpu.memory_space<hbm>>
        %dma_wait3A_658 = arith.constant 0 : i32
        %dma_wait3A_659 = arith.constant 0 : i32
        %dma_wait3A_660 = tpu.memref_slice %arg4[%dma_wait3A_649, %dma_wait3A_650, %add3A, %dma_wait3A_658, %dma_wait3A_659] : memref<200x8x32x8x128xf32, #tpu.memory_space<hbm>> -> memref<1x1x1x8x128xf32, #tpu.memory_space<hbm>>
        %dma_wait3A_661 = tpu.memref_squeeze %dma_wait3A_660 : memref<1x1x1x8x128xf32, #tpu.memory_space<hbm>> -> memref<8x128xf32, #tpu.memory_space<hbm>>
        %dma_wait3A_662 = arith.constant 0 : i32
        %dma_wait3A_663 = arith.constant 0 : i32
        %dma_wait3A_664 = tpu.memref_slice %arg8[%dma_wait3A_662, %dma_wait3A_663] : memref<64x128xf32, #tpu.memory_space<vmem>> -> memref<8x128xf32, #tpu.memory_space<vmem>>
        tpu.wait_dma2 semaphore(%arg11 : memref<!tpu.dma_semaphore, #tpu.memory_space<semaphore_mem>>) src(%dma_wait3A_664 : memref<8x128xf32, #tpu.memory_space<vmem>>) dst(%dma_wait3A_661 : memref<8x128xf32, #tpu.memory_space<hbm>>)
        %dma_wait3A_665 = arith.constant 0 : i32
        %dma_wait3A_666 = arith.constant 1 : i32
        %dma_wait3A_667 = arith.constant 8 : i32
        %dma_wait3A_668 = arith.constant 0 : i32
        %dma_wait3A_669 = tpu.memref_slice %arg8[%dma_wait3A_667, %dma_wait3A_668] : memref<64x128xf32, #tpu.memory_space<vmem>> -> memref<8x128xf32, #tpu.memory_space<vmem>>
        %dma_wait3A_670 = arith.constant 0 : i32
        %dma_wait3A_671 = arith.constant 0 : i32
        %dma_wait3A_672 = tpu.memref_slice %arg4[%dma_wait3A_665, %dma_wait3A_666, %add3A, %dma_wait3A_670, %dma_wait3A_671] : memref<200x8x32x8x128xf32, #tpu.memory_space<hbm>> -> memref<1x1x1x8x128xf32, #tpu.memory_space<hbm>>
        %dma_wait3A_673 = tpu.memref_squeeze %dma_wait3A_672 : memref<1x1x1x8x128xf32, #tpu.memory_space<hbm>> -> memref<8x128xf32, #tpu.memory_space<hbm>>
        %dma_wait3A_674 = arith.constant 0 : i32
        %dma_wait3A_675 = arith.constant 0 : i32
        %dma_wait3A_676 = tpu.memref_slice %arg4[%dma_wait3A_665, %dma_wait3A_666, %add3A, %dma_wait3A_674, %dma_wait3A_675] : memref<200x8x32x8x128xf32, #tpu.memory_space<hbm>> -> memref<1x1x1x8x128xf32, #tpu.memory_space<hbm>>
        %dma_wait3A_677 = tpu.memref_squeeze %dma_wait3A_676 : memref<1x1x1x8x128xf32, #tpu.memory_space<hbm>> -> memref<8x128xf32, #tpu.memory_space<hbm>>
        %dma_wait3A_678 = arith.constant 8 : i32
        %dma_wait3A_679 = arith.constant 0 : i32
        %dma_wait3A_680 = tpu.memref_slice %arg8[%dma_wait3A_678, %dma_wait3A_679] : memref<64x128xf32, #tpu.memory_space<vmem>> -> memref<8x128xf32, #tpu.memory_space<vmem>>
        tpu.wait_dma2 semaphore(%arg11 : memref<!tpu.dma_semaphore, #tpu.memory_space<semaphore_mem>>) src(%dma_wait3A_680 : memref<8x128xf32, #tpu.memory_space<vmem>>) dst(%dma_wait3A_677 : memref<8x128xf32, #tpu.memory_space<hbm>>)
        %dma_wait3A_681 = arith.constant 0 : i32
        %dma_wait3A_682 = arith.constant 2 : i32
        %dma_wait3A_683 = arith.constant 16 : i32
        %dma_wait3A_684 = arith.constant 0 : i32
        %dma_wait3A_685 = tpu.memref_slice %arg8[%dma_wait3A_683, %dma_wait3A_684] : memref<64x128xf32, #tpu.memory_space<vmem>> -> memref<8x128xf32, #tpu.memory_space<vmem>>
        %dma_wait3A_686 = arith.constant 0 : i32
        %dma_wait3A_687 = arith.constant 0 : i32
        %dma_wait3A_688 = tpu.memref_slice %arg4[%dma_wait3A_681, %dma_wait3A_682, %add3A, %dma_wait3A_686, %dma_wait3A_687] : memref<200x8x32x8x128xf32, #tpu.memory_space<hbm>> -> memref<1x1x1x8x128xf32, #tpu.memory_space<hbm>>
        %dma_wait3A_689 = tpu.memref_squeeze %dma_wait3A_688 : memref<1x1x1x8x128xf32, #tpu.memory_space<hbm>> -> memref<8x128xf32, #tpu.memory_space<hbm>>
        %dma_wait3A_690 = arith.constant 0 : i32
        %dma_wait3A_691 = arith.constant 0 : i32
        %dma_wait3A_692 = tpu.memref_slice %arg4[%dma_wait3A_681, %dma_wait3A_682, %add3A, %dma_wait3A_690, %dma_wait3A_691] : memref<200x8x32x8x128xf32, #tpu.memory_space<hbm>> -> memref<1x1x1x8x128xf32, #tpu.memory_space<hbm>>
        %dma_wait3A_693 = tpu.memref_squeeze %dma_wait3A_692 : memref<1x1x1x8x128xf32, #tpu.memory_space<hbm>> -> memref<8x128xf32, #tpu.memory_space<hbm>>
        %dma_wait3A_694 = arith.constant 16 : i32
        %dma_wait3A_695 = arith.constant 0 : i32
        %dma_wait3A_696 = tpu.memref_slice %arg8[%dma_wait3A_694, %dma_wait3A_695] : memref<64x128xf32, #tpu.memory_space<vmem>> -> memref<8x128xf32, #tpu.memory_space<vmem>>
        tpu.wait_dma2 semaphore(%arg11 : memref<!tpu.dma_semaphore, #tpu.memory_space<semaphore_mem>>) src(%dma_wait3A_696 : memref<8x128xf32, #tpu.memory_space<vmem>>) dst(%dma_wait3A_693 : memref<8x128xf32, #tpu.memory_space<hbm>>)
        %dma_wait3A_697 = arith.constant 0 : i32
        %dma_wait3A_698 = arith.constant 3 : i32
        %dma_wait3A_699 = arith.constant 24 : i32
        %dma_wait3A_700 = arith.constant 0 : i32
        %dma_wait3A_701 = tpu.memref_slice %arg8[%dma_wait3A_699, %dma_wait3A_700] : memref<64x128xf32, #tpu.memory_space<vmem>> -> memref<8x128xf32, #tpu.memory_space<vmem>>
        %dma_wait3A_702 = arith.constant 0 : i32
        %dma_wait3A_703 = arith.constant 0 : i32
        %dma_wait3A_704 = tpu.memref_slice %arg4[%dma_wait3A_697, %dma_wait3A_698, %add3A, %dma_wait3A_702, %dma_wait3A_703] : memref<200x8x32x8x128xf32, #tpu.memory_space<hbm>> -> memref<1x1x1x8x128xf32, #tpu.memory_space<hbm>>
        %dma_wait3A_705 = tpu.memref_squeeze %dma_wait3A_704 : memref<1x1x1x8x128xf32, #tpu.memory_space<hbm>> -> memref<8x128xf32, #tpu.memory_space<hbm>>
        %dma_wait3A_706 = arith.constant 0 : i32
        %dma_wait3A_707 = arith.constant 0 : i32
        %dma_wait3A_708 = tpu.memref_slice %arg4[%dma_wait3A_697, %dma_wait3A_698, %add3A, %dma_wait3A_706, %dma_wait3A_707] : memref<200x8x32x8x128xf32, #tpu.memory_space<hbm>> -> memref<1x1x1x8x128xf32, #tpu.memory_space<hbm>>
        %dma_wait3A_709 = tpu.memref_squeeze %dma_wait3A_708 : memref<1x1x1x8x128xf32, #tpu.memory_space<hbm>> -> memref<8x128xf32, #tpu.memory_space<hbm>>
        %dma_wait3A_710 = arith.constant 24 : i32
        %dma_wait3A_711 = arith.constant 0 : i32
        %dma_wait3A_712 = tpu.memref_slice %arg8[%dma_wait3A_710, %dma_wait3A_711] : memref<64x128xf32, #tpu.memory_space<vmem>> -> memref<8x128xf32, #tpu.memory_space<vmem>>
        tpu.wait_dma2 semaphore(%arg11 : memref<!tpu.dma_semaphore, #tpu.memory_space<semaphore_mem>>) src(%dma_wait3A_712 : memref<8x128xf32, #tpu.memory_space<vmem>>) dst(%dma_wait3A_709 : memref<8x128xf32, #tpu.memory_space<hbm>>)
        %dma_wait3A_713 = arith.constant 0 : i32
        %dma_wait3A_714 = arith.constant 4 : i32
        %dma_wait3A_715 = arith.constant 32 : i32
        %dma_wait3A_716 = arith.constant 0 : i32
        %dma_wait3A_717 = tpu.memref_slice %arg8[%dma_wait3A_715, %dma_wait3A_716] : memref<64x128xf32, #tpu.memory_space<vmem>> -> memref<8x128xf32, #tpu.memory_space<vmem>>
        %dma_wait3A_718 = arith.constant 0 : i32
        %dma_wait3A_719 = arith.constant 0 : i32
        %dma_wait3A_720 = tpu.memref_slice %arg4[%dma_wait3A_713, %dma_wait3A_714, %add3A, %dma_wait3A_718, %dma_wait3A_719] : memref<200x8x32x8x128xf32, #tpu.memory_space<hbm>> -> memref<1x1x1x8x128xf32, #tpu.memory_space<hbm>>
        %dma_wait3A_721 = tpu.memref_squeeze %dma_wait3A_720 : memref<1x1x1x8x128xf32, #tpu.memory_space<hbm>> -> memref<8x128xf32, #tpu.memory_space<hbm>>
        %dma_wait3A_722 = arith.constant 0 : i32
        %dma_wait3A_723 = arith.constant 0 : i32
        %dma_wait3A_724 = tpu.memref_slice %arg4[%dma_wait3A_713, %dma_wait3A_714, %add3A, %dma_wait3A_722, %dma_wait3A_723] : memref<200x8x32x8x128xf32, #tpu.memory_space<hbm>> -> memref<1x1x1x8x128xf32, #tpu.memory_space<hbm>>
        %dma_wait3A_725 = tpu.memref_squeeze %dma_wait3A_724 : memref<1x1x1x8x128xf32, #tpu.memory_space<hbm>> -> memref<8x128xf32, #tpu.memory_space<hbm>>
        %dma_wait3A_726 = arith.constant 32 : i32
        %dma_wait3A_727 = arith.constant 0 : i32
        %dma_wait3A_728 = tpu.memref_slice %arg8[%dma_wait3A_726, %dma_wait3A_727] : memref<64x128xf32, #tpu.memory_space<vmem>> -> memref<8x128xf32, #tpu.memory_space<vmem>>
        tpu.wait_dma2 semaphore(%arg11 : memref<!tpu.dma_semaphore, #tpu.memory_space<semaphore_mem>>) src(%dma_wait3A_728 : memref<8x128xf32, #tpu.memory_space<vmem>>) dst(%dma_wait3A_725 : memref<8x128xf32, #tpu.memory_space<hbm>>)
        %dma_wait3A_729 = arith.constant 0 : i32
        %dma_wait3A_730 = arith.constant 5 : i32
        %dma_wait3A_731 = arith.constant 40 : i32
        %dma_wait3A_732 = arith.constant 0 : i32
        %dma_wait3A_733 = tpu.memref_slice %arg8[%dma_wait3A_731, %dma_wait3A_732] : memref<64x128xf32, #tpu.memory_space<vmem>> -> memref<8x128xf32, #tpu.memory_space<vmem>>
        %dma_wait3A_734 = arith.constant 0 : i32
        %dma_wait3A_735 = arith.constant 0 : i32
        %dma_wait3A_736 = tpu.memref_slice %arg4[%dma_wait3A_729, %dma_wait3A_730, %add3A, %dma_wait3A_734, %dma_wait3A_735] : memref<200x8x32x8x128xf32, #tpu.memory_space<hbm>> -> memref<1x1x1x8x128xf32, #tpu.memory_space<hbm>>
        %dma_wait3A_737 = tpu.memref_squeeze %dma_wait3A_736 : memref<1x1x1x8x128xf32, #tpu.memory_space<hbm>> -> memref<8x128xf32, #tpu.memory_space<hbm>>
        %dma_wait3A_738 = arith.constant 0 : i32
        %dma_wait3A_739 = arith.constant 0 : i32
        %dma_wait3A_740 = tpu.memref_slice %arg4[%dma_wait3A_729, %dma_wait3A_730, %add3A, %dma_wait3A_738, %dma_wait3A_739] : memref<200x8x32x8x128xf32, #tpu.memory_space<hbm>> -> memref<1x1x1x8x128xf32, #tpu.memory_space<hbm>>
        %dma_wait3A_741 = tpu.memref_squeeze %dma_wait3A_740 : memref<1x1x1x8x128xf32, #tpu.memory_space<hbm>> -> memref<8x128xf32, #tpu.memory_space<hbm>>
        %dma_wait3A_742 = arith.constant 40 : i32
        %dma_wait3A_743 = arith.constant 0 : i32
        %dma_wait3A_744 = tpu.memref_slice %arg8[%dma_wait3A_742, %dma_wait3A_743] : memref<64x128xf32, #tpu.memory_space<vmem>> -> memref<8x128xf32, #tpu.memory_space<vmem>>
        tpu.wait_dma2 semaphore(%arg11 : memref<!tpu.dma_semaphore, #tpu.memory_space<semaphore_mem>>) src(%dma_wait3A_744 : memref<8x128xf32, #tpu.memory_space<vmem>>) dst(%dma_wait3A_741 : memref<8x128xf32, #tpu.memory_space<hbm>>)
        %dma_wait3A_745 = arith.constant 0 : i32
        %dma_wait3A_746 = arith.constant 6 : i32
        %dma_wait3A_747 = arith.constant 48 : i32
        %dma_wait3A_748 = arith.constant 0 : i32
        %dma_wait3A_749 = tpu.memref_slice %arg8[%dma_wait3A_747, %dma_wait3A_748] : memref<64x128xf32, #tpu.memory_space<vmem>> -> memref<8x128xf32, #tpu.memory_space<vmem>>
        %dma_wait3A_750 = arith.constant 0 : i32
        %dma_wait3A_751 = arith.constant 0 : i32
        %dma_wait3A_752 = tpu.memref_slice %arg4[%dma_wait3A_745, %dma_wait3A_746, %add3A, %dma_wait3A_750, %dma_wait3A_751] : memref<200x8x32x8x128xf32, #tpu.memory_space<hbm>> -> memref<1x1x1x8x128xf32, #tpu.memory_space<hbm>>
        %dma_wait3A_753 = tpu.memref_squeeze %dma_wait3A_752 : memref<1x1x1x8x128xf32, #tpu.memory_space<hbm>> -> memref<8x128xf32, #tpu.memory_space<hbm>>
        %dma_wait3A_754 = arith.constant 0 : i32
        %dma_wait3A_755 = arith.constant 0 : i32
        %dma_wait3A_756 = tpu.memref_slice %arg4[%dma_wait3A_745, %dma_wait3A_746, %add3A, %dma_wait3A_754, %dma_wait3A_755] : memref<200x8x32x8x128xf32, #tpu.memory_space<hbm>> -> memref<1x1x1x8x128xf32, #tpu.memory_space<hbm>>
        %dma_wait3A_757 = tpu.memref_squeeze %dma_wait3A_756 : memref<1x1x1x8x128xf32, #tpu.memory_space<hbm>> -> memref<8x128xf32, #tpu.memory_space<hbm>>
        %dma_wait3A_758 = arith.constant 48 : i32
        %dma_wait3A_759 = arith.constant 0 : i32
        %dma_wait3A_760 = tpu.memref_slice %arg8[%dma_wait3A_758, %dma_wait3A_759] : memref<64x128xf32, #tpu.memory_space<vmem>> -> memref<8x128xf32, #tpu.memory_space<vmem>>
        tpu.wait_dma2 semaphore(%arg11 : memref<!tpu.dma_semaphore, #tpu.memory_space<semaphore_mem>>) src(%dma_wait3A_760 : memref<8x128xf32, #tpu.memory_space<vmem>>) dst(%dma_wait3A_757 : memref<8x128xf32, #tpu.memory_space<hbm>>)
        %dma_wait3A_761 = arith.constant 0 : i32
        %dma_wait3A_762 = arith.constant 7 : i32
        %dma_wait3A_763 = arith.constant 56 : i32
        %dma_wait3A_764 = arith.constant 0 : i32
        %dma_wait3A_765 = tpu.memref_slice %arg8[%dma_wait3A_763, %dma_wait3A_764] : memref<64x128xf32, #tpu.memory_space<vmem>> -> memref<8x128xf32, #tpu.memory_space<vmem>>
        %dma_wait3A_766 = arith.constant 0 : i32
        %dma_wait3A_767 = arith.constant 0 : i32
        %dma_wait3A_768 = tpu.memref_slice %arg4[%dma_wait3A_761, %dma_wait3A_762, %add3A, %dma_wait3A_766, %dma_wait3A_767] : memref<200x8x32x8x128xf32, #tpu.memory_space<hbm>> -> memref<1x1x1x8x128xf32, #tpu.memory_space<hbm>>
        %dma_wait3A_769 = tpu.memref_squeeze %dma_wait3A_768 : memref<1x1x1x8x128xf32, #tpu.memory_space<hbm>> -> memref<8x128xf32, #tpu.memory_space<hbm>>
        %dma_wait3A_770 = arith.constant 0 : i32
        %dma_wait3A_771 = arith.constant 0 : i32
        %dma_wait3A_772 = tpu.memref_slice %arg4[%dma_wait3A_761, %dma_wait3A_762, %add3A, %dma_wait3A_770, %dma_wait3A_771] : memref<200x8x32x8x128xf32, #tpu.memory_space<hbm>> -> memref<1x1x1x8x128xf32, #tpu.memory_space<hbm>>
        %dma_wait3A_773 = tpu.memref_squeeze %dma_wait3A_772 : memref<1x1x1x8x128xf32, #tpu.memory_space<hbm>> -> memref<8x128xf32, #tpu.memory_space<hbm>>
        %dma_wait3A_774 = arith.constant 56 : i32
        %dma_wait3A_775 = arith.constant 0 : i32
        %dma_wait3A_776 = tpu.memref_slice %arg8[%dma_wait3A_774, %dma_wait3A_775] : memref<64x128xf32, #tpu.memory_space<vmem>> -> memref<8x128xf32, #tpu.memory_space<vmem>>
        tpu.wait_dma2 semaphore(%arg11 : memref<!tpu.dma_semaphore, #tpu.memory_space<semaphore_mem>>) src(%dma_wait3A_776 : memref<8x128xf32, #tpu.memory_space<vmem>>) dst(%dma_wait3A_773 : memref<8x128xf32, #tpu.memory_space<hbm>>)
      } else {
      }
      %parallel_loop3A = arith.constant 0 : i32
      %parallel_loop3A_387 = arith.constant 32 : i32
      %parallel_loop3A_388 = arith.constant 1 : i32
      scf.for %parallel_loop3A_649 = %parallel_loop3A to %parallel_loop3A_387 step %parallel_loop3A_388  : i32 {
        %parallel_loop3A_650 = arith.constant 2 : i32
        %parallel_loop3A_651 = arith.shrsi %parallel_loop3A_649, %parallel_loop3A_650 : i32
        %parallel_loop3A_652 = arith.constant 4 : i32
        %parallel_loop3A_653 = arith.shli %parallel_loop3A_651, %parallel_loop3A_652 : i32
        %parallel_loop3A_654 = arith.constant 3 : i32
        %parallel_loop3A_655 = arith.andi %parallel_loop3A_649, %parallel_loop3A_654 : i32
        %parallel_loop3A_656 = arith.constant 4 : i32
        %parallel_loop3A_657 = arith.shli %parallel_loop3A_655, %parallel_loop3A_656 : i32
        %parallel_loop3A_658 = vector.broadcast %parallel_loop3A_653 : i32 to vector<16xi32>
        %parallel_loop3A_659 = arith.addi %iota3A, %parallel_loop3A_658 : vector<16xi32>
        %parallel_loop3A_660 = vector.broadcast %parallel_loop3A_657 : i32 to vector<16xi32>
        %parallel_loop3A_661 = arith.addi %and3A_10, %parallel_loop3A_660 : vector<16xi32>
        %parallel_loop3A_662 = tpu.vector_load_idx %arg6[%parallel_loop3A_659, %parallel_loop3A_661] : memref<128x64xf32, #tpu.memory_space<vmem>>[vector<16xi32>, vector<16xi32>], vector<16xf32>,
        tpu.vector_store_idx %arg8[%parallel_loop3A_661, %parallel_loop3A_659], %parallel_loop3A_662 : memref<64x128xf32, #tpu.memory_space<vmem>>[vector<16xi32>, vector<16xi32>], vector<16xf32>,
        %parallel_loop3A_663 = vector.broadcast %parallel_loop3A_657 : i32 to vector<16xi32>
        %parallel_loop3A_664 = arith.addi %and3A_16, %parallel_loop3A_663 : vector<16xi32>
        %parallel_loop3A_665 = tpu.vector_load_idx %arg6[%parallel_loop3A_659, %parallel_loop3A_664] : memref<128x64xf32, #tpu.memory_space<vmem>>[vector<16xi32>, vector<16xi32>], vector<16xf32>,
        tpu.vector_store_idx %arg8[%parallel_loop3A_664, %parallel_loop3A_659], %parallel_loop3A_665 : memref<64x128xf32, #tpu.memory_space<vmem>>[vector<16xi32>, vector<16xi32>], vector<16xf32>,
        %parallel_loop3A_666 = vector.broadcast %parallel_loop3A_657 : i32 to vector<16xi32>
        %parallel_loop3A_667 = arith.addi %and3A_22, %parallel_loop3A_666 : vector<16xi32>
        %parallel_loop3A_668 = tpu.vector_load_idx %arg6[%parallel_loop3A_659, %parallel_loop3A_667] : memref<128x64xf32, #tpu.memory_space<vmem>>[vector<16xi32>, vector<16xi32>], vector<16xf32>,
        tpu.vector_store_idx %arg8[%parallel_loop3A_667, %parallel_loop3A_659], %parallel_loop3A_668 : memref<64x128xf32, #tpu.memory_space<vmem>>[vector<16xi32>, vector<16xi32>], vector<16xf32>,
        %parallel_loop3A_669 = vector.broadcast %parallel_loop3A_657 : i32 to vector<16xi32>
        %parallel_loop3A_670 = arith.addi %and3A_28, %parallel_loop3A_669 : vector<16xi32>
        %parallel_loop3A_671 = tpu.vector_load_idx %arg6[%parallel_loop3A_659, %parallel_loop3A_670] : memref<128x64xf32, #tpu.memory_space<vmem>>[vector<16xi32>, vector<16xi32>], vector<16xf32>,
        tpu.vector_store_idx %arg8[%parallel_loop3A_670, %parallel_loop3A_659], %parallel_loop3A_671 : memref<64x128xf32, #tpu.memory_space<vmem>>[vector<16xi32>, vector<16xi32>], vector<16xf32>,
        %parallel_loop3A_672 = vector.broadcast %parallel_loop3A_657 : i32 to vector<16xi32>
        %parallel_loop3A_673 = arith.addi %and3A_34, %parallel_loop3A_672 : vector<16xi32>
        %parallel_loop3A_674 = tpu.vector_load_idx %arg6[%parallel_loop3A_659, %parallel_loop3A_673] : memref<128x64xf32, #tpu.memory_space<vmem>>[vector<16xi32>, vector<16xi32>], vector<16xf32>,
        tpu.vector_store_idx %arg8[%parallel_loop3A_673, %parallel_loop3A_659], %parallel_loop3A_674 : memref<64x128xf32, #tpu.memory_space<vmem>>[vector<16xi32>, vector<16xi32>], vector<16xf32>,
        %parallel_loop3A_675 = vector.broadcast %parallel_loop3A_657 : i32 to vector<16xi32>
        %parallel_loop3A_676 = arith.addi %and3A_40, %parallel_loop3A_675 : vector<16xi32>
        %parallel_loop3A_677 = tpu.vector_load_idx %arg6[%parallel_loop3A_659, %parallel_loop3A_676] : memref<128x64xf32, #tpu.memory_space<vmem>>[vector<16xi32>, vector<16xi32>], vector<16xf32>,
        tpu.vector_store_idx %arg8[%parallel_loop3A_676, %parallel_loop3A_659], %parallel_loop3A_677 : memref<64x128xf32, #tpu.memory_space<vmem>>[vector<16xi32>, vector<16xi32>], vector<16xf32>,
        %parallel_loop3A_678 = vector.broadcast %parallel_loop3A_657 : i32 to vector<16xi32>
        %parallel_loop3A_679 = arith.addi %and3A_46, %parallel_loop3A_678 : vector<16xi32>
        %parallel_loop3A_680 = tpu.vector_load_idx %arg6[%parallel_loop3A_659, %parallel_loop3A_679] : memref<128x64xf32, #tpu.memory_space<vmem>>[vector<16xi32>, vector<16xi32>], vector<16xf32>,
        tpu.vector_store_idx %arg8[%parallel_loop3A_679, %parallel_loop3A_659], %parallel_loop3A_680 : memref<64x128xf32, #tpu.memory_space<vmem>>[vector<16xi32>, vector<16xi32>], vector<16xf32>,
        %parallel_loop3A_681 = vector.broadcast %parallel_loop3A_657 : i32 to vector<16xi32>
        %parallel_loop3A_682 = arith.addi %and3A_52, %parallel_loop3A_681 : vector<16xi32>
        %parallel_loop3A_683 = tpu.vector_load_idx %arg6[%parallel_loop3A_659, %parallel_loop3A_682] : memref<128x64xf32, #tpu.memory_space<vmem>>[vector<16xi32>, vector<16xi32>], vector<16xf32>,
        tpu.vector_store_idx %arg8[%parallel_loop3A_682, %parallel_loop3A_659], %parallel_loop3A_683 : memref<64x128xf32, #tpu.memory_space<vmem>>[vector<16xi32>, vector<16xi32>], vector<16xf32>,
        %parallel_loop3A_684 = vector.broadcast %parallel_loop3A_657 : i32 to vector<16xi32>
        %parallel_loop3A_685 = arith.addi %and3A_58, %parallel_loop3A_684 : vector<16xi32>
        %parallel_loop3A_686 = tpu.vector_load_idx %arg6[%parallel_loop3A_659, %parallel_loop3A_685] : memref<128x64xf32, #tpu.memory_space<vmem>>[vector<16xi32>, vector<16xi32>], vector<16xf32>,
        tpu.vector_store_idx %arg8[%parallel_loop3A_685, %parallel_loop3A_659], %parallel_loop3A_686 : memref<64x128xf32, #tpu.memory_space<vmem>>[vector<16xi32>, vector<16xi32>], vector<16xf32>,
        %parallel_loop3A_687 = vector.broadcast %parallel_loop3A_657 : i32 to vector<16xi32>
        %parallel_loop3A_688 = arith.addi %and3A_64, %parallel_loop3A_687 : vector<16xi32>
        %parallel_loop3A_689 = tpu.vector_load_idx %arg6[%parallel_loop3A_659, %parallel_loop3A_688] : memref<128x64xf32, #tpu.memory_space<vmem>>[vector<16xi32>, vector<16xi32>], vector<16xf32>,
        tpu.vector_store_idx %arg8[%parallel_loop3A_688, %parallel_loop3A_659], %parallel_loop3A_689 : memref<64x128xf32, #tpu.memory_space<vmem>>[vector<16xi32>, vector<16xi32>], vector<16xf32>,
        %parallel_loop3A_690 = vector.broadcast %parallel_loop3A_657 : i32 to vector<16xi32>
        %parallel_loop3A_691 = arith.addi %and3A_70, %parallel_loop3A_690 : vector<16xi32>
        %parallel_loop3A_692 = tpu.vector_load_idx %arg6[%parallel_loop3A_659, %parallel_loop3A_691] : memref<128x64xf32, #tpu.memory_space<vmem>>[vector<16xi32>, vector<16xi32>], vector<16xf32>,
        tpu.vector_store_idx %arg8[%parallel_loop3A_691, %parallel_loop3A_659], %parallel_loop3A_692 : memref<64x128xf32, #tpu.memory_space<vmem>>[vector<16xi32>, vector<16xi32>], vector<16xf32>,
        %parallel_loop3A_693 = vector.broadcast %parallel_loop3A_657 : i32 to vector<16xi32>
        %parallel_loop3A_694 = arith.addi %and3A_76, %parallel_loop3A_693 : vector<16xi32>
        %parallel_loop3A_695 = tpu.vector_load_idx %arg6[%parallel_loop3A_659, %parallel_loop3A_694] : memref<128x64xf32, #tpu.memory_space<vmem>>[vector<16xi32>, vector<16xi32>], vector<16xf32>,
        tpu.vector_store_idx %arg8[%parallel_loop3A_694, %parallel_loop3A_659], %parallel_loop3A_695 : memref<64x128xf32, #tpu.memory_space<vmem>>[vector<16xi32>, vector<16xi32>], vector<16xf32>,
        %parallel_loop3A_696 = vector.broadcast %parallel_loop3A_657 : i32 to vector<16xi32>
        %parallel_loop3A_697 = arith.addi %and3A_82, %parallel_loop3A_696 : vector<16xi32>
        %parallel_loop3A_698 = tpu.vector_load_idx %arg6[%parallel_loop3A_659, %parallel_loop3A_697] : memref<128x64xf32, #tpu.memory_space<vmem>>[vector<16xi32>, vector<16xi32>], vector<16xf32>,
        tpu.vector_store_idx %arg8[%parallel_loop3A_697, %parallel_loop3A_659], %parallel_loop3A_698 : memref<64x128xf32, #tpu.memory_space<vmem>>[vector<16xi32>, vector<16xi32>], vector<16xf32>,
        %parallel_loop3A_699 = vector.broadcast %parallel_loop3A_657 : i32 to vector<16xi32>
        %parallel_loop3A_700 = arith.addi %and3A_88, %parallel_loop3A_699 : vector<16xi32>
        %parallel_loop3A_701 = tpu.vector_load_idx %arg6[%parallel_loop3A_659, %parallel_loop3A_700] : memref<128x64xf32, #tpu.memory_space<vmem>>[vector<16xi32>, vector<16xi32>], vector<16xf32>,
        tpu.vector_store_idx %arg8[%parallel_loop3A_700, %parallel_loop3A_659], %parallel_loop3A_701 : memref<64x128xf32, #tpu.memory_space<vmem>>[vector<16xi32>, vector<16xi32>], vector<16xf32>,
        %parallel_loop3A_702 = vector.broadcast %parallel_loop3A_657 : i32 to vector<16xi32>
        %parallel_loop3A_703 = arith.addi %and3A_94, %parallel_loop3A_702 : vector<16xi32>
        %parallel_loop3A_704 = tpu.vector_load_idx %arg6[%parallel_loop3A_659, %parallel_loop3A_703] : memref<128x64xf32, #tpu.memory_space<vmem>>[vector<16xi32>, vector<16xi32>], vector<16xf32>,
        tpu.vector_store_idx %arg8[%parallel_loop3A_703, %parallel_loop3A_659], %parallel_loop3A_704 : memref<64x128xf32, #tpu.memory_space<vmem>>[vector<16xi32>, vector<16xi32>], vector<16xf32>,
        %parallel_loop3A_705 = vector.broadcast %parallel_loop3A_657 : i32 to vector<16xi32>
        %parallel_loop3A_706 = arith.addi %and3A_100, %parallel_loop3A_705 : vector<16xi32>
        %parallel_loop3A_707 = tpu.vector_load_idx %arg6[%parallel_loop3A_659, %parallel_loop3A_706] : memref<128x64xf32, #tpu.memory_space<vmem>>[vector<16xi32>, vector<16xi32>], vector<16xf32>,
        tpu.vector_store_idx %arg8[%parallel_loop3A_706, %parallel_loop3A_659], %parallel_loop3A_707 : memref<64x128xf32, #tpu.memory_space<vmem>>[vector<16xi32>, vector<16xi32>], vector<16xf32>,
      } {sc.loop_unroll_factor = 2 : i64, sc.parallel_access}
      %dma_start3A_389 = arith.constant 0 : i32
      %dma_start3A_390 = arith.constant 0 : i32
      %dma_start3A_391 = arith.constant 0 : i32
      %dma_start3A_392 = tpu.memref_slice %arg8[%dma_start3A_390, %dma_start3A_391] : memref<64x128xf32, #tpu.memory_space<vmem>> -> memref<8x128xf32, #tpu.memory_space<vmem>>
      %dma_start3A_393 = arith.constant 0 : i32
      %dma_start3A_394 = arith.constant 0 : i32
      %dma_start3A_395 = tpu.memref_slice %arg4[%mul3A_370, %dma_start3A_389, %add3A, %dma_start3A_393, %dma_start3A_394] : memref<200x8x32x8x128xf32, #tpu.memory_space<hbm>> -> memref<1x1x1x8x128xf32, #tpu.memory_space<hbm>>
      %dma_start3A_396 = tpu.memref_squeeze %dma_start3A_395 : memref<1x1x1x8x128xf32, #tpu.memory_space<hbm>> -> memref<8x128xf32, #tpu.memory_space<hbm>>
      %dma_start3A_397 = arith.constant 0 : i32
      %dma_start3A_398 = arith.constant 0 : i32
      %dma_start3A_399 = tpu.memref_slice %arg4[%mul3A_370, %dma_start3A_389, %add3A, %dma_start3A_397, %dma_start3A_398] : memref<200x8x32x8x128xf32, #tpu.memory_space<hbm>> -> memref<1x1x1x8x128xf32, #tpu.memory_space<hbm>>
      %dma_start3A_400 = tpu.memref_squeeze %dma_start3A_399 : memref<1x1x1x8x128xf32, #tpu.memory_space<hbm>> -> memref<8x128xf32, #tpu.memory_space<hbm>>
      %dma_start3A_401 = arith.constant 0 : i32
      %dma_start3A_402 = arith.constant 0 : i32
      %dma_start3A_403 = tpu.memref_slice %arg8[%dma_start3A_401, %dma_start3A_402] : memref<64x128xf32, #tpu.memory_space<vmem>> -> memref<8x128xf32, #tpu.memory_space<vmem>>
      tpu.enqueue_dma source(%dma_start3A_403 : memref<8x128xf32, #tpu.memory_space<vmem>>) target(%dma_start3A_400 : memref<8x128xf32, #tpu.memory_space<hbm>>) target_semaphore(%arg11 : memref<!tpu.dma_semaphore, #tpu.memory_space<semaphore_mem>>)
      %dma_start3A_404 = arith.constant 1 : i32
      %dma_start3A_405 = arith.constant 8 : i32
      %dma_start3A_406 = arith.constant 0 : i32
      %dma_start3A_407 = tpu.memref_slice %arg8[%dma_start3A_405, %dma_start3A_406] : memref<64x128xf32, #tpu.memory_space<vmem>> -> memref<8x128xf32, #tpu.memory_space<vmem>>
      %dma_start3A_408 = arith.constant 0 : i32
      %dma_start3A_409 = arith.constant 0 : i32
      %dma_start3A_410 = tpu.memref_slice %arg4[%mul3A_370, %dma_start3A_404, %add3A, %dma_start3A_408, %dma_start3A_409] : memref<200x8x32x8x128xf32, #tpu.memory_space<hbm>> -> memref<1x1x1x8x128xf32, #tpu.memory_space<hbm>>
      %dma_start3A_411 = tpu.memref_squeeze %dma_start3A_410 : memref<1x1x1x8x128xf32, #tpu.memory_space<hbm>> -> memref<8x128xf32, #tpu.memory_space<hbm>>
      %dma_start3A_412 = arith.constant 0 : i32
      %dma_start3A_413 = arith.constant 0 : i32
      %dma_start3A_414 = tpu.memref_slice %arg4[%mul3A_370, %dma_start3A_404, %add3A, %dma_start3A_412, %dma_start3A_413] : memref<200x8x32x8x128xf32, #tpu.memory_space<hbm>> -> memref<1x1x1x8x128xf32, #tpu.memory_space<hbm>>
      %dma_start3A_415 = tpu.memref_squeeze %dma_start3A_414 : memref<1x1x1x8x128xf32, #tpu.memory_space<hbm>> -> memref<8x128xf32, #tpu.memory_space<hbm>>
      %dma_start3A_416 = arith.constant 8 : i32
      %dma_start3A_417 = arith.constant 0 : i32
      %dma_start3A_418 = tpu.memref_slice %arg8[%dma_start3A_416, %dma_start3A_417] : memref<64x128xf32, #tpu.memory_space<vmem>> -> memref<8x128xf32, #tpu.memory_space<vmem>>
      tpu.enqueue_dma source(%dma_start3A_418 : memref<8x128xf32, #tpu.memory_space<vmem>>) target(%dma_start3A_415 : memref<8x128xf32, #tpu.memory_space<hbm>>) target_semaphore(%arg11 : memref<!tpu.dma_semaphore, #tpu.memory_space<semaphore_mem>>)
      %dma_start3A_419 = arith.constant 2 : i32
      %dma_start3A_420 = arith.constant 16 : i32
      %dma_start3A_421 = arith.constant 0 : i32
      %dma_start3A_422 = tpu.memref_slice %arg8[%dma_start3A_420, %dma_start3A_421] : memref<64x128xf32, #tpu.memory_space<vmem>> -> memref<8x128xf32, #tpu.memory_space<vmem>>
      %dma_start3A_423 = arith.constant 0 : i32
      %dma_start3A_424 = arith.constant 0 : i32
      %dma_start3A_425 = tpu.memref_slice %arg4[%mul3A_370, %dma_start3A_419, %add3A, %dma_start3A_423, %dma_start3A_424] : memref<200x8x32x8x128xf32, #tpu.memory_space<hbm>> -> memref<1x1x1x8x128xf32, #tpu.memory_space<hbm>>
      %dma_start3A_426 = tpu.memref_squeeze %dma_start3A_425 : memref<1x1x1x8x128xf32, #tpu.memory_space<hbm>> -> memref<8x128xf32, #tpu.memory_space<hbm>>
      %dma_start3A_427 = arith.constant 0 : i32
      %dma_start3A_428 = arith.constant 0 : i32
      %dma_start3A_429 = tpu.memref_slice %arg4[%mul3A_370, %dma_start3A_419, %add3A, %dma_start3A_427, %dma_start3A_428] : memref<200x8x32x8x128xf32, #tpu.memory_space<hbm>> -> memref<1x1x1x8x128xf32, #tpu.memory_space<hbm>>
      %dma_start3A_430 = tpu.memref_squeeze %dma_start3A_429 : memref<1x1x1x8x128xf32, #tpu.memory_space<hbm>> -> memref<8x128xf32, #tpu.memory_space<hbm>>
      %dma_start3A_431 = arith.constant 16 : i32
      %dma_start3A_432 = arith.constant 0 : i32
      %dma_start3A_433 = tpu.memref_slice %arg8[%dma_start3A_431, %dma_start3A_432] : memref<64x128xf32, #tpu.memory_space<vmem>> -> memref<8x128xf32, #tpu.memory_space<vmem>>
      tpu.enqueue_dma source(%dma_start3A_433 : memref<8x128xf32, #tpu.memory_space<vmem>>) target(%dma_start3A_430 : memref<8x128xf32, #tpu.memory_space<hbm>>) target_semaphore(%arg11 : memref<!tpu.dma_semaphore, #tpu.memory_space<semaphore_mem>>)
      %dma_start3A_434 = arith.constant 3 : i32
      %dma_start3A_435 = arith.constant 24 : i32
      %dma_start3A_436 = arith.constant 0 : i32
      %dma_start3A_437 = tpu.memref_slice %arg8[%dma_start3A_435, %dma_start3A_436] : memref<64x128xf32, #tpu.memory_space<vmem>> -> memref<8x128xf32, #tpu.memory_space<vmem>>
      %dma_start3A_438 = arith.constant 0 : i32
      %dma_start3A_439 = arith.constant 0 : i32
      %dma_start3A_440 = tpu.memref_slice %arg4[%mul3A_370, %dma_start3A_434, %add3A, %dma_start3A_438, %dma_start3A_439] : memref<200x8x32x8x128xf32, #tpu.memory_space<hbm>> -> memref<1x1x1x8x128xf32, #tpu.memory_space<hbm>>
      %dma_start3A_441 = tpu.memref_squeeze %dma_start3A_440 : memref<1x1x1x8x128xf32, #tpu.memory_space<hbm>> -> memref<8x128xf32, #tpu.memory_space<hbm>>
      %dma_start3A_442 = arith.constant 0 : i32
      %dma_start3A_443 = arith.constant 0 : i32
      %dma_start3A_444 = tpu.memref_slice %arg4[%mul3A_370, %dma_start3A_434, %add3A, %dma_start3A_442, %dma_start3A_443] : memref<200x8x32x8x128xf32, #tpu.memory_space<hbm>> -> memref<1x1x1x8x128xf32, #tpu.memory_space<hbm>>
      %dma_start3A_445 = tpu.memref_squeeze %dma_start3A_444 : memref<1x1x1x8x128xf32, #tpu.memory_space<hbm>> -> memref<8x128xf32, #tpu.memory_space<hbm>>
      %dma_start3A_446 = arith.constant 24 : i32
      %dma_start3A_447 = arith.constant 0 : i32
      %dma_start3A_448 = tpu.memref_slice %arg8[%dma_start3A_446, %dma_start3A_447] : memref<64x128xf32, #tpu.memory_space<vmem>> -> memref<8x128xf32, #tpu.memory_space<vmem>>
      tpu.enqueue_dma source(%dma_start3A_448 : memref<8x128xf32, #tpu.memory_space<vmem>>) target(%dma_start3A_445 : memref<8x128xf32, #tpu.memory_space<hbm>>) target_semaphore(%arg11 : memref<!tpu.dma_semaphore, #tpu.memory_space<semaphore_mem>>)
      %dma_start3A_449 = arith.constant 4 : i32
      %dma_start3A_450 = arith.constant 32 : i32
      %dma_start3A_451 = arith.constant 0 : i32
      %dma_start3A_452 = tpu.memref_slice %arg8[%dma_start3A_450, %dma_start3A_451] : memref<64x128xf32, #tpu.memory_space<vmem>> -> memref<8x128xf32, #tpu.memory_space<vmem>>
      %dma_start3A_453 = arith.constant 0 : i32
      %dma_start3A_454 = arith.constant 0 : i32
      %dma_start3A_455 = tpu.memref_slice %arg4[%mul3A_370, %dma_start3A_449, %add3A, %dma_start3A_453, %dma_start3A_454] : memref<200x8x32x8x128xf32, #tpu.memory_space<hbm>> -> memref<1x1x1x8x128xf32, #tpu.memory_space<hbm>>
      %dma_start3A_456 = tpu.memref_squeeze %dma_start3A_455 : memref<1x1x1x8x128xf32, #tpu.memory_space<hbm>> -> memref<8x128xf32, #tpu.memory_space<hbm>>
      %dma_start3A_457 = arith.constant 0 : i32
      %dma_start3A_458 = arith.constant 0 : i32
      %dma_start3A_459 = tpu.memref_slice %arg4[%mul3A_370, %dma_start3A_449, %add3A, %dma_start3A_457, %dma_start3A_458] : memref<200x8x32x8x128xf32, #tpu.memory_space<hbm>> -> memref<1x1x1x8x128xf32, #tpu.memory_space<hbm>>
      %dma_start3A_460 = tpu.memref_squeeze %dma_start3A_459 : memref<1x1x1x8x128xf32, #tpu.memory_space<hbm>> -> memref<8x128xf32, #tpu.memory_space<hbm>>
      %dma_start3A_461 = arith.constant 32 : i32
      %dma_start3A_462 = arith.constant 0 : i32
      %dma_start3A_463 = tpu.memref_slice %arg8[%dma_start3A_461, %dma_start3A_462] : memref<64x128xf32, #tpu.memory_space<vmem>> -> memref<8x128xf32, #tpu.memory_space<vmem>>
      tpu.enqueue_dma source(%dma_start3A_463 : memref<8x128xf32, #tpu.memory_space<vmem>>) target(%dma_start3A_460 : memref<8x128xf32, #tpu.memory_space<hbm>>) target_semaphore(%arg11 : memref<!tpu.dma_semaphore, #tpu.memory_space<semaphore_mem>>)
      %dma_start3A_464 = arith.constant 5 : i32
      %dma_start3A_465 = arith.constant 40 : i32
      %dma_start3A_466 = arith.constant 0 : i32
      %dma_start3A_467 = tpu.memref_slice %arg8[%dma_start3A_465, %dma_start3A_466] : memref<64x128xf32, #tpu.memory_space<vmem>> -> memref<8x128xf32, #tpu.memory_space<vmem>>
      %dma_start3A_468 = arith.constant 0 : i32
      %dma_start3A_469 = arith.constant 0 : i32
      %dma_start3A_470 = tpu.memref_slice %arg4[%mul3A_370, %dma_start3A_464, %add3A, %dma_start3A_468, %dma_start3A_469] : memref<200x8x32x8x128xf32, #tpu.memory_space<hbm>> -> memref<1x1x1x8x128xf32, #tpu.memory_space<hbm>>
      %dma_start3A_471 = tpu.memref_squeeze %dma_start3A_470 : memref<1x1x1x8x128xf32, #tpu.memory_space<hbm>> -> memref<8x128xf32, #tpu.memory_space<hbm>>
      %dma_start3A_472 = arith.constant 0 : i32
      %dma_start3A_473 = arith.constant 0 : i32
      %dma_start3A_474 = tpu.memref_slice %arg4[%mul3A_370, %dma_start3A_464, %add3A, %dma_start3A_472, %dma_start3A_473] : memref<200x8x32x8x128xf32, #tpu.memory_space<hbm>> -> memref<1x1x1x8x128xf32, #tpu.memory_space<hbm>>
      %dma_start3A_475 = tpu.memref_squeeze %dma_start3A_474 : memref<1x1x1x8x128xf32, #tpu.memory_space<hbm>> -> memref<8x128xf32, #tpu.memory_space<hbm>>
      %dma_start3A_476 = arith.constant 40 : i32
      %dma_start3A_477 = arith.constant 0 : i32
      %dma_start3A_478 = tpu.memref_slice %arg8[%dma_start3A_476, %dma_start3A_477] : memref<64x128xf32, #tpu.memory_space<vmem>> -> memref<8x128xf32, #tpu.memory_space<vmem>>
      tpu.enqueue_dma source(%dma_start3A_478 : memref<8x128xf32, #tpu.memory_space<vmem>>) target(%dma_start3A_475 : memref<8x128xf32, #tpu.memory_space<hbm>>) target_semaphore(%arg11 : memref<!tpu.dma_semaphore, #tpu.memory_space<semaphore_mem>>)
      %dma_start3A_479 = arith.constant 6 : i32
      %dma_start3A_480 = arith.constant 48 : i32
      %dma_start3A_481 = arith.constant 0 : i32
      %dma_start3A_482 = tpu.memref_slice %arg8[%dma_start3A_480, %dma_start3A_481] : memref<64x128xf32, #tpu.memory_space<vmem>> -> memref<8x128xf32, #tpu.memory_space<vmem>>
      %dma_start3A_483 = arith.constant 0 : i32
      %dma_start3A_484 = arith.constant 0 : i32
      %dma_start3A_485 = tpu.memref_slice %arg4[%mul3A_370, %dma_start3A_479, %add3A, %dma_start3A_483, %dma_start3A_484] : memref<200x8x32x8x128xf32, #tpu.memory_space<hbm>> -> memref<1x1x1x8x128xf32, #tpu.memory_space<hbm>>
      %dma_start3A_486 = tpu.memref_squeeze %dma_start3A_485 : memref<1x1x1x8x128xf32, #tpu.memory_space<hbm>> -> memref<8x128xf32, #tpu.memory_space<hbm>>
      %dma_start3A_487 = arith.constant 0 : i32
      %dma_start3A_488 = arith.constant 0 : i32
      %dma_start3A_489 = tpu.memref_slice %arg4[%mul3A_370, %dma_start3A_479, %add3A, %dma_start3A_487, %dma_start3A_488] : memref<200x8x32x8x128xf32, #tpu.memory_space<hbm>> -> memref<1x1x1x8x128xf32, #tpu.memory_space<hbm>>
      %dma_start3A_490 = tpu.memref_squeeze %dma_start3A_489 : memref<1x1x1x8x128xf32, #tpu.memory_space<hbm>> -> memref<8x128xf32, #tpu.memory_space<hbm>>
      %dma_start3A_491 = arith.constant 48 : i32
      %dma_start3A_492 = arith.constant 0 : i32
      %dma_start3A_493 = tpu.memref_slice %arg8[%dma_start3A_491, %dma_start3A_492] : memref<64x128xf32, #tpu.memory_space<vmem>> -> memref<8x128xf32, #tpu.memory_space<vmem>>
      tpu.enqueue_dma source(%dma_start3A_493 : memref<8x128xf32, #tpu.memory_space<vmem>>) target(%dma_start3A_490 : memref<8x128xf32, #tpu.memory_space<hbm>>) target_semaphore(%arg11 : memref<!tpu.dma_semaphore, #tpu.memory_space<semaphore_mem>>)
      %dma_start3A_494 = arith.constant 7 : i32
      %dma_start3A_495 = arith.constant 56 : i32
      %dma_start3A_496 = arith.constant 0 : i32
      %dma_start3A_497 = tpu.memref_slice %arg8[%dma_start3A_495, %dma_start3A_496] : memref<64x128xf32, #tpu.memory_space<vmem>> -> memref<8x128xf32, #tpu.memory_space<vmem>>
      %dma_start3A_498 = arith.constant 0 : i32
      %dma_start3A_499 = arith.constant 0 : i32
      %dma_start3A_500 = tpu.memref_slice %arg4[%mul3A_370, %dma_start3A_494, %add3A, %dma_start3A_498, %dma_start3A_499] : memref<200x8x32x8x128xf32, #tpu.memory_space<hbm>> -> memref<1x1x1x8x128xf32, #tpu.memory_space<hbm>>
      %dma_start3A_501 = tpu.memref_squeeze %dma_start3A_500 : memref<1x1x1x8x128xf32, #tpu.memory_space<hbm>> -> memref<8x128xf32, #tpu.memory_space<hbm>>
      %dma_start3A_502 = arith.constant 0 : i32
      %dma_start3A_503 = arith.constant 0 : i32
      %dma_start3A_504 = tpu.memref_slice %arg4[%mul3A_370, %dma_start3A_494, %add3A, %dma_start3A_502, %dma_start3A_503] : memref<200x8x32x8x128xf32, #tpu.memory_space<hbm>> -> memref<1x1x1x8x128xf32, #tpu.memory_space<hbm>>
      %dma_start3A_505 = tpu.memref_squeeze %dma_start3A_504 : memref<1x1x1x8x128xf32, #tpu.memory_space<hbm>> -> memref<8x128xf32, #tpu.memory_space<hbm>>
      %dma_start3A_506 = arith.constant 56 : i32
      %dma_start3A_507 = arith.constant 0 : i32
      %dma_start3A_508 = tpu.memref_slice %arg8[%dma_start3A_506, %dma_start3A_507] : memref<64x128xf32, #tpu.memory_space<vmem>> -> memref<8x128xf32, #tpu.memory_space<vmem>>
      tpu.enqueue_dma source(%dma_start3A_508 : memref<8x128xf32, #tpu.memory_space<vmem>>) target(%dma_start3A_505 : memref<8x128xf32, #tpu.memory_space<hbm>>) target_semaphore(%arg11 : memref<!tpu.dma_semaphore, #tpu.memory_space<semaphore_mem>>)
      %dma_wait3A_509 = arith.constant 0 : i32
      %dma_wait3A_510 = arith.constant 0 : i32
      %dma_wait3A_511 = tpu.memref_slice %arg3[%dma_wait3A_509, %dma_wait3A_510] : memref<1015808x64xf32, #tpu.memory_space<hbm>> -> memref<128x64xf32, #tpu.memory_space<hbm>>
      %dma_wait3A_512 = arith.constant 0 : i32
      %dma_wait3A_513 = arith.constant 0 : i32
      %dma_wait3A_514 = tpu.memref_slice %arg3[%dma_wait3A_512, %dma_wait3A_513] : memref<1015808x64xf32, #tpu.memory_space<hbm>> -> memref<128x64xf32, #tpu.memory_space<hbm>>
      tpu.wait_dma2 semaphore(%arg10 : memref<!tpu.dma_semaphore, #tpu.memory_space<semaphore_mem>>) src(%dma_wait3A_514 : memref<128x64xf32, #tpu.memory_space<hbm>>) dst(%arg7 : memref<128x64xf32, #tpu.memory_space<vmem>>)
      %lt3A = arith.constant 99 : i32
      %lt3A_515 = arith.cmpi slt, %scan3A_368, %lt3A : i32
      %convert_element_type3A_516 = arith.extui %lt3A_515 : i1 to i32
      %cond3A_517 = arith.constant 0 : i32
      %cond3A_518 = arith.cmpi ne, %convert_element_type3A_516, %cond3A_517 : i32
      scf.if %cond3A_518 {
        %add3A_649 = arith.constant 2 : i32
        %add3A_650 = arith.addi %mul3A_370, %add3A_649 : i32
        %dma_start3A_651 = arith.constant 0 : i32
        %dma_start3A_652 = tpu.memref_slice %arg5[%add3A_650, %dma_start3A_651] : memref<200x128xi32, #tpu.memory_space<vmem>> -> memref<1x128xi32, #tpu.memory_space<vmem>>
        %dma_start3A_653 = tpu.memref_squeeze %dma_start3A_652 : memref<1x128xi32, #tpu.memory_space<vmem>> -> memref<128xi32, #tpu.memory_space<vmem>>
        %dma_start3A_654 = arith.constant 0 : i32
        %dma_start3A_655 = arith.constant 0 : i32
        %dma_start3A_656 = tpu.memref_slice %arg3[%dma_start3A_654, %dma_start3A_655] : memref<1015808x64xf32, #tpu.memory_space<hbm>> -> memref<1015808x64xf32, #tpu.memory_space<hbm>>
        tpu.enqueue_indirect_dma source(%dma_start3A_656 : memref<1015808x64xf32, #tpu.memory_space<hbm>>) target(%arg6 : memref<128x64xf32, #tpu.memory_space<vmem>>) offsets(%dma_start3A_653 : memref<128xi32, #tpu.memory_space<vmem>>) semaphore(%arg10 : memref<!tpu.dma_semaphore, #tpu.memory_space<semaphore_mem>>)
      } else {
      }
      %gt3A_519 = arith.constant 0 : i32
      %gt3A_520 = arith.cmpi sgt, %scan3A_368, %gt3A_519 : i32
      %convert_element_type3A_521 = arith.extui %gt3A_520 : i1 to i32
      %cond3A_522 = arith.constant 0 : i32
      %cond3A_523 = arith.cmpi ne, %convert_element_type3A_521, %cond3A_522 : i32
      scf.if %cond3A_523 {
        %dma_wait3A_649 = arith.constant 0 : i32
        %dma_wait3A_650 = arith.constant 0 : i32
        %dma_wait3A_651 = arith.constant 0 : i32
        %dma_wait3A_652 = arith.constant 0 : i32
        %dma_wait3A_653 = tpu.memref_slice %arg9[%dma_wait3A_651, %dma_wait3A_652] : memref<64x128xf32, #tpu.memory_space<vmem>> -> memref<8x128xf32, #tpu.memory_space<vmem>>
        %dma_wait3A_654 = arith.constant 0 : i32
        %dma_wait3A_655 = arith.constant 0 : i32
        %dma_wait3A_656 = tpu.memref_slice %arg4[%dma_wait3A_649, %dma_wait3A_650, %add3A, %dma_wait3A_654, %dma_wait3A_655] : memref<200x8x32x8x128xf32, #tpu.memory_space<hbm>> -> memref<1x1x1x8x128xf32, #tpu.memory_space<hbm>>
        %dma_wait3A_657 = tpu.memref_squeeze %dma_wait3A_656 : memref<1x1x1x8x128xf32, #tpu.memory_space<hbm>> -> memref<8x128xf32, #tpu.memory_space<hbm>>
        %dma_wait3A_658 = arith.constant 0 : i32
        %dma_wait3A_659 = arith.constant 0 : i32
        %dma_wait3A_660 = tpu.memref_slice %arg4[%dma_wait3A_649, %dma_wait3A_650, %add3A, %dma_wait3A_658, %dma_wait3A_659] : memref<200x8x32x8x128xf32, #tpu.memory_space<hbm>> -> memref<1x1x1x8x128xf32, #tpu.memory_space<hbm>>
        %dma_wait3A_661 = tpu.memref_squeeze %dma_wait3A_660 : memref<1x1x1x8x128xf32, #tpu.memory_space<hbm>> -> memref<8x128xf32, #tpu.memory_space<hbm>>
        %dma_wait3A_662 = arith.constant 0 : i32
        %dma_wait3A_663 = arith.constant 0 : i32
        %dma_wait3A_664 = tpu.memref_slice %arg9[%dma_wait3A_662, %dma_wait3A_663] : memref<64x128xf32, #tpu.memory_space<vmem>> -> memref<8x128xf32, #tpu.memory_space<vmem>>
        tpu.wait_dma2 semaphore(%arg12 : memref<!tpu.dma_semaphore, #tpu.memory_space<semaphore_mem>>) src(%dma_wait3A_664 : memref<8x128xf32, #tpu.memory_space<vmem>>) dst(%dma_wait3A_661 : memref<8x128xf32, #tpu.memory_space<hbm>>)
        %dma_wait3A_665 = arith.constant 0 : i32
        %dma_wait3A_666 = arith.constant 1 : i32
        %dma_wait3A_667 = arith.constant 8 : i32
        %dma_wait3A_668 = arith.constant 0 : i32
        %dma_wait3A_669 = tpu.memref_slice %arg9[%dma_wait3A_667, %dma_wait3A_668] : memref<64x128xf32, #tpu.memory_space<vmem>> -> memref<8x128xf32, #tpu.memory_space<vmem>>
        %dma_wait3A_670 = arith.constant 0 : i32
        %dma_wait3A_671 = arith.constant 0 : i32
        %dma_wait3A_672 = tpu.memref_slice %arg4[%dma_wait3A_665, %dma_wait3A_666, %add3A, %dma_wait3A_670, %dma_wait3A_671] : memref<200x8x32x8x128xf32, #tpu.memory_space<hbm>> -> memref<1x1x1x8x128xf32, #tpu.memory_space<hbm>>
        %dma_wait3A_673 = tpu.memref_squeeze %dma_wait3A_672 : memref<1x1x1x8x128xf32, #tpu.memory_space<hbm>> -> memref<8x128xf32, #tpu.memory_space<hbm>>
        %dma_wait3A_674 = arith.constant 0 : i32
        %dma_wait3A_675 = arith.constant 0 : i32
        %dma_wait3A_676 = tpu.memref_slice %arg4[%dma_wait3A_665, %dma_wait3A_666, %add3A, %dma_wait3A_674, %dma_wait3A_675] : memref<200x8x32x8x128xf32, #tpu.memory_space<hbm>> -> memref<1x1x1x8x128xf32, #tpu.memory_space<hbm>>
        %dma_wait3A_677 = tpu.memref_squeeze %dma_wait3A_676 : memref<1x1x1x8x128xf32, #tpu.memory_space<hbm>> -> memref<8x128xf32, #tpu.memory_space<hbm>>
        %dma_wait3A_678 = arith.constant 8 : i32
        %dma_wait3A_679 = arith.constant 0 : i32
        %dma_wait3A_680 = tpu.memref_slice %arg9[%dma_wait3A_678, %dma_wait3A_679] : memref<64x128xf32, #tpu.memory_space<vmem>> -> memref<8x128xf32, #tpu.memory_space<vmem>>
        tpu.wait_dma2 semaphore(%arg12 : memref<!tpu.dma_semaphore, #tpu.memory_space<semaphore_mem>>) src(%dma_wait3A_680 : memref<8x128xf32, #tpu.memory_space<vmem>>) dst(%dma_wait3A_677 : memref<8x128xf32, #tpu.memory_space<hbm>>)
        %dma_wait3A_681 = arith.constant 0 : i32
        %dma_wait3A_682 = arith.constant 2 : i32
        %dma_wait3A_683 = arith.constant 16 : i32
        %dma_wait3A_684 = arith.constant 0 : i32
        %dma_wait3A_685 = tpu.memref_slice %arg9[%dma_wait3A_683, %dma_wait3A_684] : memref<64x128xf32, #tpu.memory_space<vmem>> -> memref<8x128xf32, #tpu.memory_space<vmem>>
        %dma_wait3A_686 = arith.constant 0 : i32
        %dma_wait3A_687 = arith.constant 0 : i32
        %dma_wait3A_688 = tpu.memref_slice %arg4[%dma_wait3A_681, %dma_wait3A_682, %add3A, %dma_wait3A_686, %dma_wait3A_687] : memref<200x8x32x8x128xf32, #tpu.memory_space<hbm>> -> memref<1x1x1x8x128xf32, #tpu.memory_space<hbm>>
        %dma_wait3A_689 = tpu.memref_squeeze %dma_wait3A_688 : memref<1x1x1x8x128xf32, #tpu.memory_space<hbm>> -> memref<8x128xf32, #tpu.memory_space<hbm>>
        %dma_wait3A_690 = arith.constant 0 : i32
        %dma_wait3A_691 = arith.constant 0 : i32
        %dma_wait3A_692 = tpu.memref_slice %arg4[%dma_wait3A_681, %dma_wait3A_682, %add3A, %dma_wait3A_690, %dma_wait3A_691] : memref<200x8x32x8x128xf32, #tpu.memory_space<hbm>> -> memref<1x1x1x8x128xf32, #tpu.memory_space<hbm>>
        %dma_wait3A_693 = tpu.memref_squeeze %dma_wait3A_692 : memref<1x1x1x8x128xf32, #tpu.memory_space<hbm>> -> memref<8x128xf32, #tpu.memory_space<hbm>>
        %dma_wait3A_694 = arith.constant 16 : i32
        %dma_wait3A_695 = arith.constant 0 : i32
        %dma_wait3A_696 = tpu.memref_slice %arg9[%dma_wait3A_694, %dma_wait3A_695] : memref<64x128xf32, #tpu.memory_space<vmem>> -> memref<8x128xf32, #tpu.memory_space<vmem>>
        tpu.wait_dma2 semaphore(%arg12 : memref<!tpu.dma_semaphore, #tpu.memory_space<semaphore_mem>>) src(%dma_wait3A_696 : memref<8x128xf32, #tpu.memory_space<vmem>>) dst(%dma_wait3A_693 : memref<8x128xf32, #tpu.memory_space<hbm>>)
        %dma_wait3A_697 = arith.constant 0 : i32
        %dma_wait3A_698 = arith.constant 3 : i32
        %dma_wait3A_699 = arith.constant 24 : i32
        %dma_wait3A_700 = arith.constant 0 : i32
        %dma_wait3A_701 = tpu.memref_slice %arg9[%dma_wait3A_699, %dma_wait3A_700] : memref<64x128xf32, #tpu.memory_space<vmem>> -> memref<8x128xf32, #tpu.memory_space<vmem>>
        %dma_wait3A_702 = arith.constant 0 : i32
        %dma_wait3A_703 = arith.constant 0 : i32
        %dma_wait3A_704 = tpu.memref_slice %arg4[%dma_wait3A_697, %dma_wait3A_698, %add3A, %dma_wait3A_702, %dma_wait3A_703] : memref<200x8x32x8x128xf32, #tpu.memory_space<hbm>> -> memref<1x1x1x8x128xf32, #tpu.memory_space<hbm>>
        %dma_wait3A_705 = tpu.memref_squeeze %dma_wait3A_704 : memref<1x1x1x8x128xf32, #tpu.memory_space<hbm>> -> memref<8x128xf32, #tpu.memory_space<hbm>>
        %dma_wait3A_706 = arith.constant 0 : i32
        %dma_wait3A_707 = arith.constant 0 : i32
        %dma_wait3A_708 = tpu.memref_slice %arg4[%dma_wait3A_697, %dma_wait3A_698, %add3A, %dma_wait3A_706, %dma_wait3A_707] : memref<200x8x32x8x128xf32, #tpu.memory_space<hbm>> -> memref<1x1x1x8x128xf32, #tpu.memory_space<hbm>>
        %dma_wait3A_709 = tpu.memref_squeeze %dma_wait3A_708 : memref<1x1x1x8x128xf32, #tpu.memory_space<hbm>> -> memref<8x128xf32, #tpu.memory_space<hbm>>
        %dma_wait3A_710 = arith.constant 24 : i32
        %dma_wait3A_711 = arith.constant 0 : i32
        %dma_wait3A_712 = tpu.memref_slice %arg9[%dma_wait3A_710, %dma_wait3A_711] : memref<64x128xf32, #tpu.memory_space<vmem>> -> memref<8x128xf32, #tpu.memory_space<vmem>>
        tpu.wait_dma2 semaphore(%arg12 : memref<!tpu.dma_semaphore, #tpu.memory_space<semaphore_mem>>) src(%dma_wait3A_712 : memref<8x128xf32, #tpu.memory_space<vmem>>) dst(%dma_wait3A_709 : memref<8x128xf32, #tpu.memory_space<hbm>>)
        %dma_wait3A_713 = arith.constant 0 : i32
        %dma_wait3A_714 = arith.constant 4 : i32
        %dma_wait3A_715 = arith.constant 32 : i32
        %dma_wait3A_716 = arith.constant 0 : i32
        %dma_wait3A_717 = tpu.memref_slice %arg9[%dma_wait3A_715, %dma_wait3A_716] : memref<64x128xf32, #tpu.memory_space<vmem>> -> memref<8x128xf32, #tpu.memory_space<vmem>>
        %dma_wait3A_718 = arith.constant 0 : i32
        %dma_wait3A_719 = arith.constant 0 : i32
        %dma_wait3A_720 = tpu.memref_slice %arg4[%dma_wait3A_713, %dma_wait3A_714, %add3A, %dma_wait3A_718, %dma_wait3A_719] : memref<200x8x32x8x128xf32, #tpu.memory_space<hbm>> -> memref<1x1x1x8x128xf32, #tpu.memory_space<hbm>>
        %dma_wait3A_721 = tpu.memref_squeeze %dma_wait3A_720 : memref<1x1x1x8x128xf32, #tpu.memory_space<hbm>> -> memref<8x128xf32, #tpu.memory_space<hbm>>
        %dma_wait3A_722 = arith.constant 0 : i32
        %dma_wait3A_723 = arith.constant 0 : i32
        %dma_wait3A_724 = tpu.memref_slice %arg4[%dma_wait3A_713, %dma_wait3A_714, %add3A, %dma_wait3A_722, %dma_wait3A_723] : memref<200x8x32x8x128xf32, #tpu.memory_space<hbm>> -> memref<1x1x1x8x128xf32, #tpu.memory_space<hbm>>
        %dma_wait3A_725 = tpu.memref_squeeze %dma_wait3A_724 : memref<1x1x1x8x128xf32, #tpu.memory_space<hbm>> -> memref<8x128xf32, #tpu.memory_space<hbm>>
        %dma_wait3A_726 = arith.constant 32 : i32
        %dma_wait3A_727 = arith.constant 0 : i32
        %dma_wait3A_728 = tpu.memref_slice %arg9[%dma_wait3A_726, %dma_wait3A_727] : memref<64x128xf32, #tpu.memory_space<vmem>> -> memref<8x128xf32, #tpu.memory_space<vmem>>
        tpu.wait_dma2 semaphore(%arg12 : memref<!tpu.dma_semaphore, #tpu.memory_space<semaphore_mem>>) src(%dma_wait3A_728 : memref<8x128xf32, #tpu.memory_space<vmem>>) dst(%dma_wait3A_725 : memref<8x128xf32, #tpu.memory_space<hbm>>)
        %dma_wait3A_729 = arith.constant 0 : i32
        %dma_wait3A_730 = arith.constant 5 : i32
        %dma_wait3A_731 = arith.constant 40 : i32
        %dma_wait3A_732 = arith.constant 0 : i32
        %dma_wait3A_733 = tpu.memref_slice %arg9[%dma_wait3A_731, %dma_wait3A_732] : memref<64x128xf32, #tpu.memory_space<vmem>> -> memref<8x128xf32, #tpu.memory_space<vmem>>
        %dma_wait3A_734 = arith.constant 0 : i32
        %dma_wait3A_735 = arith.constant 0 : i32
        %dma_wait3A_736 = tpu.memref_slice %arg4[%dma_wait3A_729, %dma_wait3A_730, %add3A, %dma_wait3A_734, %dma_wait3A_735] : memref<200x8x32x8x128xf32, #tpu.memory_space<hbm>> -> memref<1x1x1x8x128xf32, #tpu.memory_space<hbm>>
        %dma_wait3A_737 = tpu.memref_squeeze %dma_wait3A_736 : memref<1x1x1x8x128xf32, #tpu.memory_space<hbm>> -> memref<8x128xf32, #tpu.memory_space<hbm>>
        %dma_wait3A_738 = arith.constant 0 : i32
        %dma_wait3A_739 = arith.constant 0 : i32
        %dma_wait3A_740 = tpu.memref_slice %arg4[%dma_wait3A_729, %dma_wait3A_730, %add3A, %dma_wait3A_738, %dma_wait3A_739] : memref<200x8x32x8x128xf32, #tpu.memory_space<hbm>> -> memref<1x1x1x8x128xf32, #tpu.memory_space<hbm>>
        %dma_wait3A_741 = tpu.memref_squeeze %dma_wait3A_740 : memref<1x1x1x8x128xf32, #tpu.memory_space<hbm>> -> memref<8x128xf32, #tpu.memory_space<hbm>>
        %dma_wait3A_742 = arith.constant 40 : i32
        %dma_wait3A_743 = arith.constant 0 : i32
        %dma_wait3A_744 = tpu.memref_slice %arg9[%dma_wait3A_742, %dma_wait3A_743] : memref<64x128xf32, #tpu.memory_space<vmem>> -> memref<8x128xf32, #tpu.memory_space<vmem>>
        tpu.wait_dma2 semaphore(%arg12 : memref<!tpu.dma_semaphore, #tpu.memory_space<semaphore_mem>>) src(%dma_wait3A_744 : memref<8x128xf32, #tpu.memory_space<vmem>>) dst(%dma_wait3A_741 : memref<8x128xf32, #tpu.memory_space<hbm>>)
        %dma_wait3A_745 = arith.constant 0 : i32
        %dma_wait3A_746 = arith.constant 6 : i32
        %dma_wait3A_747 = arith.constant 48 : i32
        %dma_wait3A_748 = arith.constant 0 : i32
        %dma_wait3A_749 = tpu.memref_slice %arg9[%dma_wait3A_747, %dma_wait3A_748] : memref<64x128xf32, #tpu.memory_space<vmem>> -> memref<8x128xf32, #tpu.memory_space<vmem>>
        %dma_wait3A_750 = arith.constant 0 : i32
        %dma_wait3A_751 = arith.constant 0 : i32
        %dma_wait3A_752 = tpu.memref_slice %arg4[%dma_wait3A_745, %dma_wait3A_746, %add3A, %dma_wait3A_750, %dma_wait3A_751] : memref<200x8x32x8x128xf32, #tpu.memory_space<hbm>> -> memref<1x1x1x8x128xf32, #tpu.memory_space<hbm>>
        %dma_wait3A_753 = tpu.memref_squeeze %dma_wait3A_752 : memref<1x1x1x8x128xf32, #tpu.memory_space<hbm>> -> memref<8x128xf32, #tpu.memory_space<hbm>>
        %dma_wait3A_754 = arith.constant 0 : i32
        %dma_wait3A_755 = arith.constant 0 : i32
        %dma_wait3A_756 = tpu.memref_slice %arg4[%dma_wait3A_745, %dma_wait3A_746, %add3A, %dma_wait3A_754, %dma_wait3A_755] : memref<200x8x32x8x128xf32, #tpu.memory_space<hbm>> -> memref<1x1x1x8x128xf32, #tpu.memory_space<hbm>>
        %dma_wait3A_757 = tpu.memref_squeeze %dma_wait3A_756 : memref<1x1x1x8x128xf32, #tpu.memory_space<hbm>> -> memref<8x128xf32, #tpu.memory_space<hbm>>
        %dma_wait3A_758 = arith.constant 48 : i32
        %dma_wait3A_759 = arith.constant 0 : i32
        %dma_wait3A_760 = tpu.memref_slice %arg9[%dma_wait3A_758, %dma_wait3A_759] : memref<64x128xf32, #tpu.memory_space<vmem>> -> memref<8x128xf32, #tpu.memory_space<vmem>>
        tpu.wait_dma2 semaphore(%arg12 : memref<!tpu.dma_semaphore, #tpu.memory_space<semaphore_mem>>) src(%dma_wait3A_760 : memref<8x128xf32, #tpu.memory_space<vmem>>) dst(%dma_wait3A_757 : memref<8x128xf32, #tpu.memory_space<hbm>>)
        %dma_wait3A_761 = arith.constant 0 : i32
        %dma_wait3A_762 = arith.constant 7 : i32
        %dma_wait3A_763 = arith.constant 56 : i32
        %dma_wait3A_764 = arith.constant 0 : i32
        %dma_wait3A_765 = tpu.memref_slice %arg9[%dma_wait3A_763, %dma_wait3A_764] : memref<64x128xf32, #tpu.memory_space<vmem>> -> memref<8x128xf32, #tpu.memory_space<vmem>>
        %dma_wait3A_766 = arith.constant 0 : i32
        %dma_wait3A_767 = arith.constant 0 : i32
        %dma_wait3A_768 = tpu.memref_slice %arg4[%dma_wait3A_761, %dma_wait3A_762, %add3A, %dma_wait3A_766, %dma_wait3A_767] : memref<200x8x32x8x128xf32, #tpu.memory_space<hbm>> -> memref<1x1x1x8x128xf32, #tpu.memory_space<hbm>>
        %dma_wait3A_769 = tpu.memref_squeeze %dma_wait3A_768 : memref<1x1x1x8x128xf32, #tpu.memory_space<hbm>> -> memref<8x128xf32, #tpu.memory_space<hbm>>
        %dma_wait3A_770 = arith.constant 0 : i32
        %dma_wait3A_771 = arith.constant 0 : i32
        %dma_wait3A_772 = tpu.memref_slice %arg4[%dma_wait3A_761, %dma_wait3A_762, %add3A, %dma_wait3A_770, %dma_wait3A_771] : memref<200x8x32x8x128xf32, #tpu.memory_space<hbm>> -> memref<1x1x1x8x128xf32, #tpu.memory_space<hbm>>
        %dma_wait3A_773 = tpu.memref_squeeze %dma_wait3A_772 : memref<1x1x1x8x128xf32, #tpu.memory_space<hbm>> -> memref<8x128xf32, #tpu.memory_space<hbm>>
        %dma_wait3A_774 = arith.constant 56 : i32
        %dma_wait3A_775 = arith.constant 0 : i32
        %dma_wait3A_776 = tpu.memref_slice %arg9[%dma_wait3A_774, %dma_wait3A_775] : memref<64x128xf32, #tpu.memory_space<vmem>> -> memref<8x128xf32, #tpu.memory_space<vmem>>
        tpu.wait_dma2 semaphore(%arg12 : memref<!tpu.dma_semaphore, #tpu.memory_space<semaphore_mem>>) src(%dma_wait3A_776 : memref<8x128xf32, #tpu.memory_space<vmem>>) dst(%dma_wait3A_773 : memref<8x128xf32, #tpu.memory_space<hbm>>)
      } else {
      }
      %parallel_loop3A_524 = arith.constant 0 : i32
      %parallel_loop3A_525 = arith.constant 32 : i32
      %parallel_loop3A_526 = arith.constant 1 : i32
      scf.for %parallel_loop3A_649 = %parallel_loop3A_524 to %parallel_loop3A_525 step %parallel_loop3A_526  : i32 {
        %parallel_loop3A_650 = arith.constant 2 : i32
        %parallel_loop3A_651 = arith.shrsi %parallel_loop3A_649, %parallel_loop3A_650 : i32
        %parallel_loop3A_652 = arith.constant 4 : i32
        %parallel_loop3A_653 = arith.shli %parallel_loop3A_651, %parallel_loop3A_652 : i32
        %parallel_loop3A_654 = arith.constant 3 : i32
        %parallel_loop3A_655 = arith.andi %parallel_loop3A_649, %parallel_loop3A_654 : i32
        %parallel_loop3A_656 = arith.constant 4 : i32
        %parallel_loop3A_657 = arith.shli %parallel_loop3A_655, %parallel_loop3A_656 : i32
        %parallel_loop3A_658 = vector.broadcast %parallel_loop3A_653 : i32 to vector<16xi32>
        %parallel_loop3A_659 = arith.addi %iota3A, %parallel_loop3A_658 : vector<16xi32>
        %parallel_loop3A_660 = vector.broadcast %parallel_loop3A_657 : i32 to vector<16xi32>
        %parallel_loop3A_661 = arith.addi %and3A_10, %parallel_loop3A_660 : vector<16xi32>
        %parallel_loop3A_662 = tpu.vector_load_idx %arg7[%parallel_loop3A_659, %parallel_loop3A_661] : memref<128x64xf32, #tpu.memory_space<vmem>>[vector<16xi32>, vector<16xi32>], vector<16xf32>,
        tpu.vector_store_idx %arg9[%parallel_loop3A_661, %parallel_loop3A_659], %parallel_loop3A_662 : memref<64x128xf32, #tpu.memory_space<vmem>>[vector<16xi32>, vector<16xi32>], vector<16xf32>,
        %parallel_loop3A_663 = vector.broadcast %parallel_loop3A_657 : i32 to vector<16xi32>
        %parallel_loop3A_664 = arith.addi %and3A_16, %parallel_loop3A_663 : vector<16xi32>
        %parallel_loop3A_665 = tpu.vector_load_idx %arg7[%parallel_loop3A_659, %parallel_loop3A_664] : memref<128x64xf32, #tpu.memory_space<vmem>>[vector<16xi32>, vector<16xi32>], vector<16xf32>,
        tpu.vector_store_idx %arg9[%parallel_loop3A_664, %parallel_loop3A_659], %parallel_loop3A_665 : memref<64x128xf32, #tpu.memory_space<vmem>>[vector<16xi32>, vector<16xi32>], vector<16xf32>,
        %parallel_loop3A_666 = vector.broadcast %parallel_loop3A_657 : i32 to vector<16xi32>
        %parallel_loop3A_667 = arith.addi %and3A_22, %parallel_loop3A_666 : vector<16xi32>
        %parallel_loop3A_668 = tpu.vector_load_idx %arg7[%parallel_loop3A_659, %parallel_loop3A_667] : memref<128x64xf32, #tpu.memory_space<vmem>>[vector<16xi32>, vector<16xi32>], vector<16xf32>,
        tpu.vector_store_idx %arg9[%parallel_loop3A_667, %parallel_loop3A_659], %parallel_loop3A_668 : memref<64x128xf32, #tpu.memory_space<vmem>>[vector<16xi32>, vector<16xi32>], vector<16xf32>,
        %parallel_loop3A_669 = vector.broadcast %parallel_loop3A_657 : i32 to vector<16xi32>
        %parallel_loop3A_670 = arith.addi %and3A_28, %parallel_loop3A_669 : vector<16xi32>
        %parallel_loop3A_671 = tpu.vector_load_idx %arg7[%parallel_loop3A_659, %parallel_loop3A_670] : memref<128x64xf32, #tpu.memory_space<vmem>>[vector<16xi32>, vector<16xi32>], vector<16xf32>,
        tpu.vector_store_idx %arg9[%parallel_loop3A_670, %parallel_loop3A_659], %parallel_loop3A_671 : memref<64x128xf32, #tpu.memory_space<vmem>>[vector<16xi32>, vector<16xi32>], vector<16xf32>,
        %parallel_loop3A_672 = vector.broadcast %parallel_loop3A_657 : i32 to vector<16xi32>
        %parallel_loop3A_673 = arith.addi %and3A_34, %parallel_loop3A_672 : vector<16xi32>
        %parallel_loop3A_674 = tpu.vector_load_idx %arg7[%parallel_loop3A_659, %parallel_loop3A_673] : memref<128x64xf32, #tpu.memory_space<vmem>>[vector<16xi32>, vector<16xi32>], vector<16xf32>,
        tpu.vector_store_idx %arg9[%parallel_loop3A_673, %parallel_loop3A_659], %parallel_loop3A_674 : memref<64x128xf32, #tpu.memory_space<vmem>>[vector<16xi32>, vector<16xi32>], vector<16xf32>,
        %parallel_loop3A_675 = vector.broadcast %parallel_loop3A_657 : i32 to vector<16xi32>
        %parallel_loop3A_676 = arith.addi %and3A_40, %parallel_loop3A_675 : vector<16xi32>
        %parallel_loop3A_677 = tpu.vector_load_idx %arg7[%parallel_loop3A_659, %parallel_loop3A_676] : memref<128x64xf32, #tpu.memory_space<vmem>>[vector<16xi32>, vector<16xi32>], vector<16xf32>,
        tpu.vector_store_idx %arg9[%parallel_loop3A_676, %parallel_loop3A_659], %parallel_loop3A_677 : memref<64x128xf32, #tpu.memory_space<vmem>>[vector<16xi32>, vector<16xi32>], vector<16xf32>,
        %parallel_loop3A_678 = vector.broadcast %parallel_loop3A_657 : i32 to vector<16xi32>
        %parallel_loop3A_679 = arith.addi %and3A_46, %parallel_loop3A_678 : vector<16xi32>
        %parallel_loop3A_680 = tpu.vector_load_idx %arg7[%parallel_loop3A_659, %parallel_loop3A_679] : memref<128x64xf32, #tpu.memory_space<vmem>>[vector<16xi32>, vector<16xi32>], vector<16xf32>,
        tpu.vector_store_idx %arg9[%parallel_loop3A_679, %parallel_loop3A_659], %parallel_loop3A_680 : memref<64x128xf32, #tpu.memory_space<vmem>>[vector<16xi32>, vector<16xi32>], vector<16xf32>,
        %parallel_loop3A_681 = vector.broadcast %parallel_loop3A_657 : i32 to vector<16xi32>
        %parallel_loop3A_682 = arith.addi %and3A_52, %parallel_loop3A_681 : vector<16xi32>
        %parallel_loop3A_683 = tpu.vector_load_idx %arg7[%parallel_loop3A_659, %parallel_loop3A_682] : memref<128x64xf32, #tpu.memory_space<vmem>>[vector<16xi32>, vector<16xi32>], vector<16xf32>,
        tpu.vector_store_idx %arg9[%parallel_loop3A_682, %parallel_loop3A_659], %parallel_loop3A_683 : memref<64x128xf32, #tpu.memory_space<vmem>>[vector<16xi32>, vector<16xi32>], vector<16xf32>,
        %parallel_loop3A_684 = vector.broadcast %parallel_loop3A_657 : i32 to vector<16xi32>
        %parallel_loop3A_685 = arith.addi %and3A_58, %parallel_loop3A_684 : vector<16xi32>
        %parallel_loop3A_686 = tpu.vector_load_idx %arg7[%parallel_loop3A_659, %parallel_loop3A_685] : memref<128x64xf32, #tpu.memory_space<vmem>>[vector<16xi32>, vector<16xi32>], vector<16xf32>,
        tpu.vector_store_idx %arg9[%parallel_loop3A_685, %parallel_loop3A_659], %parallel_loop3A_686 : memref<64x128xf32, #tpu.memory_space<vmem>>[vector<16xi32>, vector<16xi32>], vector<16xf32>,
        %parallel_loop3A_687 = vector.broadcast %parallel_loop3A_657 : i32 to vector<16xi32>
        %parallel_loop3A_688 = arith.addi %and3A_64, %parallel_loop3A_687 : vector<16xi32>
        %parallel_loop3A_689 = tpu.vector_load_idx %arg7[%parallel_loop3A_659, %parallel_loop3A_688] : memref<128x64xf32, #tpu.memory_space<vmem>>[vector<16xi32>, vector<16xi32>], vector<16xf32>,
        tpu.vector_store_idx %arg9[%parallel_loop3A_688, %parallel_loop3A_659], %parallel_loop3A_689 : memref<64x128xf32, #tpu.memory_space<vmem>>[vector<16xi32>, vector<16xi32>], vector<16xf32>,
        %parallel_loop3A_690 = vector.broadcast %parallel_loop3A_657 : i32 to vector<16xi32>
        %parallel_loop3A_691 = arith.addi %and3A_70, %parallel_loop3A_690 : vector<16xi32>
        %parallel_loop3A_692 = tpu.vector_load_idx %arg7[%parallel_loop3A_659, %parallel_loop3A_691] : memref<128x64xf32, #tpu.memory_space<vmem>>[vector<16xi32>, vector<16xi32>], vector<16xf32>,
        tpu.vector_store_idx %arg9[%parallel_loop3A_691, %parallel_loop3A_659], %parallel_loop3A_692 : memref<64x128xf32, #tpu.memory_space<vmem>>[vector<16xi32>, vector<16xi32>], vector<16xf32>,
        %parallel_loop3A_693 = vector.broadcast %parallel_loop3A_657 : i32 to vector<16xi32>
        %parallel_loop3A_694 = arith.addi %and3A_76, %parallel_loop3A_693 : vector<16xi32>
        %parallel_loop3A_695 = tpu.vector_load_idx %arg7[%parallel_loop3A_659, %parallel_loop3A_694] : memref<128x64xf32, #tpu.memory_space<vmem>>[vector<16xi32>, vector<16xi32>], vector<16xf32>,
        tpu.vector_store_idx %arg9[%parallel_loop3A_694, %parallel_loop3A_659], %parallel_loop3A_695 : memref<64x128xf32, #tpu.memory_space<vmem>>[vector<16xi32>, vector<16xi32>], vector<16xf32>,
        %parallel_loop3A_696 = vector.broadcast %parallel_loop3A_657 : i32 to vector<16xi32>
        %parallel_loop3A_697 = arith.addi %and3A_82, %parallel_loop3A_696 : vector<16xi32>
        %parallel_loop3A_698 = tpu.vector_load_idx %arg7[%parallel_loop3A_659, %parallel_loop3A_697] : memref<128x64xf32, #tpu.memory_space<vmem>>[vector<16xi32>, vector<16xi32>], vector<16xf32>,
        tpu.vector_store_idx %arg9[%parallel_loop3A_697, %parallel_loop3A_659], %parallel_loop3A_698 : memref<64x128xf32, #tpu.memory_space<vmem>>[vector<16xi32>, vector<16xi32>], vector<16xf32>,
        %parallel_loop3A_699 = vector.broadcast %parallel_loop3A_657 : i32 to vector<16xi32>
        %parallel_loop3A_700 = arith.addi %and3A_88, %parallel_loop3A_699 : vector<16xi32>
        %parallel_loop3A_701 = tpu.vector_load_idx %arg7[%parallel_loop3A_659, %parallel_loop3A_700] : memref<128x64xf32, #tpu.memory_space<vmem>>[vector<16xi32>, vector<16xi32>], vector<16xf32>,
        tpu.vector_store_idx %arg9[%parallel_loop3A_700, %parallel_loop3A_659], %parallel_loop3A_701 : memref<64x128xf32, #tpu.memory_space<vmem>>[vector<16xi32>, vector<16xi32>], vector<16xf32>,
        %parallel_loop3A_702 = vector.broadcast %parallel_loop3A_657 : i32 to vector<16xi32>
        %parallel_loop3A_703 = arith.addi %and3A_94, %parallel_loop3A_702 : vector<16xi32>
        %parallel_loop3A_704 = tpu.vector_load_idx %arg7[%parallel_loop3A_659, %parallel_loop3A_703] : memref<128x64xf32, #tpu.memory_space<vmem>>[vector<16xi32>, vector<16xi32>], vector<16xf32>,
        tpu.vector_store_idx %arg9[%parallel_loop3A_703, %parallel_loop3A_659], %parallel_loop3A_704 : memref<64x128xf32, #tpu.memory_space<vmem>>[vector<16xi32>, vector<16xi32>], vector<16xf32>,
        %parallel_loop3A_705 = vector.broadcast %parallel_loop3A_657 : i32 to vector<16xi32>
        %parallel_loop3A_706 = arith.addi %and3A_100, %parallel_loop3A_705 : vector<16xi32>
        %parallel_loop3A_707 = tpu.vector_load_idx %arg7[%parallel_loop3A_659, %parallel_loop3A_706] : memref<128x64xf32, #tpu.memory_space<vmem>>[vector<16xi32>, vector<16xi32>], vector<16xf32>,
        tpu.vector_store_idx %arg9[%parallel_loop3A_706, %parallel_loop3A_659], %parallel_loop3A_707 : memref<64x128xf32, #tpu.memory_space<vmem>>[vector<16xi32>, vector<16xi32>], vector<16xf32>,
      } {sc.loop_unroll_factor = 2 : i64, sc.parallel_access}
      %add3A_527 = arith.constant 1 : i32
      %add3A_528 = arith.addi %mul3A_370, %add3A_527 : i32
      %dma_start3A_529 = arith.constant 0 : i32
      %dma_start3A_530 = arith.constant 0 : i32
      %dma_start3A_531 = arith.constant 0 : i32
      %dma_start3A_532 = tpu.memref_slice %arg9[%dma_start3A_530, %dma_start3A_531] : memref<64x128xf32, #tpu.memory_space<vmem>> -> memref<8x128xf32, #tpu.memory_space<vmem>>
      %dma_start3A_533 = arith.constant 0 : i32
      %dma_start3A_534 = arith.constant 0 : i32
      %dma_start3A_535 = tpu.memref_slice %arg4[%add3A_528, %dma_start3A_529, %add3A, %dma_start3A_533, %dma_start3A_534] : memref<200x8x32x8x128xf32, #tpu.memory_space<hbm>> -> memref<1x1x1x8x128xf32, #tpu.memory_space<hbm>>
      %dma_start3A_536 = tpu.memref_squeeze %dma_start3A_535 : memref<1x1x1x8x128xf32, #tpu.memory_space<hbm>> -> memref<8x128xf32, #tpu.memory_space<hbm>>
      %dma_start3A_537 = arith.constant 0 : i32
      %dma_start3A_538 = arith.constant 0 : i32
      %dma_start3A_539 = tpu.memref_slice %arg4[%add3A_528, %dma_start3A_529, %add3A, %dma_start3A_537, %dma_start3A_538] : memref<200x8x32x8x128xf32, #tpu.memory_space<hbm>> -> memref<1x1x1x8x128xf32, #tpu.memory_space<hbm>>
      %dma_start3A_540 = tpu.memref_squeeze %dma_start3A_539 : memref<1x1x1x8x128xf32, #tpu.memory_space<hbm>> -> memref<8x128xf32, #tpu.memory_space<hbm>>
      %dma_start3A_541 = arith.constant 0 : i32
      %dma_start3A_542 = arith.constant 0 : i32
      %dma_start3A_543 = tpu.memref_slice %arg9[%dma_start3A_541, %dma_start3A_542] : memref<64x128xf32, #tpu.memory_space<vmem>> -> memref<8x128xf32, #tpu.memory_space<vmem>>
      tpu.enqueue_dma source(%dma_start3A_543 : memref<8x128xf32, #tpu.memory_space<vmem>>) target(%dma_start3A_540 : memref<8x128xf32, #tpu.memory_space<hbm>>) target_semaphore(%arg12 : memref<!tpu.dma_semaphore, #tpu.memory_space<semaphore_mem>>)
      %dma_start3A_544 = arith.constant 1 : i32
      %dma_start3A_545 = arith.constant 8 : i32
      %dma_start3A_546 = arith.constant 0 : i32
      %dma_start3A_547 = tpu.memref_slice %arg9[%dma_start3A_545, %dma_start3A_546] : memref<64x128xf32, #tpu.memory_space<vmem>> -> memref<8x128xf32, #tpu.memory_space<vmem>>
      %dma_start3A_548 = arith.constant 0 : i32
      %dma_start3A_549 = arith.constant 0 : i32
      %dma_start3A_550 = tpu.memref_slice %arg4[%add3A_528, %dma_start3A_544, %add3A, %dma_start3A_548, %dma_start3A_549] : memref<200x8x32x8x128xf32, #tpu.memory_space<hbm>> -> memref<1x1x1x8x128xf32, #tpu.memory_space<hbm>>
      %dma_start3A_551 = tpu.memref_squeeze %dma_start3A_550 : memref<1x1x1x8x128xf32, #tpu.memory_space<hbm>> -> memref<8x128xf32, #tpu.memory_space<hbm>>
      %dma_start3A_552 = arith.constant 0 : i32
      %dma_start3A_553 = arith.constant 0 : i32
      %dma_start3A_554 = tpu.memref_slice %arg4[%add3A_528, %dma_start3A_544, %add3A, %dma_start3A_552, %dma_start3A_553] : memref<200x8x32x8x128xf32, #tpu.memory_space<hbm>> -> memref<1x1x1x8x128xf32, #tpu.memory_space<hbm>>
      %dma_start3A_555 = tpu.memref_squeeze %dma_start3A_554 : memref<1x1x1x8x128xf32, #tpu.memory_space<hbm>> -> memref<8x128xf32, #tpu.memory_space<hbm>>
      %dma_start3A_556 = arith.constant 8 : i32
      %dma_start3A_557 = arith.constant 0 : i32
      %dma_start3A_558 = tpu.memref_slice %arg9[%dma_start3A_556, %dma_start3A_557] : memref<64x128xf32, #tpu.memory_space<vmem>> -> memref<8x128xf32, #tpu.memory_space<vmem>>
      tpu.enqueue_dma source(%dma_start3A_558 : memref<8x128xf32, #tpu.memory_space<vmem>>) target(%dma_start3A_555 : memref<8x128xf32, #tpu.memory_space<hbm>>) target_semaphore(%arg12 : memref<!tpu.dma_semaphore, #tpu.memory_space<semaphore_mem>>)
      %dma_start3A_559 = arith.constant 2 : i32
      %dma_start3A_560 = arith.constant 16 : i32
      %dma_start3A_561 = arith.constant 0 : i32
      %dma_start3A_562 = tpu.memref_slice %arg9[%dma_start3A_560, %dma_start3A_561] : memref<64x128xf32, #tpu.memory_space<vmem>> -> memref<8x128xf32, #tpu.memory_space<vmem>>
      %dma_start3A_563 = arith.constant 0 : i32
      %dma_start3A_564 = arith.constant 0 : i32
      %dma_start3A_565 = tpu.memref_slice %arg4[%add3A_528, %dma_start3A_559, %add3A, %dma_start3A_563, %dma_start3A_564] : memref<200x8x32x8x128xf32, #tpu.memory_space<hbm>> -> memref<1x1x1x8x128xf32, #tpu.memory_space<hbm>>
      %dma_start3A_566 = tpu.memref_squeeze %dma_start3A_565 : memref<1x1x1x8x128xf32, #tpu.memory_space<hbm>> -> memref<8x128xf32, #tpu.memory_space<hbm>>
      %dma_start3A_567 = arith.constant 0 : i32
      %dma_start3A_568 = arith.constant 0 : i32
      %dma_start3A_569 = tpu.memref_slice %arg4[%add3A_528, %dma_start3A_559, %add3A, %dma_start3A_567, %dma_start3A_568] : memref<200x8x32x8x128xf32, #tpu.memory_space<hbm>> -> memref<1x1x1x8x128xf32, #tpu.memory_space<hbm>>
      %dma_start3A_570 = tpu.memref_squeeze %dma_start3A_569 : memref<1x1x1x8x128xf32, #tpu.memory_space<hbm>> -> memref<8x128xf32, #tpu.memory_space<hbm>>
      %dma_start3A_571 = arith.constant 16 : i32
      %dma_start3A_572 = arith.constant 0 : i32
      %dma_start3A_573 = tpu.memref_slice %arg9[%dma_start3A_571, %dma_start3A_572] : memref<64x128xf32, #tpu.memory_space<vmem>> -> memref<8x128xf32, #tpu.memory_space<vmem>>
      tpu.enqueue_dma source(%dma_start3A_573 : memref<8x128xf32, #tpu.memory_space<vmem>>) target(%dma_start3A_570 : memref<8x128xf32, #tpu.memory_space<hbm>>) target_semaphore(%arg12 : memref<!tpu.dma_semaphore, #tpu.memory_space<semaphore_mem>>)
      %dma_start3A_574 = arith.constant 3 : i32
      %dma_start3A_575 = arith.constant 24 : i32
      %dma_start3A_576 = arith.constant 0 : i32
      %dma_start3A_577 = tpu.memref_slice %arg9[%dma_start3A_575, %dma_start3A_576] : memref<64x128xf32, #tpu.memory_space<vmem>> -> memref<8x128xf32, #tpu.memory_space<vmem>>
      %dma_start3A_578 = arith.constant 0 : i32
      %dma_start3A_579 = arith.constant 0 : i32
      %dma_start3A_580 = tpu.memref_slice %arg4[%add3A_528, %dma_start3A_574, %add3A, %dma_start3A_578, %dma_start3A_579] : memref<200x8x32x8x128xf32, #tpu.memory_space<hbm>> -> memref<1x1x1x8x128xf32, #tpu.memory_space<hbm>>
      %dma_start3A_581 = tpu.memref_squeeze %dma_start3A_580 : memref<1x1x1x8x128xf32, #tpu.memory_space<hbm>> -> memref<8x128xf32, #tpu.memory_space<hbm>>
      %dma_start3A_582 = arith.constant 0 : i32
      %dma_start3A_583 = arith.constant 0 : i32
      %dma_start3A_584 = tpu.memref_slice %arg4[%add3A_528, %dma_start3A_574, %add3A, %dma_start3A_582, %dma_start3A_583] : memref<200x8x32x8x128xf32, #tpu.memory_space<hbm>> -> memref<1x1x1x8x128xf32, #tpu.memory_space<hbm>>
      %dma_start3A_585 = tpu.memref_squeeze %dma_start3A_584 : memref<1x1x1x8x128xf32, #tpu.memory_space<hbm>> -> memref<8x128xf32, #tpu.memory_space<hbm>>
      %dma_start3A_586 = arith.constant 24 : i32
      %dma_start3A_587 = arith.constant 0 : i32
      %dma_start3A_588 = tpu.memref_slice %arg9[%dma_start3A_586, %dma_start3A_587] : memref<64x128xf32, #tpu.memory_space<vmem>> -> memref<8x128xf32, #tpu.memory_space<vmem>>
      tpu.enqueue_dma source(%dma_start3A_588 : memref<8x128xf32, #tpu.memory_space<vmem>>) target(%dma_start3A_585 : memref<8x128xf32, #tpu.memory_space<hbm>>) target_semaphore(%arg12 : memref<!tpu.dma_semaphore, #tpu.memory_space<semaphore_mem>>)
      %dma_start3A_589 = arith.constant 4 : i32
      %dma_start3A_590 = arith.constant 32 : i32
      %dma_start3A_591 = arith.constant 0 : i32
      %dma_start3A_592 = tpu.memref_slice %arg9[%dma_start3A_590, %dma_start3A_591] : memref<64x128xf32, #tpu.memory_space<vmem>> -> memref<8x128xf32, #tpu.memory_space<vmem>>
      %dma_start3A_593 = arith.constant 0 : i32
      %dma_start3A_594 = arith.constant 0 : i32
      %dma_start3A_595 = tpu.memref_slice %arg4[%add3A_528, %dma_start3A_589, %add3A, %dma_start3A_593, %dma_start3A_594] : memref<200x8x32x8x128xf32, #tpu.memory_space<hbm>> -> memref<1x1x1x8x128xf32, #tpu.memory_space<hbm>>
      %dma_start3A_596 = tpu.memref_squeeze %dma_start3A_595 : memref<1x1x1x8x128xf32, #tpu.memory_space<hbm>> -> memref<8x128xf32, #tpu.memory_space<hbm>>
      %dma_start3A_597 = arith.constant 0 : i32
      %dma_start3A_598 = arith.constant 0 : i32
      %dma_start3A_599 = tpu.memref_slice %arg4[%add3A_528, %dma_start3A_589, %add3A, %dma_start3A_597, %dma_start3A_598] : memref<200x8x32x8x128xf32, #tpu.memory_space<hbm>> -> memref<1x1x1x8x128xf32, #tpu.memory_space<hbm>>
      %dma_start3A_600 = tpu.memref_squeeze %dma_start3A_599 : memref<1x1x1x8x128xf32, #tpu.memory_space<hbm>> -> memref<8x128xf32, #tpu.memory_space<hbm>>
      %dma_start3A_601 = arith.constant 32 : i32
      %dma_start3A_602 = arith.constant 0 : i32
      %dma_start3A_603 = tpu.memref_slice %arg9[%dma_start3A_601, %dma_start3A_602] : memref<64x128xf32, #tpu.memory_space<vmem>> -> memref<8x128xf32, #tpu.memory_space<vmem>>
      tpu.enqueue_dma source(%dma_start3A_603 : memref<8x128xf32, #tpu.memory_space<vmem>>) target(%dma_start3A_600 : memref<8x128xf32, #tpu.memory_space<hbm>>) target_semaphore(%arg12 : memref<!tpu.dma_semaphore, #tpu.memory_space<semaphore_mem>>)
      %dma_start3A_604 = arith.constant 5 : i32
      %dma_start3A_605 = arith.constant 40 : i32
      %dma_start3A_606 = arith.constant 0 : i32
      %dma_start3A_607 = tpu.memref_slice %arg9[%dma_start3A_605, %dma_start3A_606] : memref<64x128xf32, #tpu.memory_space<vmem>> -> memref<8x128xf32, #tpu.memory_space<vmem>>
      %dma_start3A_608 = arith.constant 0 : i32
      %dma_start3A_609 = arith.constant 0 : i32
      %dma_start3A_610 = tpu.memref_slice %arg4[%add3A_528, %dma_start3A_604, %add3A, %dma_start3A_608, %dma_start3A_609] : memref<200x8x32x8x128xf32, #tpu.memory_space<hbm>> -> memref<1x1x1x8x128xf32, #tpu.memory_space<hbm>>
      %dma_start3A_611 = tpu.memref_squeeze %dma_start3A_610 : memref<1x1x1x8x128xf32, #tpu.memory_space<hbm>> -> memref<8x128xf32, #tpu.memory_space<hbm>>
      %dma_start3A_612 = arith.constant 0 : i32
      %dma_start3A_613 = arith.constant 0 : i32
      %dma_start3A_614 = tpu.memref_slice %arg4[%add3A_528, %dma_start3A_604, %add3A, %dma_start3A_612, %dma_start3A_613] : memref<200x8x32x8x128xf32, #tpu.memory_space<hbm>> -> memref<1x1x1x8x128xf32, #tpu.memory_space<hbm>>
      %dma_start3A_615 = tpu.memref_squeeze %dma_start3A_614 : memref<1x1x1x8x128xf32, #tpu.memory_space<hbm>> -> memref<8x128xf32, #tpu.memory_space<hbm>>
      %dma_start3A_616 = arith.constant 40 : i32
      %dma_start3A_617 = arith.constant 0 : i32
      %dma_start3A_618 = tpu.memref_slice %arg9[%dma_start3A_616, %dma_start3A_617] : memref<64x128xf32, #tpu.memory_space<vmem>> -> memref<8x128xf32, #tpu.memory_space<vmem>>
      tpu.enqueue_dma source(%dma_start3A_618 : memref<8x128xf32, #tpu.memory_space<vmem>>) target(%dma_start3A_615 : memref<8x128xf32, #tpu.memory_space<hbm>>) target_semaphore(%arg12 : memref<!tpu.dma_semaphore, #tpu.memory_space<semaphore_mem>>)
      %dma_start3A_619 = arith.constant 6 : i32
      %dma_start3A_620 = arith.constant 48 : i32
      %dma_start3A_621 = arith.constant 0 : i32
      %dma_start3A_622 = tpu.memref_slice %arg9[%dma_start3A_620, %dma_start3A_621] : memref<64x128xf32, #tpu.memory_space<vmem>> -> memref<8x128xf32, #tpu.memory_space<vmem>>
      %dma_start3A_623 = arith.constant 0 : i32
      %dma_start3A_624 = arith.constant 0 : i32
      %dma_start3A_625 = tpu.memref_slice %arg4[%add3A_528, %dma_start3A_619, %add3A, %dma_start3A_623, %dma_start3A_624] : memref<200x8x32x8x128xf32, #tpu.memory_space<hbm>> -> memref<1x1x1x8x128xf32, #tpu.memory_space<hbm>>
      %dma_start3A_626 = tpu.memref_squeeze %dma_start3A_625 : memref<1x1x1x8x128xf32, #tpu.memory_space<hbm>> -> memref<8x128xf32, #tpu.memory_space<hbm>>
      %dma_start3A_627 = arith.constant 0 : i32
      %dma_start3A_628 = arith.constant 0 : i32
      %dma_start3A_629 = tpu.memref_slice %arg4[%add3A_528, %dma_start3A_619, %add3A, %dma_start3A_627, %dma_start3A_628] : memref<200x8x32x8x128xf32, #tpu.memory_space<hbm>> -> memref<1x1x1x8x128xf32, #tpu.memory_space<hbm>>
      %dma_start3A_630 = tpu.memref_squeeze %dma_start3A_629 : memref<1x1x1x8x128xf32, #tpu.memory_space<hbm>> -> memref<8x128xf32, #tpu.memory_space<hbm>>
      %dma_start3A_631 = arith.constant 48 : i32
      %dma_start3A_632 = arith.constant 0 : i32
      %dma_start3A_633 = tpu.memref_slice %arg9[%dma_start3A_631, %dma_start3A_632] : memref<64x128xf32, #tpu.memory_space<vmem>> -> memref<8x128xf32, #tpu.memory_space<vmem>>
      tpu.enqueue_dma source(%dma_start3A_633 : memref<8x128xf32, #tpu.memory_space<vmem>>) target(%dma_start3A_630 : memref<8x128xf32, #tpu.memory_space<hbm>>) target_semaphore(%arg12 : memref<!tpu.dma_semaphore, #tpu.memory_space<semaphore_mem>>)
      %dma_start3A_634 = arith.constant 7 : i32
      %dma_start3A_635 = arith.constant 56 : i32
      %dma_start3A_636 = arith.constant 0 : i32
      %dma_start3A_637 = tpu.memref_slice %arg9[%dma_start3A_635, %dma_start3A_636] : memref<64x128xf32, #tpu.memory_space<vmem>> -> memref<8x128xf32, #tpu.memory_space<vmem>>
      %dma_start3A_638 = arith.constant 0 : i32
      %dma_start3A_639 = arith.constant 0 : i32
      %dma_start3A_640 = tpu.memref_slice %arg4[%add3A_528, %dma_start3A_634, %add3A, %dma_start3A_638, %dma_start3A_639] : memref<200x8x32x8x128xf32, #tpu.memory_space<hbm>> -> memref<1x1x1x8x128xf32, #tpu.memory_space<hbm>>
      %dma_start3A_641 = tpu.memref_squeeze %dma_start3A_640 : memref<1x1x1x8x128xf32, #tpu.memory_space<hbm>> -> memref<8x128xf32, #tpu.memory_space<hbm>>
      %dma_start3A_642 = arith.constant 0 : i32
      %dma_start3A_643 = arith.constant 0 : i32
      %dma_start3A_644 = tpu.memref_slice %arg4[%add3A_528, %dma_start3A_634, %add3A, %dma_start3A_642, %dma_start3A_643] : memref<200x8x32x8x128xf32, #tpu.memory_space<hbm>> -> memref<1x1x1x8x128xf32, #tpu.memory_space<hbm>>
      %dma_start3A_645 = tpu.memref_squeeze %dma_start3A_644 : memref<1x1x1x8x128xf32, #tpu.memory_space<hbm>> -> memref<8x128xf32, #tpu.memory_space<hbm>>
      %dma_start3A_646 = arith.constant 56 : i32
      %dma_start3A_647 = arith.constant 0 : i32
      %dma_start3A_648 = tpu.memref_slice %arg9[%dma_start3A_646, %dma_start3A_647] : memref<64x128xf32, #tpu.memory_space<vmem>> -> memref<8x128xf32, #tpu.memory_space<vmem>>
      tpu.enqueue_dma source(%dma_start3A_648 : memref<8x128xf32, #tpu.memory_space<vmem>>) target(%dma_start3A_645 : memref<8x128xf32, #tpu.memory_space<hbm>>) target_semaphore(%arg12 : memref<!tpu.dma_semaphore, #tpu.memory_space<semaphore_mem>>)
    }
    %scan3A_112 = arith.constant 100 : i32
    %dma_wait3A = arith.constant 0 : i32
    %dma_wait3A_113 = arith.constant 0 : i32
    %dma_wait3A_114 = arith.constant 0 : i32
    %dma_wait3A_115 = arith.constant 0 : i32
    %dma_wait3A_116 = tpu.memref_slice %arg8[%dma_wait3A_114, %dma_wait3A_115] : memref<64x128xf32, #tpu.memory_space<vmem>> -> memref<8x128xf32, #tpu.memory_space<vmem>>
    %dma_wait3A_117 = arith.constant 0 : i32
    %dma_wait3A_118 = arith.constant 0 : i32
    %dma_wait3A_119 = tpu.memref_slice %arg4[%dma_wait3A, %dma_wait3A_113, %add3A, %dma_wait3A_117, %dma_wait3A_118] : memref<200x8x32x8x128xf32, #tpu.memory_space<hbm>> -> memref<1x1x1x8x128xf32, #tpu.memory_space<hbm>>
    %dma_wait3A_120 = tpu.memref_squeeze %dma_wait3A_119 : memref<1x1x1x8x128xf32, #tpu.memory_space<hbm>> -> memref<8x128xf32, #tpu.memory_space<hbm>>
    %dma_wait3A_121 = arith.constant 0 : i32
    %dma_wait3A_122 = arith.constant 0 : i32
    %dma_wait3A_123 = tpu.memref_slice %arg4[%dma_wait3A, %dma_wait3A_113, %add3A, %dma_wait3A_121, %dma_wait3A_122] : memref<200x8x32x8x128xf32, #tpu.memory_space<hbm>> -> memref<1x1x1x8x128xf32, #tpu.memory_space<hbm>>
    %dma_wait3A_124 = tpu.memref_squeeze %dma_wait3A_123 : memref<1x1x1x8x128xf32, #tpu.memory_space<hbm>> -> memref<8x128xf32, #tpu.memory_space<hbm>>
    %dma_wait3A_125 = arith.constant 0 : i32
    %dma_wait3A_126 = arith.constant 0 : i32
    %dma_wait3A_127 = tpu.memref_slice %arg8[%dma_wait3A_125, %dma_wait3A_126] : memref<64x128xf32, #tpu.memory_space<vmem>> -> memref<8x128xf32, #tpu.memory_space<vmem>>
    tpu.wait_dma2 semaphore(%arg11 : memref<!tpu.dma_semaphore, #tpu.memory_space<semaphore_mem>>) src(%dma_wait3A_127 : memref<8x128xf32, #tpu.memory_space<vmem>>) dst(%dma_wait3A_124 : memref<8x128xf32, #tpu.memory_space<hbm>>)
    %dma_wait3A_128 = arith.constant 0 : i32
    %dma_wait3A_129 = arith.constant 1 : i32
    %dma_wait3A_130 = arith.constant 8 : i32
    %dma_wait3A_131 = arith.constant 0 : i32
    %dma_wait3A_132 = tpu.memref_slice %arg8[%dma_wait3A_130, %dma_wait3A_131] : memref<64x128xf32, #tpu.memory_space<vmem>> -> memref<8x128xf32, #tpu.memory_space<vmem>>
    %dma_wait3A_133 = arith.constant 0 : i32
    %dma_wait3A_134 = arith.constant 0 : i32
    %dma_wait3A_135 = tpu.memref_slice %arg4[%dma_wait3A_128, %dma_wait3A_129, %add3A, %dma_wait3A_133, %dma_wait3A_134] : memref<200x8x32x8x128xf32, #tpu.memory_space<hbm>> -> memref<1x1x1x8x128xf32, #tpu.memory_space<hbm>>
    %dma_wait3A_136 = tpu.memref_squeeze %dma_wait3A_135 : memref<1x1x1x8x128xf32, #tpu.memory_space<hbm>> -> memref<8x128xf32, #tpu.memory_space<hbm>>
    %dma_wait3A_137 = arith.constant 0 : i32
    %dma_wait3A_138 = arith.constant 0 : i32
    %dma_wait3A_139 = tpu.memref_slice %arg4[%dma_wait3A_128, %dma_wait3A_129, %add3A, %dma_wait3A_137, %dma_wait3A_138] : memref<200x8x32x8x128xf32, #tpu.memory_space<hbm>> -> memref<1x1x1x8x128xf32, #tpu.memory_space<hbm>>
    %dma_wait3A_140 = tpu.memref_squeeze %dma_wait3A_139 : memref<1x1x1x8x128xf32, #tpu.memory_space<hbm>> -> memref<8x128xf32, #tpu.memory_space<hbm>>
    %dma_wait3A_141 = arith.constant 8 : i32
    %dma_wait3A_142 = arith.constant 0 : i32
    %dma_wait3A_143 = tpu.memref_slice %arg8[%dma_wait3A_141, %dma_wait3A_142] : memref<64x128xf32, #tpu.memory_space<vmem>> -> memref<8x128xf32, #tpu.memory_space<vmem>>
    tpu.wait_dma2 semaphore(%arg11 : memref<!tpu.dma_semaphore, #tpu.memory_space<semaphore_mem>>) src(%dma_wait3A_143 : memref<8x128xf32, #tpu.memory_space<vmem>>) dst(%dma_wait3A_140 : memref<8x128xf32, #tpu.memory_space<hbm>>)
    %dma_wait3A_144 = arith.constant 0 : i32
    %dma_wait3A_145 = arith.constant 2 : i32
    %dma_wait3A_146 = arith.constant 16 : i32
    %dma_wait3A_147 = arith.constant 0 : i32
    %dma_wait3A_148 = tpu.memref_slice %arg8[%dma_wait3A_146, %dma_wait3A_147] : memref<64x128xf32, #tpu.memory_space<vmem>> -> memref<8x128xf32, #tpu.memory_space<vmem>>
    %dma_wait3A_149 = arith.constant 0 : i32
    %dma_wait3A_150 = arith.constant 0 : i32
    %dma_wait3A_151 = tpu.memref_slice %arg4[%dma_wait3A_144, %dma_wait3A_145, %add3A, %dma_wait3A_149, %dma_wait3A_150] : memref<200x8x32x8x128xf32, #tpu.memory_space<hbm>> -> memref<1x1x1x8x128xf32, #tpu.memory_space<hbm>>
    %dma_wait3A_152 = tpu.memref_squeeze %dma_wait3A_151 : memref<1x1x1x8x128xf32, #tpu.memory_space<hbm>> -> memref<8x128xf32, #tpu.memory_space<hbm>>
    %dma_wait3A_153 = arith.constant 0 : i32
    %dma_wait3A_154 = arith.constant 0 : i32
    %dma_wait3A_155 = tpu.memref_slice %arg4[%dma_wait3A_144, %dma_wait3A_145, %add3A, %dma_wait3A_153, %dma_wait3A_154] : memref<200x8x32x8x128xf32, #tpu.memory_space<hbm>> -> memref<1x1x1x8x128xf32, #tpu.memory_space<hbm>>
    %dma_wait3A_156 = tpu.memref_squeeze %dma_wait3A_155 : memref<1x1x1x8x128xf32, #tpu.memory_space<hbm>> -> memref<8x128xf32, #tpu.memory_space<hbm>>
    %dma_wait3A_157 = arith.constant 16 : i32
    %dma_wait3A_158 = arith.constant 0 : i32
    %dma_wait3A_159 = tpu.memref_slice %arg8[%dma_wait3A_157, %dma_wait3A_158] : memref<64x128xf32, #tpu.memory_space<vmem>> -> memref<8x128xf32, #tpu.memory_space<vmem>>
    tpu.wait_dma2 semaphore(%arg11 : memref<!tpu.dma_semaphore, #tpu.memory_space<semaphore_mem>>) src(%dma_wait3A_159 : memref<8x128xf32, #tpu.memory_space<vmem>>) dst(%dma_wait3A_156 : memref<8x128xf32, #tpu.memory_space<hbm>>)
    %dma_wait3A_160 = arith.constant 0 : i32
    %dma_wait3A_161 = arith.constant 3 : i32
    %dma_wait3A_162 = arith.constant 24 : i32
    %dma_wait3A_163 = arith.constant 0 : i32
    %dma_wait3A_164 = tpu.memref_slice %arg8[%dma_wait3A_162, %dma_wait3A_163] : memref<64x128xf32, #tpu.memory_space<vmem>> -> memref<8x128xf32, #tpu.memory_space<vmem>>
    %dma_wait3A_165 = arith.constant 0 : i32
    %dma_wait3A_166 = arith.constant 0 : i32
    %dma_wait3A_167 = tpu.memref_slice %arg4[%dma_wait3A_160, %dma_wait3A_161, %add3A, %dma_wait3A_165, %dma_wait3A_166] : memref<200x8x32x8x128xf32, #tpu.memory_space<hbm>> -> memref<1x1x1x8x128xf32, #tpu.memory_space<hbm>>
    %dma_wait3A_168 = tpu.memref_squeeze %dma_wait3A_167 : memref<1x1x1x8x128xf32, #tpu.memory_space<hbm>> -> memref<8x128xf32, #tpu.memory_space<hbm>>
    %dma_wait3A_169 = arith.constant 0 : i32
    %dma_wait3A_170 = arith.constant 0 : i32
    %dma_wait3A_171 = tpu.memref_slice %arg4[%dma_wait3A_160, %dma_wait3A_161, %add3A, %dma_wait3A_169, %dma_wait3A_170] : memref<200x8x32x8x128xf32, #tpu.memory_space<hbm>> -> memref<1x1x1x8x128xf32, #tpu.memory_space<hbm>>
    %dma_wait3A_172 = tpu.memref_squeeze %dma_wait3A_171 : memref<1x1x1x8x128xf32, #tpu.memory_space<hbm>> -> memref<8x128xf32, #tpu.memory_space<hbm>>
    %dma_wait3A_173 = arith.constant 24 : i32
    %dma_wait3A_174 = arith.constant 0 : i32
    %dma_wait3A_175 = tpu.memref_slice %arg8[%dma_wait3A_173, %dma_wait3A_174] : memref<64x128xf32, #tpu.memory_space<vmem>> -> memref<8x128xf32, #tpu.memory_space<vmem>>
    tpu.wait_dma2 semaphore(%arg11 : memref<!tpu.dma_semaphore, #tpu.memory_space<semaphore_mem>>) src(%dma_wait3A_175 : memref<8x128xf32, #tpu.memory_space<vmem>>) dst(%dma_wait3A_172 : memref<8x128xf32, #tpu.memory_space<hbm>>)
    %dma_wait3A_176 = arith.constant 0 : i32
    %dma_wait3A_177 = arith.constant 4 : i32
    %dma_wait3A_178 = arith.constant 32 : i32
    %dma_wait3A_179 = arith.constant 0 : i32
    %dma_wait3A_180 = tpu.memref_slice %arg8[%dma_wait3A_178, %dma_wait3A_179] : memref<64x128xf32, #tpu.memory_space<vmem>> -> memref<8x128xf32, #tpu.memory_space<vmem>>
    %dma_wait3A_181 = arith.constant 0 : i32
    %dma_wait3A_182 = arith.constant 0 : i32
    %dma_wait3A_183 = tpu.memref_slice %arg4[%dma_wait3A_176, %dma_wait3A_177, %add3A, %dma_wait3A_181, %dma_wait3A_182] : memref<200x8x32x8x128xf32, #tpu.memory_space<hbm>> -> memref<1x1x1x8x128xf32, #tpu.memory_space<hbm>>
    %dma_wait3A_184 = tpu.memref_squeeze %dma_wait3A_183 : memref<1x1x1x8x128xf32, #tpu.memory_space<hbm>> -> memref<8x128xf32, #tpu.memory_space<hbm>>
    %dma_wait3A_185 = arith.constant 0 : i32
    %dma_wait3A_186 = arith.constant 0 : i32
    %dma_wait3A_187 = tpu.memref_slice %arg4[%dma_wait3A_176, %dma_wait3A_177, %add3A, %dma_wait3A_185, %dma_wait3A_186] : memref<200x8x32x8x128xf32, #tpu.memory_space<hbm>> -> memref<1x1x1x8x128xf32, #tpu.memory_space<hbm>>
    %dma_wait3A_188 = tpu.memref_squeeze %dma_wait3A_187 : memref<1x1x1x8x128xf32, #tpu.memory_space<hbm>> -> memref<8x128xf32, #tpu.memory_space<hbm>>
    %dma_wait3A_189 = arith.constant 32 : i32
    %dma_wait3A_190 = arith.constant 0 : i32
    %dma_wait3A_191 = tpu.memref_slice %arg8[%dma_wait3A_189, %dma_wait3A_190] : memref<64x128xf32, #tpu.memory_space<vmem>> -> memref<8x128xf32, #tpu.memory_space<vmem>>
    tpu.wait_dma2 semaphore(%arg11 : memref<!tpu.dma_semaphore, #tpu.memory_space<semaphore_mem>>) src(%dma_wait3A_191 : memref<8x128xf32, #tpu.memory_space<vmem>>) dst(%dma_wait3A_188 : memref<8x128xf32, #tpu.memory_space<hbm>>)
    %dma_wait3A_192 = arith.constant 0 : i32
    %dma_wait3A_193 = arith.constant 5 : i32
    %dma_wait3A_194 = arith.constant 40 : i32
    %dma_wait3A_195 = arith.constant 0 : i32
    %dma_wait3A_196 = tpu.memref_slice %arg8[%dma_wait3A_194, %dma_wait3A_195] : memref<64x128xf32, #tpu.memory_space<vmem>> -> memref<8x128xf32, #tpu.memory_space<vmem>>
    %dma_wait3A_197 = arith.constant 0 : i32
    %dma_wait3A_198 = arith.constant 0 : i32
    %dma_wait3A_199 = tpu.memref_slice %arg4[%dma_wait3A_192, %dma_wait3A_193, %add3A, %dma_wait3A_197, %dma_wait3A_198] : memref<200x8x32x8x128xf32, #tpu.memory_space<hbm>> -> memref<1x1x1x8x128xf32, #tpu.memory_space<hbm>>
    %dma_wait3A_200 = tpu.memref_squeeze %dma_wait3A_199 : memref<1x1x1x8x128xf32, #tpu.memory_space<hbm>> -> memref<8x128xf32, #tpu.memory_space<hbm>>
    %dma_wait3A_201 = arith.constant 0 : i32
    %dma_wait3A_202 = arith.constant 0 : i32
    %dma_wait3A_203 = tpu.memref_slice %arg4[%dma_wait3A_192, %dma_wait3A_193, %add3A, %dma_wait3A_201, %dma_wait3A_202] : memref<200x8x32x8x128xf32, #tpu.memory_space<hbm>> -> memref<1x1x1x8x128xf32, #tpu.memory_space<hbm>>
    %dma_wait3A_204 = tpu.memref_squeeze %dma_wait3A_203 : memref<1x1x1x8x128xf32, #tpu.memory_space<hbm>> -> memref<8x128xf32, #tpu.memory_space<hbm>>
    %dma_wait3A_205 = arith.constant 40 : i32
    %dma_wait3A_206 = arith.constant 0 : i32
    %dma_wait3A_207 = tpu.memref_slice %arg8[%dma_wait3A_205, %dma_wait3A_206] : memref<64x128xf32, #tpu.memory_space<vmem>> -> memref<8x128xf32, #tpu.memory_space<vmem>>
    tpu.wait_dma2 semaphore(%arg11 : memref<!tpu.dma_semaphore, #tpu.memory_space<semaphore_mem>>) src(%dma_wait3A_207 : memref<8x128xf32, #tpu.memory_space<vmem>>) dst(%dma_wait3A_204 : memref<8x128xf32, #tpu.memory_space<hbm>>)
    %dma_wait3A_208 = arith.constant 0 : i32
    %dma_wait3A_209 = arith.constant 6 : i32
    %dma_wait3A_210 = arith.constant 48 : i32
    %dma_wait3A_211 = arith.constant 0 : i32
    %dma_wait3A_212 = tpu.memref_slice %arg8[%dma_wait3A_210, %dma_wait3A_211] : memref<64x128xf32, #tpu.memory_space<vmem>> -> memref<8x128xf32, #tpu.memory_space<vmem>>
    %dma_wait3A_213 = arith.constant 0 : i32
    %dma_wait3A_214 = arith.constant 0 : i32
    %dma_wait3A_215 = tpu.memref_slice %arg4[%dma_wait3A_208, %dma_wait3A_209, %add3A, %dma_wait3A_213, %dma_wait3A_214] : memref<200x8x32x8x128xf32, #tpu.memory_space<hbm>> -> memref<1x1x1x8x128xf32, #tpu.memory_space<hbm>>
    %dma_wait3A_216 = tpu.memref_squeeze %dma_wait3A_215 : memref<1x1x1x8x128xf32, #tpu.memory_space<hbm>> -> memref<8x128xf32, #tpu.memory_space<hbm>>
    %dma_wait3A_217 = arith.constant 0 : i32
    %dma_wait3A_218 = arith.constant 0 : i32
    %dma_wait3A_219 = tpu.memref_slice %arg4[%dma_wait3A_208, %dma_wait3A_209, %add3A, %dma_wait3A_217, %dma_wait3A_218] : memref<200x8x32x8x128xf32, #tpu.memory_space<hbm>> -> memref<1x1x1x8x128xf32, #tpu.memory_space<hbm>>
    %dma_wait3A_220 = tpu.memref_squeeze %dma_wait3A_219 : memref<1x1x1x8x128xf32, #tpu.memory_space<hbm>> -> memref<8x128xf32, #tpu.memory_space<hbm>>
    %dma_wait3A_221 = arith.constant 48 : i32
    %dma_wait3A_222 = arith.constant 0 : i32
    %dma_wait3A_223 = tpu.memref_slice %arg8[%dma_wait3A_221, %dma_wait3A_222] : memref<64x128xf32, #tpu.memory_space<vmem>> -> memref<8x128xf32, #tpu.memory_space<vmem>>
    tpu.wait_dma2 semaphore(%arg11 : memref<!tpu.dma_semaphore, #tpu.memory_space<semaphore_mem>>) src(%dma_wait3A_223 : memref<8x128xf32, #tpu.memory_space<vmem>>) dst(%dma_wait3A_220 : memref<8x128xf32, #tpu.memory_space<hbm>>)
    %dma_wait3A_224 = arith.constant 0 : i32
    %dma_wait3A_225 = arith.constant 7 : i32
    %dma_wait3A_226 = arith.constant 56 : i32
    %dma_wait3A_227 = arith.constant 0 : i32
    %dma_wait3A_228 = tpu.memref_slice %arg8[%dma_wait3A_226, %dma_wait3A_227] : memref<64x128xf32, #tpu.memory_space<vmem>> -> memref<8x128xf32, #tpu.memory_space<vmem>>
    %dma_wait3A_229 = arith.constant 0 : i32
    %dma_wait3A_230 = arith.constant 0 : i32
    %dma_wait3A_231 = tpu.memref_slice %arg4[%dma_wait3A_224, %dma_wait3A_225, %add3A, %dma_wait3A_229, %dma_wait3A_230] : memref<200x8x32x8x128xf32, #tpu.memory_space<hbm>> -> memref<1x1x1x8x128xf32, #tpu.memory_space<hbm>>
    %dma_wait3A_232 = tpu.memref_squeeze %dma_wait3A_231 : memref<1x1x1x8x128xf32, #tpu.memory_space<hbm>> -> memref<8x128xf32, #tpu.memory_space<hbm>>
    %dma_wait3A_233 = arith.constant 0 : i32
    %dma_wait3A_234 = arith.constant 0 : i32
    %dma_wait3A_235 = tpu.memref_slice %arg4[%dma_wait3A_224, %dma_wait3A_225, %add3A, %dma_wait3A_233, %dma_wait3A_234] : memref<200x8x32x8x128xf32, #tpu.memory_space<hbm>> -> memref<1x1x1x8x128xf32, #tpu.memory_space<hbm>>
    %dma_wait3A_236 = tpu.memref_squeeze %dma_wait3A_235 : memref<1x1x1x8x128xf32, #tpu.memory_space<hbm>> -> memref<8x128xf32, #tpu.memory_space<hbm>>
    %dma_wait3A_237 = arith.constant 56 : i32
    %dma_wait3A_238 = arith.constant 0 : i32
    %dma_wait3A_239 = tpu.memref_slice %arg8[%dma_wait3A_237, %dma_wait3A_238] : memref<64x128xf32, #tpu.memory_space<vmem>> -> memref<8x128xf32, #tpu.memory_space<vmem>>
    tpu.wait_dma2 semaphore(%arg11 : memref<!tpu.dma_semaphore, #tpu.memory_space<semaphore_mem>>) src(%dma_wait3A_239 : memref<8x128xf32, #tpu.memory_space<vmem>>) dst(%dma_wait3A_236 : memref<8x128xf32, #tpu.memory_space<hbm>>)
    %dma_wait3A_240 = arith.constant 0 : i32
    %dma_wait3A_241 = arith.constant 0 : i32
    %dma_wait3A_242 = arith.constant 0 : i32
    %dma_wait3A_243 = arith.constant 0 : i32
    %dma_wait3A_244 = tpu.memref_slice %arg9[%dma_wait3A_242, %dma_wait3A_243] : memref<64x128xf32, #tpu.memory_space<vmem>> -> memref<8x128xf32, #tpu.memory_space<vmem>>
    %dma_wait3A_245 = arith.constant 0 : i32
    %dma_wait3A_246 = arith.constant 0 : i32
    %dma_wait3A_247 = tpu.memref_slice %arg4[%dma_wait3A_240, %dma_wait3A_241, %add3A, %dma_wait3A_245, %dma_wait3A_246] : memref<200x8x32x8x128xf32, #tpu.memory_space<hbm>> -> memref<1x1x1x8x128xf32, #tpu.memory_space<hbm>>
    %dma_wait3A_248 = tpu.memref_squeeze %dma_wait3A_247 : memref<1x1x1x8x128xf32, #tpu.memory_space<hbm>> -> memref<8x128xf32, #tpu.memory_space<hbm>>
    %dma_wait3A_249 = arith.constant 0 : i32
    %dma_wait3A_250 = arith.constant 0 : i32
    %dma_wait3A_251 = tpu.memref_slice %arg4[%dma_wait3A_240, %dma_wait3A_241, %add3A, %dma_wait3A_249, %dma_wait3A_250] : memref<200x8x32x8x128xf32, #tpu.memory_space<hbm>> -> memref<1x1x1x8x128xf32, #tpu.memory_space<hbm>>
    %dma_wait3A_252 = tpu.memref_squeeze %dma_wait3A_251 : memref<1x1x1x8x128xf32, #tpu.memory_space<hbm>> -> memref<8x128xf32, #tpu.memory_space<hbm>>
    %dma_wait3A_253 = arith.constant 0 : i32
    %dma_wait3A_254 = arith.constant 0 : i32
    %dma_wait3A_255 = tpu.memref_slice %arg9[%dma_wait3A_253, %dma_wait3A_254] : memref<64x128xf32, #tpu.memory_space<vmem>> -> memref<8x128xf32, #tpu.memory_space<vmem>>
    tpu.wait_dma2 semaphore(%arg12 : memref<!tpu.dma_semaphore, #tpu.memory_space<semaphore_mem>>) src(%dma_wait3A_255 : memref<8x128xf32, #tpu.memory_space<vmem>>) dst(%dma_wait3A_252 : memref<8x128xf32, #tpu.memory_space<hbm>>)
    %dma_wait3A_256 = arith.constant 0 : i32
    %dma_wait3A_257 = arith.constant 1 : i32
    %dma_wait3A_258 = arith.constant 8 : i32
    %dma_wait3A_259 = arith.constant 0 : i32
    %dma_wait3A_260 = tpu.memref_slice %arg9[%dma_wait3A_258, %dma_wait3A_259] : memref<64x128xf32, #tpu.memory_space<vmem>> -> memref<8x128xf32, #tpu.memory_space<vmem>>
    %dma_wait3A_261 = arith.constant 0 : i32
    %dma_wait3A_262 = arith.constant 0 : i32
    %dma_wait3A_263 = tpu.memref_slice %arg4[%dma_wait3A_256, %dma_wait3A_257, %add3A, %dma_wait3A_261, %dma_wait3A_262] : memref<200x8x32x8x128xf32, #tpu.memory_space<hbm>> -> memref<1x1x1x8x128xf32, #tpu.memory_space<hbm>>
    %dma_wait3A_264 = tpu.memref_squeeze %dma_wait3A_263 : memref<1x1x1x8x128xf32, #tpu.memory_space<hbm>> -> memref<8x128xf32, #tpu.memory_space<hbm>>
    %dma_wait3A_265 = arith.constant 0 : i32
    %dma_wait3A_266 = arith.constant 0 : i32
    %dma_wait3A_267 = tpu.memref_slice %arg4[%dma_wait3A_256, %dma_wait3A_257, %add3A, %dma_wait3A_265, %dma_wait3A_266] : memref<200x8x32x8x128xf32, #tpu.memory_space<hbm>> -> memref<1x1x1x8x128xf32, #tpu.memory_space<hbm>>
    %dma_wait3A_268 = tpu.memref_squeeze %dma_wait3A_267 : memref<1x1x1x8x128xf32, #tpu.memory_space<hbm>> -> memref<8x128xf32, #tpu.memory_space<hbm>>
    %dma_wait3A_269 = arith.constant 8 : i32
    %dma_wait3A_270 = arith.constant 0 : i32
    %dma_wait3A_271 = tpu.memref_slice %arg9[%dma_wait3A_269, %dma_wait3A_270] : memref<64x128xf32, #tpu.memory_space<vmem>> -> memref<8x128xf32, #tpu.memory_space<vmem>>
    tpu.wait_dma2 semaphore(%arg12 : memref<!tpu.dma_semaphore, #tpu.memory_space<semaphore_mem>>) src(%dma_wait3A_271 : memref<8x128xf32, #tpu.memory_space<vmem>>) dst(%dma_wait3A_268 : memref<8x128xf32, #tpu.memory_space<hbm>>)
    %dma_wait3A_272 = arith.constant 0 : i32
    %dma_wait3A_273 = arith.constant 2 : i32
    %dma_wait3A_274 = arith.constant 16 : i32
    %dma_wait3A_275 = arith.constant 0 : i32
    %dma_wait3A_276 = tpu.memref_slice %arg9[%dma_wait3A_274, %dma_wait3A_275] : memref<64x128xf32, #tpu.memory_space<vmem>> -> memref<8x128xf32, #tpu.memory_space<vmem>>
    %dma_wait3A_277 = arith.constant 0 : i32
    %dma_wait3A_278 = arith.constant 0 : i32
    %dma_wait3A_279 = tpu.memref_slice %arg4[%dma_wait3A_272, %dma_wait3A_273, %add3A, %dma_wait3A_277, %dma_wait3A_278] : memref<200x8x32x8x128xf32, #tpu.memory_space<hbm>> -> memref<1x1x1x8x128xf32, #tpu.memory_space<hbm>>
    %dma_wait3A_280 = tpu.memref_squeeze %dma_wait3A_279 : memref<1x1x1x8x128xf32, #tpu.memory_space<hbm>> -> memref<8x128xf32, #tpu.memory_space<hbm>>
    %dma_wait3A_281 = arith.constant 0 : i32
    %dma_wait3A_282 = arith.constant 0 : i32
    %dma_wait3A_283 = tpu.memref_slice %arg4[%dma_wait3A_272, %dma_wait3A_273, %add3A, %dma_wait3A_281, %dma_wait3A_282] : memref<200x8x32x8x128xf32, #tpu.memory_space<hbm>> -> memref<1x1x1x8x128xf32, #tpu.memory_space<hbm>>
    %dma_wait3A_284 = tpu.memref_squeeze %dma_wait3A_283 : memref<1x1x1x8x128xf32, #tpu.memory_space<hbm>> -> memref<8x128xf32, #tpu.memory_space<hbm>>
    %dma_wait3A_285 = arith.constant 16 : i32
    %dma_wait3A_286 = arith.constant 0 : i32
    %dma_wait3A_287 = tpu.memref_slice %arg9[%dma_wait3A_285, %dma_wait3A_286] : memref<64x128xf32, #tpu.memory_space<vmem>> -> memref<8x128xf32, #tpu.memory_space<vmem>>
    tpu.wait_dma2 semaphore(%arg12 : memref<!tpu.dma_semaphore, #tpu.memory_space<semaphore_mem>>) src(%dma_wait3A_287 : memref<8x128xf32, #tpu.memory_space<vmem>>) dst(%dma_wait3A_284 : memref<8x128xf32, #tpu.memory_space<hbm>>)
    %dma_wait3A_288 = arith.constant 0 : i32
    %dma_wait3A_289 = arith.constant 3 : i32
    %dma_wait3A_290 = arith.constant 24 : i32
    %dma_wait3A_291 = arith.constant 0 : i32
    %dma_wait3A_292 = tpu.memref_slice %arg9[%dma_wait3A_290, %dma_wait3A_291] : memref<64x128xf32, #tpu.memory_space<vmem>> -> memref<8x128xf32, #tpu.memory_space<vmem>>
    %dma_wait3A_293 = arith.constant 0 : i32
    %dma_wait3A_294 = arith.constant 0 : i32
    %dma_wait3A_295 = tpu.memref_slice %arg4[%dma_wait3A_288, %dma_wait3A_289, %add3A, %dma_wait3A_293, %dma_wait3A_294] : memref<200x8x32x8x128xf32, #tpu.memory_space<hbm>> -> memref<1x1x1x8x128xf32, #tpu.memory_space<hbm>>
    %dma_wait3A_296 = tpu.memref_squeeze %dma_wait3A_295 : memref<1x1x1x8x128xf32, #tpu.memory_space<hbm>> -> memref<8x128xf32, #tpu.memory_space<hbm>>
    %dma_wait3A_297 = arith.constant 0 : i32
    %dma_wait3A_298 = arith.constant 0 : i32
    %dma_wait3A_299 = tpu.memref_slice %arg4[%dma_wait3A_288, %dma_wait3A_289, %add3A, %dma_wait3A_297, %dma_wait3A_298] : memref<200x8x32x8x128xf32, #tpu.memory_space<hbm>> -> memref<1x1x1x8x128xf32, #tpu.memory_space<hbm>>
    %dma_wait3A_300 = tpu.memref_squeeze %dma_wait3A_299 : memref<1x1x1x8x128xf32, #tpu.memory_space<hbm>> -> memref<8x128xf32, #tpu.memory_space<hbm>>
    %dma_wait3A_301 = arith.constant 24 : i32
    %dma_wait3A_302 = arith.constant 0 : i32
    %dma_wait3A_303 = tpu.memref_slice %arg9[%dma_wait3A_301, %dma_wait3A_302] : memref<64x128xf32, #tpu.memory_space<vmem>> -> memref<8x128xf32, #tpu.memory_space<vmem>>
    tpu.wait_dma2 semaphore(%arg12 : memref<!tpu.dma_semaphore, #tpu.memory_space<semaphore_mem>>) src(%dma_wait3A_303 : memref<8x128xf32, #tpu.memory_space<vmem>>) dst(%dma_wait3A_300 : memref<8x128xf32, #tpu.memory_space<hbm>>)
    %dma_wait3A_304 = arith.constant 0 : i32
    %dma_wait3A_305 = arith.constant 4 : i32
    %dma_wait3A_306 = arith.constant 32 : i32
    %dma_wait3A_307 = arith.constant 0 : i32
    %dma_wait3A_308 = tpu.memref_slice %arg9[%dma_wait3A_306, %dma_wait3A_307] : memref<64x128xf32, #tpu.memory_space<vmem>> -> memref<8x128xf32, #tpu.memory_space<vmem>>
    %dma_wait3A_309 = arith.constant 0 : i32
    %dma_wait3A_310 = arith.constant 0 : i32
    %dma_wait3A_311 = tpu.memref_slice %arg4[%dma_wait3A_304, %dma_wait3A_305, %add3A, %dma_wait3A_309, %dma_wait3A_310] : memref<200x8x32x8x128xf32, #tpu.memory_space<hbm>> -> memref<1x1x1x8x128xf32, #tpu.memory_space<hbm>>
    %dma_wait3A_312 = tpu.memref_squeeze %dma_wait3A_311 : memref<1x1x1x8x128xf32, #tpu.memory_space<hbm>> -> memref<8x128xf32, #tpu.memory_space<hbm>>
    %dma_wait3A_313 = arith.constant 0 : i32
    %dma_wait3A_314 = arith.constant 0 : i32
    %dma_wait3A_315 = tpu.memref_slice %arg4[%dma_wait3A_304, %dma_wait3A_305, %add3A, %dma_wait3A_313, %dma_wait3A_314] : memref<200x8x32x8x128xf32, #tpu.memory_space<hbm>> -> memref<1x1x1x8x128xf32, #tpu.memory_space<hbm>>
    %dma_wait3A_316 = tpu.memref_squeeze %dma_wait3A_315 : memref<1x1x1x8x128xf32, #tpu.memory_space<hbm>> -> memref<8x128xf32, #tpu.memory_space<hbm>>
    %dma_wait3A_317 = arith.constant 32 : i32
    %dma_wait3A_318 = arith.constant 0 : i32
    %dma_wait3A_319 = tpu.memref_slice %arg9[%dma_wait3A_317, %dma_wait3A_318] : memref<64x128xf32, #tpu.memory_space<vmem>> -> memref<8x128xf32, #tpu.memory_space<vmem>>
    tpu.wait_dma2 semaphore(%arg12 : memref<!tpu.dma_semaphore, #tpu.memory_space<semaphore_mem>>) src(%dma_wait3A_319 : memref<8x128xf32, #tpu.memory_space<vmem>>) dst(%dma_wait3A_316 : memref<8x128xf32, #tpu.memory_space<hbm>>)
    %dma_wait3A_320 = arith.constant 0 : i32
    %dma_wait3A_321 = arith.constant 5 : i32
    %dma_wait3A_322 = arith.constant 40 : i32
    %dma_wait3A_323 = arith.constant 0 : i32
    %dma_wait3A_324 = tpu.memref_slice %arg9[%dma_wait3A_322, %dma_wait3A_323] : memref<64x128xf32, #tpu.memory_space<vmem>> -> memref<8x128xf32, #tpu.memory_space<vmem>>
    %dma_wait3A_325 = arith.constant 0 : i32
    %dma_wait3A_326 = arith.constant 0 : i32
    %dma_wait3A_327 = tpu.memref_slice %arg4[%dma_wait3A_320, %dma_wait3A_321, %add3A, %dma_wait3A_325, %dma_wait3A_326] : memref<200x8x32x8x128xf32, #tpu.memory_space<hbm>> -> memref<1x1x1x8x128xf32, #tpu.memory_space<hbm>>
    %dma_wait3A_328 = tpu.memref_squeeze %dma_wait3A_327 : memref<1x1x1x8x128xf32, #tpu.memory_space<hbm>> -> memref<8x128xf32, #tpu.memory_space<hbm>>
    %dma_wait3A_329 = arith.constant 0 : i32
    %dma_wait3A_330 = arith.constant 0 : i32
    %dma_wait3A_331 = tpu.memref_slice %arg4[%dma_wait3A_320, %dma_wait3A_321, %add3A, %dma_wait3A_329, %dma_wait3A_330] : memref<200x8x32x8x128xf32, #tpu.memory_space<hbm>> -> memref<1x1x1x8x128xf32, #tpu.memory_space<hbm>>
    %dma_wait3A_332 = tpu.memref_squeeze %dma_wait3A_331 : memref<1x1x1x8x128xf32, #tpu.memory_space<hbm>> -> memref<8x128xf32, #tpu.memory_space<hbm>>
    %dma_wait3A_333 = arith.constant 40 : i32
    %dma_wait3A_334 = arith.constant 0 : i32
    %dma_wait3A_335 = tpu.memref_slice %arg9[%dma_wait3A_333, %dma_wait3A_334] : memref<64x128xf32, #tpu.memory_space<vmem>> -> memref<8x128xf32, #tpu.memory_space<vmem>>
    tpu.wait_dma2 semaphore(%arg12 : memref<!tpu.dma_semaphore, #tpu.memory_space<semaphore_mem>>) src(%dma_wait3A_335 : memref<8x128xf32, #tpu.memory_space<vmem>>) dst(%dma_wait3A_332 : memref<8x128xf32, #tpu.memory_space<hbm>>)
    %dma_wait3A_336 = arith.constant 0 : i32
    %dma_wait3A_337 = arith.constant 6 : i32
    %dma_wait3A_338 = arith.constant 48 : i32
    %dma_wait3A_339 = arith.constant 0 : i32
    %dma_wait3A_340 = tpu.memref_slice %arg9[%dma_wait3A_338, %dma_wait3A_339] : memref<64x128xf32, #tpu.memory_space<vmem>> -> memref<8x128xf32, #tpu.memory_space<vmem>>
    %dma_wait3A_341 = arith.constant 0 : i32
    %dma_wait3A_342 = arith.constant 0 : i32
    %dma_wait3A_343 = tpu.memref_slice %arg4[%dma_wait3A_336, %dma_wait3A_337, %add3A, %dma_wait3A_341, %dma_wait3A_342] : memref<200x8x32x8x128xf32, #tpu.memory_space<hbm>> -> memref<1x1x1x8x128xf32, #tpu.memory_space<hbm>>
    %dma_wait3A_344 = tpu.memref_squeeze %dma_wait3A_343 : memref<1x1x1x8x128xf32, #tpu.memory_space<hbm>> -> memref<8x128xf32, #tpu.memory_space<hbm>>
    %dma_wait3A_345 = arith.constant 0 : i32
    %dma_wait3A_346 = arith.constant 0 : i32
    %dma_wait3A_347 = tpu.memref_slice %arg4[%dma_wait3A_336, %dma_wait3A_337, %add3A, %dma_wait3A_345, %dma_wait3A_346] : memref<200x8x32x8x128xf32, #tpu.memory_space<hbm>> -> memref<1x1x1x8x128xf32, #tpu.memory_space<hbm>>
    %dma_wait3A_348 = tpu.memref_squeeze %dma_wait3A_347 : memref<1x1x1x8x128xf32, #tpu.memory_space<hbm>> -> memref<8x128xf32, #tpu.memory_space<hbm>>
    %dma_wait3A_349 = arith.constant 48 : i32
    %dma_wait3A_350 = arith.constant 0 : i32
    %dma_wait3A_351 = tpu.memref_slice %arg9[%dma_wait3A_349, %dma_wait3A_350] : memref<64x128xf32, #tpu.memory_space<vmem>> -> memref<8x128xf32, #tpu.memory_space<vmem>>
    tpu.wait_dma2 semaphore(%arg12 : memref<!tpu.dma_semaphore, #tpu.memory_space<semaphore_mem>>) src(%dma_wait3A_351 : memref<8x128xf32, #tpu.memory_space<vmem>>) dst(%dma_wait3A_348 : memref<8x128xf32, #tpu.memory_space<hbm>>)
    %dma_wait3A_352 = arith.constant 0 : i32
    %dma_wait3A_353 = arith.constant 7 : i32
    %dma_wait3A_354 = arith.constant 56 : i32
    %dma_wait3A_355 = arith.constant 0 : i32
    %dma_wait3A_356 = tpu.memref_slice %arg9[%dma_wait3A_354, %dma_wait3A_355] : memref<64x128xf32, #tpu.memory_space<vmem>> -> memref<8x128xf32, #tpu.memory_space<vmem>>
    %dma_wait3A_357 = arith.constant 0 : i32
    %dma_wait3A_358 = arith.constant 0 : i32
    %dma_wait3A_359 = tpu.memref_slice %arg4[%dma_wait3A_352, %dma_wait3A_353, %add3A, %dma_wait3A_357, %dma_wait3A_358] : memref<200x8x32x8x128xf32, #tpu.memory_space<hbm>> -> memref<1x1x1x8x128xf32, #tpu.memory_space<hbm>>
    %dma_wait3A_360 = tpu.memref_squeeze %dma_wait3A_359 : memref<1x1x1x8x128xf32, #tpu.memory_space<hbm>> -> memref<8x128xf32, #tpu.memory_space<hbm>>
    %dma_wait3A_361 = arith.constant 0 : i32
    %dma_wait3A_362 = arith.constant 0 : i32
    %dma_wait3A_363 = tpu.memref_slice %arg4[%dma_wait3A_352, %dma_wait3A_353, %add3A, %dma_wait3A_361, %dma_wait3A_362] : memref<200x8x32x8x128xf32, #tpu.memory_space<hbm>> -> memref<1x1x1x8x128xf32, #tpu.memory_space<hbm>>
    %dma_wait3A_364 = tpu.memref_squeeze %dma_wait3A_363 : memref<1x1x1x8x128xf32, #tpu.memory_space<hbm>> -> memref<8x128xf32, #tpu.memory_space<hbm>>
    %dma_wait3A_365 = arith.constant 56 : i32
    %dma_wait3A_366 = arith.constant 0 : i32
    %dma_wait3A_367 = tpu.memref_slice %arg9[%dma_wait3A_365, %dma_wait3A_366] : memref<64x128xf32, #tpu.memory_space<vmem>> -> memref<8x128xf32, #tpu.memory_space<vmem>>
    tpu.wait_dma2 semaphore(%arg12 : memref<!tpu.dma_semaphore, #tpu.memory_space<semaphore_mem>>) src(%dma_wait3A_367 : memref<8x128xf32, #tpu.memory_space<vmem>>) dst(%dma_wait3A_364 : memref<8x128xf32, #tpu.memory_space<hbm>>)
    return
  }
}

module attributes {stable_mosaic.version = 14 : i64} {
  func.func @_k1_body(%arg0: i32, %arg1: memref<64x16384xf32, #tpu.memory_space<vmem>>, %arg2: memref<64x16384xf32, #tpu.memory_space<vmem>>, %arg3: memref<16384x128xf32, #tpu.memory_space<vmem>>) attributes {dimension_semantics = [#tpu.dimension_semantics<arbitrary>], iteration_bounds = array<i64: 31>, scalar_prefetch = 0 : i64, scratch_operands = 0 : i64, tpu.core_type = #tpu.core_type<tc>, window_params = [{transform_indices = @transform_0, window_bounds = array<i64: 64, 16384>}, {transform_indices = @transform_1, window_bounds = array<i64: 64, 16384>}, {transform_indices = @transform_2, window_bounds = array<i64: 16384, 128>}]} {
    %get3A = arith.constant 0 : index
    %get3A_0 = arith.constant 0 : index
    %get3A_1 = vector.load %arg1[%get3A, %get3A_0] : memref<64x16384xf32, #tpu.memory_space<vmem>>, vector<64x16384xf32>
    %transpose3A = tpu.transpose %get3A_1, [1, 0] : vector<64x16384xf32> -> vector<16384x64xf32>
    %mul3A = arith.constant 8.000000e+00 : f32
    %mul3A_2 = vector.broadcast %mul3A : f32 to vector<16384x64xf32>
    %mul3A_3 = arith.mulf %transpose3A, %mul3A_2 : vector<16384x64xf32>
    %swap3A = arith.constant 0 : index
    %swap3A_4 = arith.constant 0 : index
    %swap3A_5 = vector.load %arg3[%swap3A, %swap3A_4] : memref<16384x128xf32, #tpu.memory_space<vmem>>, vector<16384x64xf32>
    tpu.vector_store %arg3[%swap3A, %swap3A_4], %mul3A_3 {strides = array<i32>} : memref<16384x128xf32, #tpu.memory_space<vmem>>, vector<16384x64xf32>,
    %get3A_6 = arith.constant 0 : index
    %get3A_7 = arith.constant 0 : index
    %get3A_8 = vector.load %arg2[%get3A_6, %get3A_7] : memref<64x16384xf32, #tpu.memory_space<vmem>>, vector<64x16384xf32>
    %transpose3A_9 = tpu.transpose %get3A_8, [1, 0] : vector<64x16384xf32> -> vector<16384x64xf32>
    %mul3A_10 = arith.constant 8.000000e+00 : f32
    %mul3A_11 = vector.broadcast %mul3A_10 : f32 to vector<16384x64xf32>
    %mul3A_12 = arith.mulf %transpose3A_9, %mul3A_11 : vector<16384x64xf32>
    %swap3A_13 = arith.constant 0 : index
    %swap3A_14 = arith.constant 64 : index
    %swap3A_15 = vector.load %arg3[%swap3A_13, %swap3A_14] : memref<16384x128xf32, #tpu.memory_space<vmem>>, vector<16384x64xf32>
    tpu.vector_store %arg3[%swap3A_13, %swap3A_14], %mul3A_12 {strides = array<i32>} : memref<16384x128xf32, #tpu.memory_space<vmem>>, vector<16384x64xf32>,
    return
  }
  func.func @transform_0(%arg0: i32) -> (i32, i32) {
    %mul3A = arith.constant 2 : i32
    %mul3A_0 = arith.muli %mul3A, %arg0 : i32
    %c0_i32 = arith.constant 0 : i32
    %c0_i32_1 = arith.constant 0 : i32
    return %c0_i32, %mul3A_0 : i32, i32
  }
  func.func @transform_1(%arg0: i32) -> (i32, i32) {
    %mul3A = arith.constant 2 : i32
    %mul3A_0 = arith.muli %mul3A, %arg0 : i32
    %add3A = arith.constant 1 : i32
    %add3A_1 = arith.addi %mul3A_0, %add3A : i32
    %min3A = arith.constant 61 : i32
    %min3A_2 = arith.minsi %add3A_1, %min3A : i32
    %c0_i32 = arith.constant 0 : i32
    %c0_i32_3 = arith.constant 0 : i32
    return %c0_i32, %min3A_2 : i32, i32
  }
  func.func @transform_2(%arg0: i32) -> (i32, i32) {
    %c0_i32 = arith.constant 0 : i32
    %c0_i32_0 = arith.constant 0 : i32
    return %arg0, %c0_i32 : i32, i32
  }
}

</mosaic_0001>

<sc_bundles>
// kernel: kernel.4.cloned.1.call-start
scs
__scs_entry_jumppad:
0x0: {  	(pc) =	sbr.rel $0x88, $3  }
0x1: {  	(tag) =	ssettag $0x0;
	lr =	simm.s32 $0x1  }
0x2: {  	[smem:$0x3F9F] =	sst lr;
	_ =	strace $0xD0000000  }
0x3: {  	_ = 	snop  }
0x4: {  	_ = 	snop  }
0x5: {  	_ = 	snop  }
0x6: {  	_ = 	snop  }
0x7: {  	_ = 	snop  }
__scs_overlays_trampoline_lowered:
0x8: {  	[smem:$0x3FAE] =	sst s0  }
0x9: {  	[smem:$0x3FAF] =	sst s1  }
0xa: {  	[smem:$0x3FB0] =	sst s2  }
0xb: {  	[smem:$0x3FB1] =	sst s3  }
0xc: {  	[smem:$0x3FB2] =	sst s4  }
0xd: {  	[smem:$0x3FB3] =	sst s5  }
0xe: {  	[smem:$0x3FB4] =	sst s6  }
0xf: {  	[smem:$0x3FB5] =	sst s7  }
0x10: {  	[smem:$0x3FB6] =	sst s8  }
0x11: {  	[smem:$0x3FB7] =	sst s9;
	s0 =	simm.s32 @!p0 $0x0  }
0x12: {  	s1 =	sld [smem:$0x3F9D];
	s0 =	simm.s32 @p0 $0x1  }
0x13: {  	[smem:$0x3FB8] =	sst s0;
	s0 =	simm.s32 @!p1 $0x0  }
0x14: {  	s2 =	sld [smem:$0x3F9C];
	s0 =	simm.s32 @p1 $0x1  }
0x15: {  	[smem:$0x3FB9] =	sst s0;
	s0 =	simm.s32 @!p2 $0x0  }
0x16: {  	s3 =	sld [smem:$0x3FDB];
	s0 =	simm.s32 @p2 $0x1  }
0x17: {  	s4 =	simm.s32 $0x1BF5;
	[smem:$0x3FBB] =	sst s0  }
0x18: {  	s0 =	sld [smem:$0x3F9E];
	_ =	swait.ge [sflag:s4], $0x0  }
0x19: {  	s7 =	sld [smem:$0x3F9F]  }
0x1a: {  	s8 =	sadd.s32 $0xFFFFE003, lr  }
0x1b: {  	s9 =	sadd.s32 $0xFFFFFEF7, lr;
	s5 =	simm.s32 $0xFFFFFFFF;
	p2 =	slt.u32 s8, $0xFFFFF086  }
0x1c: {  	p1 =	slt.u32 s9, $0xF7A;
	s5 =	simm.s32 @!p2 $0x0  }
0x1d: {  	s5 =	simm.s32 @p1 $0x1;
	p0 =	seq.s32 s7, s2  }
0x1e: {  	s7 =	smul.u32 @!p0 $0xF7A, s2;
	p2 =	seq.s32 @!p0 s5, $0x0  }
0x1f: {  	s9 =	smul.u32 $0xF7A, s1;
	s8 =	simm.s32 @!p0 $0x1BF5;
	p2 =	por !p2, p0  }
0x20: {  	[sflag:s8] =	ssyncset.s32 @!p0 $0xFFFFF086;
	s6 =	sadd.s32 @!p0 s3, s7;
	s7 =	simm.s32 @!p0 $0x108  }
0x21: {  	s3 =	sadd.s32 s3, s9;
	s6 =	sadd.s32 @!p0 $0x88, s6;
	s7 =	simm.s32 @p2 $0x1082  }
0x22: {  	[simem:s7], [sflag:s8] =	dma.local @!p0 [hbm:s6], $0xF7A  }
0x23: {  	s9 =	sor.u32 $0xD0000000, s2;
	s6 =	simm.s32 $0x108;
	_ =	swait.ge @!p0 [sflag:s8], $0x0  }
0x24: {  	s3 =	sadd.s32 $0x88, s3;
	s6 =	simm.s32 @!p1 $0x1082;
	[sflag:s4] =	ssyncset.s32 $0xFFFFF086  }
0x25: {  	[simem:s6], [sflag:s4] =	dma.local [hbm:s3], $0xF7A  }
0x26: {  	[smem:$0x3F9F] =	sst s1;
	(tag) =	ssettag s2;
	_ =	strace s9  }
0x27: {  	s1 =	sld [smem:$0x3FAF]  }
0x28: {  	s2 =	sld [smem:$0x3FB0]  }
0x29: {  	s4 =	sld [smem:$0x3FB2]  }
0x2a: {  	p0 =	seq.s32 s5, $0x0;
	s5 =	sld [smem:$0x3FB3]  }
0x2b: {  	s6 =	sld [smem:$0x3FB4]  }
0x2c: {  	s7 =	sld [smem:$0x3FB5]  }
0x2d: {  	s3 =	simm.s32 $0x108;
	s8 =	sld [smem:$0x3FB6]  }
0x2e: {  	s3 =	simm.s32 @!p0 $0x1082;
	s9 =	sld [smem:$0x3FB7]  }
0x2f: {  	lr =	sadd.s32 s0, s3;
	s0 =	sld [smem:$0x3FAE]  }
0x30: {  	s3 =	sld [smem:$0x3FB1]  }
0x31: {  	[smem:$0x3FBA] =	sst s10  }
0x32: {  	s10 =	sld [smem:$0x3FB8];
	_ =	sdelay $0x3  }
0x33: {  	p0 =	seq.s32 s10, $0x1;
	s10 =	sld [smem:$0x3FBA];
	_ =	sdelay $0x3  }
0x34: {  	[smem:$0x3FBA] =	sst s10  }
0x35: {  	s10 =	sld [smem:$0x3FB9];
	_ =	sdelay $0x3  }
0x36: {  	p1 =	seq.s32 s10, $0x1;
	s10 =	sld [smem:$0x3FBA];
	_ =	sdelay $0x3  }
0x37: {  	[smem:$0x3FBA] =	sst s10  }
0x38: {  	s10 =	sld [smem:$0x3FBB]  }
0x39: {  	_ = 	snop;
	(pc) =	sbr.ind lr, $3  }
0x3a: {  	_ = 	snop  }
0x3b: {  	_ = 	snop  }
0x3c: {  	p2 =	seq.s32 s10, $0x1;
	s10 =	sld [smem:$0x3FBA]  }
0x3d: {  	_ =	shalt  }
0x3e: {  	_ =	shalt  }
0x3f: {  	_ =	shalt  }
0x40: {  	_ =	shalt  }
0x41: {  	_ =	shalt  }
0x42: {  	_ =	shalt  }
0x43: {  	_ =	shalt  }
0x44: {  	_ =	shalt  }
0x45: {  	_ =	shalt  }
0x46: {  	_ =	shalt  }
0x47: {  	_ =	shalt  }
0x48: {  	_ =	shalt  }
0x49: {  	_ =	shalt  }
0x4a: {  	_ =	shalt  }
0x4b: {  	_ =	shalt  }
0x4c: {  	_ =	shalt  }
0x4d: {  	_ =	shalt  }
0x4e: {  	_ =	shalt  }
0x4f: {  	_ =	shalt  }
0x50: {  	_ =	shalt  }
0x51: {  	_ =	shalt  }
0x52: {  	_ =	shalt  }
0x53: {  	_ =	shalt  }
0x54: {  	_ =	shalt  }
0x55: {  	_ =	shalt  }
0x56: {  	_ =	shalt  }
0x57: {  	_ =	shalt  }
0x58: {  	_ =	shalt  }
0x59: {  	_ =	shalt  }
0x5a: {  	_ =	shalt  }
0x5b: {  	_ =	shalt  }
0x5c: {  	_ =	shalt  }
0x5d: {  	_ =	shalt  }
0x5e: {  	_ =	shalt  }
0x5f: {  	_ =	shalt  }
0x60: {  	_ =	shalt  }
0x61: {  	_ =	shalt  }
0x62: {  	_ =	shalt  }
0x63: {  	_ =	shalt  }
0x64: {  	_ =	shalt  }
0x65: {  	_ =	shalt  }
0x66: {  	_ =	shalt  }
0x67: {  	_ =	shalt  }
0x68: {  	_ =	shalt  }
0x69: {  	_ =	shalt  }
0x6a: {  	_ =	shalt  }
0x6b: {  	_ =	shalt  }
0x6c: {  	_ =	shalt  }
0x6d: {  	_ =	shalt  }
0x6e: {  	_ =	shalt  }
0x6f: {  	_ =	shalt  }
0x70: {  	_ =	shalt  }
0x71: {  	_ =	shalt  }
0x72: {  	_ =	shalt  }
0x73: {  	_ =	shalt  }
0x74: {  	_ =	shalt  }
0x75: {  	_ =	shalt  }
0x76: {  	_ =	shalt  }
0x77: {  	_ =	shalt  }
0x78: {  	_ =	shalt  }
0x79: {  	_ =	shalt  }
0x7a: {  	_ =	shalt  }
0x7b: {  	_ =	shalt  }
0x7c: {  	_ =	shalt  }
0x7d: {  	_ =	shalt  }
0x7e: {  	_ =	shalt  }
0x7f: {  	_ =	shalt  }
0x80: {  	_ =	shalt  }
0x81: {  	_ =	shalt  }
0x82: {  	_ =	shalt  }
0x83: {  	_ =	shalt  }
0x84: {  	_ =	shalt  }
0x85: {  	_ =	shalt  }
0x86: {  	_ =	shalt  }
0x87: {  	_ =	shalt  }
.Lfunc_end0:
.L_simem_size_0:
called_computation_lowered:
.L_overlay_start_0:
0x88: {  	s2 =	sld [smem:$0x3FD9]  }
0x89: {  	s3 =	sld [smem:$0x3FFE];
	_ =	sdelay $0x1  }
0x8a: {  	s1 =	srdreg.scid  }
0x8b: {  	s0 =	sand.u32 $0x1, s1  }
0x8c: {  	s17 =	sshll.u32 s0, $0xA;
	s2 =	sadd.s32 s3, s2  }
0x8d: {  	s2 =	sadd.s32 s2, s17  }
0x8e: {  	[smem:$0x3FC6] =	sst s2  }
0x8f: {  	_ = 	snop  }
0x90: {  	s2 =	sld [smem:$0x3FD0];
	(tm) =	ssettm $0x1  }
0x91: {  	s18 =	sld [smem:$0x3FFB];
	_ =	sdelay $0x3  }
0x92: {  	_ =	strace s18  }
0x93: {  	s3 =	sld [smem:$0x3FFC];
	_ =	sdelay $0x3  }
0x94: {  	_ =	strace s3  }
0x95: {  	s3 =	sld [smem:$0x3FFD];
	_ =	sdelay $0x3  }
0x96: {  	_ =	strace s3  }
0x97: {  	_ =	strace $0x8FFFFFFF  }
0x98: {  	s19 =	sld [smem:$0x3FDB];
	_ =	sdelay $0x1  }
0x99: {  	s4 =	simm.s32 $_scs_section_size  }
0x9a: {  	s5 =	simm.s32 $_size__tile_overlayer_lowered;
	s6 =	simm.s32 $_tile_overlayer_lowered  }
0x9b: {  	s22 =	simm.s32 $0x1BFF;
	s21 =	sshll.u32 s6, $0x1;
	s3 =	sadd.s32 s4, s19  }
0x9c: {  	s7 =	simm.s32 $0x0;
	s20 =	sshll.u32 s5, $0x1;
	s5 =	sadd.s32 s21, s3  }
0x9d: {  	[timem:s7], [sflag:s22] =	dma.local [hbm:s5], s20  }
0x9e: {  	_ =	swait.ge [sflag:s22], s20  }
0x9f: {  	s4 =	ssub.s32 $0x0, s20;
	[sflag:s22] =	ssyncset.done $0x0  }
0xa0: {  	[sflag:s22] =	ssyncadd.s32 s4;
	_ =	sdelay $0x1  }
0xa1: {  	s23 =	simm.s32 $0x1B8B  }
0xa2: {  	_ =	swait.ge [sflag:s23], $0x1  }
0xa3: {  	[sflag:s23] =	ssyncset.done $0x0  }
0xa4: {  	s25 =	simm.s32 $0x1B8E;
	s24 =	sld [smem:$0x3FFE];
	[sflag:s23] =	ssyncadd.s32 $0xFFFFFFFF  }
0xa5: {  	s26 =	simm.s32 $execute0_lowered;
	[smem:$0x3FD2] =	sst s25  }
0xa6: {  	s5 =	sshll.u32 s26, $0x1;
	_ =	strace $0x80000046;
	[dreg:$0x1] =	wrdreg $0xFFFFFFFF  }
0xa7: {  	s28 =	simm.s32 $_size_execute0_lowered;
	s3 =	sadd.s32 s3, s5;
	[dreg:$0x0] =	wrdreg $0x0  }
0xa8: {  	s5 =	sshll.u32 s28, $0x1;
	[dreg:$0x2] =	wrdreg s3  }
0xa9: {  	[dreg:$0x3] =	wrdreg s5  }
0xaa: {  	[dreg:$0x4] =	wrdreg $0xC0  }
0xab: {  	_ =	task [dreg:s7], $0x5FFFF  }
0xac: {  	[dreg:$0x1] =	wrdreg $0xFFFFFFFF  }
0xad: {  	[dreg:$0x0] =	wrdreg $0x60  }
0xae: {  	[dreg:$0x2] =	wrdreg s24  }
0xaf: {  	[dreg:$0x3] =	wrdreg s2  }
0xb0: {  	[dreg:$0x4] =	wrdreg $0x9  }
0xb1: {  	_ =	task.clear_ibuf [dreg:s7], $0x5FFFF;
	_ =	strace $0x90000046  }
0xb2: {  	s29 =	simm.s32 $0x9;
	_ =	strace $0x80000048  }
0xb3: {  	_ =	swait.ge [sflag:s29], $0x1  }
0xb4: {  	[sflag:s29] =	ssyncadd.s32 $0xFFFFFFFF  }
0xb5: {  	_ =	strace $0x90000048  }
0xb6: {  	_ =	sfence  }
0xb7: {  	s30 =	sld [smem:$0x0];
	_ =	sdelay $0x2  }
0xb8: {  	s31 =	sshll.u32 s1, $0xD;
	s1 =	sshrl.u32 s1, $0x2  }
0xb9: {  	s3 =	sand.u32 $0x4000, s31;
	s1 =	sadd.s32 s1, s30  }
0xba: {  	s0 =	sor.u32 s3, s0;
	s1 =	sshll.u32 s1, $0x11  }
0xbb: {  	s0 =	sor.u32 s1, s0  }
0xbc: {  	s0 =	sadd.s32 $0x8F2B, s0  }
0xbd: {  	[sflag:s0] =	ssyncadd.remote.s32 $0x1  }
0xbe: {  	_ =	sfence.sel $0xFFFF  }
0xbf: {  	[dreg:$0x0] =	wrdreg $0xFFFFFFFF;
	(pc) =	sbr.abs _section_cstart, $3  }
0xc0: {  	[dreg:$0x1] =	wrdreg $0xFFFFFFFF  }
0xc1: {  	_ =	task.clear_ibuf [dreg:s7], $0x2FFFF;
	_ =	strace $0x9FFFFFFF  }
0xc2: {  	(tm) =	ssettm $0x7FFFFFFF  }
0xc3: {  	_ =	shalt  }
tec
execute0_lowered:
.L_overlay_start_1:
0x0: {  	(tag) =	ssettag $0x1  }
0x1: {  	v0 =	vimm.s32 $0xFEDCBA9;
	v1 =	vimm.s32 $0x87654321  }
0x2: {  	v3 =	vimm.s32 $0x98765432;
	v4 =	vimm.s32 $0x210FEDCB;
	v5 =	vimm.s32 $0xA9876543  }
0x3: {  	v6 =	vimm.s32 $0x7654321;
	v7 =	vimm.s32 $0x3210FEDC;
	v8 =	vimm.s32 $0xBA987654  }
0x4: {  	v9 =	vimm.s32 $0x43210FED;
	v10 =	vimm.s32 $0xCBA98765;
	v11 =	vimm.s32 $0x21076543  }
0x5: {  	v12 =	vimm.s32 $0x543210FE;
	v14 =	vimm.s32 $0xDCBA9876;
	v27 =	vimm.s32 $0xFEDCBA98  }
0x6: {  	v28 =	vimm.s32 $0x76543210;
	v62 =	vimm.s32 $0x65432107;
	v0 =	vunpack.c.l.s4.s8 v0  }
0x7: {  	v1 =	vunpack.c.l.s4.s8 v1;
	v3 =	vunpack.c.l.s4.s8 v3;
	v4 =	vunpack.c.l.s4.s8 v4  }
0x8: {  	v5 =	vunpack.c.l.s4.s8 v5;
	v6 =	vunpack.c.l.s4.s8 v6;
	v7 =	vunpack.c.l.s4.s8 v7  }
0x9: {  	v8 =	vunpack.c.l.s4.s8 v8;
	v9 =	vunpack.c.l.s4.s8 v9;
	v10 =	vunpack.c.l.s4.s8 v10  }
0xa: {  	v11 =	vunpack.c.l.s4.s8 v11;
	v12 =	vunpack.c.l.s4.s8 v12;
	v14 =	vunpack.c.l.s4.s8 v14  }
0xb: {  	v27 =	vunpack.c.l.s4.s8 v27;
	v28 =	vunpack.c.l.s4.s8 v28;
	v15 =	vunpack.c.0.s8.s32 v0  }
0xc: {  	v16 =	vunpack.c.0.s8.s32 v1;
	v0 =	vlaneseq.u32;
	v1 =	vimm.s32 $0x10FEDCBA  }
0xd: {  	v18 =	vunpack.c.0.s8.s32 v3;
	v3 =	vimm.s32 $0x10765432;
	v19 =	vunpack.c.0.s8.s32 v4  }
0xe: {  	v20 =	vunpack.c.0.s8.s32 v5;
	v21 =	vunpack.c.0.s8.s32 v7;
	v22 =	vunpack.c.0.s8.s32 v8  }
0xf: {  	v8 =	vimm.s32 $0x32107654;
	v23 =	vunpack.c.0.s8.s32 v9;
	v24 =	vunpack.c.0.s8.s32 v10  }
0x10: {  	v7 =	vunpack.c.0.s8.s32 v11;
	v25 =	vunpack.c.0.s8.s32 v12;
	v26 =	vunpack.c.0.s8.s32 v14  }
0x11: {  	v12 =	vimm.s32 $0x54321076;
	v14 =	vimm.s32 $0xEDCBA987;
	v60 =	vunpack.c.0.s8.s32 v28  }
0x12: {  	v1 =	vunpack.c.l.s4.s8 v1;
	v5 =	vunpack.c.l.s4.s8 v3;
	v3 =	vunpack.c.0.s8.s32 v6  }
0x13: {  	v10 =	vunpack.c.l.s4.s8 v8;
	v2 =	vcombine.low v16, v15;
	v6 =	vcombine.low v20, v19  }
0x14: {  	v8 =	vimm.s32 $0x43210765;
	v9 =	vcombine.low v22, v21;
	v11 =	vcombine.low v24, v23  }
0x15: {  	s0 =	srdreg.scid;
	v14 =	vunpack.c.l.s4.s8 v14;
	v29 =	vcombine.low v26, v25;
	v63 =	vcombine.low v15, v16  }
0x16: {  	s2 =	stileid.u32;
	s1 =	rddreg [dreg:$0x0];
	s16 =	simm.s32 $0x80;
	v30 =	vunpack.c.l.s4.s8 v12;
	v19 =	vcombine.low v19, v20;
	v20 =	vcombine.low v21, v22  }
0x17: {  	s17 =	simm.s32 $0x6400;
	s18 =	simm.s32 $0x1;
	s19 =	simm.s32 $0x8400;
	v13 =	vunpack.c.l.s4.s8 v8;
	v21 =	vcombine.low v23, v24;
	v22 =	vcombine.low v25, v26  }
0x18: {  	s20 =	simm.s32 $0xA400;
	s29 =	simm.s32 $0xC400;
	s14 =	simm.s32 $0xDC00;
	v17 =	vunpack.c.0.s8.s32 v1;
	v1 =	vand.u32 $0x7, v0;
	v5 =	vunpack.c.0.s8.s32 v5  }
0x19: {  	s15 =	simm.s32 $0xE000;
	s21 =	simm.s32 $0x3;
	s22 =	simm.s32 $0x0;
	v32 =	vunpack.c.0.s8.s32 v14;
	v14 =	vunpack.c.0.s8.s32 v27;
	v2 =	vand.u32 $0xF, v2  }
0x1a: {  	s0 =	sand.u32 $0x1, s0;
	s3 =	sshll.u32 s2, $0x1;
	s2 =	rddreg [dreg:$0x1];
	v6 =	vand.u32 $0xF, v6;
	v8 =	vand.u32 $0xF, v9;
	v9 =	vunpack.c.0.s8.s32 v10  }
0x1b: {  	s5 =	sor.u32 s0, s3;
	s3 =	simm.s32 $0x0;
	s0 =	ssub.s32 $0x2, s0;
	v10 =	vand.u32 $0xF, v11;
	v11 =	vunpack.c.0.s8.s32 v13;
	v13 =	vimm.s32 $0x6543210F  }
0x1c: {  	s8 =	sadd.s32 $0x2000, s2;
	s9 =	sadd.s32 $0x3000, s2;
	s10 =	sadd.s32 $0x4000, s2;
	v12 =	vand.u32 $0xF, v29;
	v29 =	vunpack.c.l.s4.s8 v62;
	v13 =	vunpack.c.l.s4.s8 v13  }
0x1d: {  	s11 =	sadd.s32 $0x5000, s2;
	s12 =	sadd.s32 $0x6000, s2;
	s13 =	sadd.s32 $0x7000, s2;
	v19 =	vand.u32 $0xF, v19;
	v20 =	vand.u32 $0xF, v20;
	v21 =	vand.u32 $0xF, v21  }
0x1e: {  	s4 =	smul.u32 $0xC80, s5;
	[smem:$0x7FF] =	sst s3;
	s7 =	sshrl.u32 s0, $0x1;
	v4 =	vcombine.low v18, v17;
	v14 =	vand.u32 $0xF, v14;
	v31 =	vunpack.c.0.s8.s32 v13  }
0x1f: {  	_ =	strace $0x80000047;
	s0 =	ssub.s32 s0, s7;
	s7 =	sadd.s32 $0x1000, s2;
	v22 =	vand.u32 $0xF, v22;
	v18 =	vcombine.low v17, v18;
	v14 =	vcombine.low v14, v60  }
0x20: {  	s6 =	sadd.s32 s4, s1;
	s4 =	sadd.s32 $0x19400, s1;
	s0 =	smax.u32 s0, $0x1;
	v17 =	vand.u32 $0xF, v63;
	v61 =	vcombine.low v32, v31;
	v23 =	vcombine.low v31, v32  }
0x21: {  	s31 =	sadd.s32 $0x400, s6;
	s6 =	sshll.u32 s5, $0xA;
	[dreg:$0x4] =	wrdreg s0;
	v16 =	vunpack.c.0.s8.s32 v29;
	v4 =	vand.u32 $0xF, v4;
	v13 =	vunpack.c.0.s8.s32 v30  }
0x22: {  	s0 =	simm.s32 $0xD400;
	s5 =	simm.s32 $0xD800;
	[dreg:$0x3] =	wrdreg s31;
	v18 =	vand.u32 $0xF, v18;
	v15 =	vand.u32 $0xF, v61;
	v23 =	vand.u32 $0xF, v23  }
.LBB2_1:
0x23: {  	[dreg:$0x5] =	wrdreg s22  }
0x24: {  	s1 =	rddreg [dreg:$0x3];
	s31 =	simm.s32 $0x4  }
0x25: {  	[tilespmem:s3], [sflag:$0x4] =	stream.linear.gather [hbm4b:s1+s3], $0x6400, $0x38;
	[tilespmem:$0xE400] =	vst v63  }
0x26: {  	_ =	swait.ge [sflag:s31], $0x6400  }
0x27: {  	[sflag:s31] =	ssyncset.done $0x0  }
0x28: {  	s1 =	simm.s32 $0x0;
	[sflag:s31] =	ssyncadd.s32 $0xFFFF9C00  }
0x29: {  	v24 =	vld [tilespmem:s1+$0x0]  }
0x2a: {  	v25 =	vld [tilespmem:s1+$0x10]  }
0x2b: {  	v29 =	vld [tilespmem:s1+$0x30];
	_ =	sdelay $0x2  }
0x2c: {  	v26 =	vshll.u32 v24, $0x1  }
0x2d: {  	v27 =	vld [tilespmem:s1+$0x20];
	v28 =	vand.u32 $0xFFFF8000, v24;
	v24 =	vshrl.u32 v24, $0xE;
	v30 =	vand.u32 $0xFFFF8000, v25  }
0x2e: {  	v31 =	vshll.u32 v29, $0x1;
	v33 =	vand.u32 $0xFFFF8000, v29;
	v29 =	vshrl.u32 v29, $0xE  }
0x2f: {  	v26 =	vand.u32 $0x7FFE, v26;
	v24 =	vand.u32 $0x1, v24;
	v31 =	vand.u32 $0x7FFE, v31  }
0x30: {  	v32 =	vld [tilespmem:s1+$0x40];
	v63 =	vand.u32 $0x1, v29;
	v26 =	vor.u32 v28, v26;
	v28 =	vshll.u32 v25, $0x1  }
0x31: {  	v25 =	vshrl.u32 v25, $0xE;
	v31 =	vor.u32 v33, v31;
	v28 =	vand.u32 $0x7FFE, v28  }
0x32: {  	v29 =	vld [tilespmem:s1+$0x50];
	v24 =	vor.u32 v24, v26;
	v26 =	vor.u32 v30, v28;
	v30 =	vshll.u32 v27, $0x1  }
0x33: {  	v28 =	vand.u32 $0xFFFF8000, v27;
	v27 =	vshrl.u32 v27, $0xE;
	v30 =	vand.u32 $0x7FFE, v30  }
0x34: {  	v25 =	vand.u32 $0x1, v25;
	v27 =	vand.u32 $0x1, v27;
	v30 =	vor.u32 v28, v30  }
0x35: {  	v28 =	vor.u32 v25, v26;
	v25 =	vor.u32 v63, v31;
	v26 =	vld [tilespmem:s1+$0x60];
	v31 =	vshll.u32 v32, $0x1  }
0x36: {  	s22 =	simm.s32 $0x200;
	v27 =	vor.u32 v27, v30;
	v30 =	vand.u32 $0xFFFF8000, v32;
	v32 =	vshrl.u32 v32, $0xE  }
.LBB2_2:
0x37: {  	p0 =	sne.s32 s22, $0x18E00;
	v31 =	vand.u32 $0x7FFE, v31;
	v32 =	vand.u32 $0x1, v32;
	v33 =	vshll.u32 v29, $0x1;
	v34 =	vld [tilespmem:s1+$0x70]  }
0x38: {  	v35 =	vand.u32 $0xFFFF8000, v29;
	v29 =	vshrl.u32 v29, $0xE;
	v33 =	vand.u32 $0x7FFE, v33  }
0x39: {  	s23 =	sshra.s32 s22, $0x2;
	v29 =	vand.u32 $0x1, v29;
	[tilespmem:s1+$0x0] =	vst v24;
	v24 =	vor.u32 v30, v31;
	v30 =	vor.u32 v35, v33  }
0x3a: {  	v31 =	vld [tilespmem:s23+$0x0];
	[tilespmem:s1+$0x10] =	vst v28;
	v24 =	vor.u32 v32, v24;
	v28 =	vor.u32 v29, v30;
	v29 =	vshll.u32 v26, $0x1  }
0x3b: {  	[tilespmem:s1+$0x20] =	vst v27;
	v27 =	vand.u32 $0xFFFF8000, v26;
	v29 =	vand.u32 $0x7FFE, v29;
	v26 =	vshrl.u32 v26, $0xE  }
0x3c: {  	v30 =	vld [tilespmem:s23+$0x10];
	[tilespmem:s1+$0x30] =	vst v25;
	v25 =	vor.u32 v27, v29;
	v26 =	vand.u32 $0x1, v26;
	v27 =	vshll.u32 v34, $0x1  }
0x3d: {  	v29 =	vshrl.u32 v34, $0xE;
	[tilespmem:s1+$0x40] =	vst v24;
	v24 =	vand.u32 $0xFFFF8000, v34;
	v27 =	vand.u32 $0x7FFE, v27  }
0x3e: {  	v25 =	vor.u32 v26, v25;
	v26 =	vand.u32 $0x1, v29;
	[tilespmem:s1+$0x50] =	vst v28;
	v24 =	vor.u32 v24, v27  }
0x3f: {  	v27 =	vshll.u32 v31, $0x1;
	v28 =	vld [tilespmem:s23+$0x20];
	[tilespmem:s1+$0x60] =	vst v25;
	v24 =	vor.u32 v26, v24  }
0x40: {  	v25 =	vand.u32 $0xFFFF8000, v31;
	v26 =	vand.u32 $0x7FFE, v27;
	v27 =	vshrl.u32 v31, $0xE;
	v31 =	vld [tilespmem:s23+$0x30];
	[tilespmem:s1+$0x70] =	vst v24;
	s1 =	smov.u32 s23  }
0x41: {  	v24 =	vor.u32 v25, v26;
	v25 =	vand.u32 $0x1, v27;
	v26 =	vshll.u32 v30, $0x1  }
0x42: {  	v27 =	vand.u32 $0xFFFF8000, v30;
	v29 =	vshrl.u32 v30, $0xE;
	v26 =	vand.u32 $0x7FFE, v26  }
0x43: {  	v24 =	vor.u32 v25, v24;
	v25 =	vor.u32 v27, v26;
	v26 =	vand.u32 $0x1, v29  }
0x44: {  	v27 =	vand.u32 $0xFFFF8000, v28;
	v29 =	vshll.u32 v28, $0x1;
	v28 =	vshrl.u32 v28, $0xE;
	v32 =	vld [tilespmem:s1+$0x40]  }
.Ltmp0:
0x45: {  	v30 =	vand.u32 $0x7FFE, v29;
	v33 =	vand.u32 $0x1, v28;
	v28 =	vshll.u32 v31, $0x1;
	v29 =	vld [tilespmem:s1+$0x50];
	(pc) =	sbr.rel @p0 .LBB2_2-.Ltmp0, $4  }
0x46: {  	v34 =	vand.u32 $0xFFFF8000, v31;
	v31 =	vshrl.u32 v31, $0xE;
	v28 =	vand.u32 $0x7FFE, v28  }
0x47: {  	v27 =	vor.u32 v27, v30;
	v31 =	vand.u32 $0x1, v31;
	v30 =	vor.u32 v34, v28  }
0x48: {  	v28 =	vor.u32 v26, v25;
	v27 =	vor.u32 v33, v27;
	v25 =	vor.u32 v31, v30;
	v26 =	vld [tilespmem:s1+$0x60]  }
0x49: {  	s22 =	sadd.s32 $0x200, s22;
	v30 =	vand.u32 $0xFFFF8000, v32;
	v31 =	vshll.u32 v32, $0x1;
	v32 =	vshrl.u32 v32, $0xE  }
0x4a: {  	v31 =	vand.u32 $0x7FFE, v31;
	v32 =	vand.u32 $0x1, v32;
	v33 =	vshll.u32 v29, $0x1;
	v34 =	vld [tilespmem:s1+$0x70]  }
0x4b: {  	v35 =	vand.u32 $0xFFFF8000, v29;
	v52 =	vshrl.u32 v29, $0xE;
	v33 =	vand.u32 $0x7FFE, v33  }
0x4c: {  	[tilespmem:s1+$0x0] =	vst v24;
	v53 =	vor.u32 v30, v31;
	v29 =	vand.u32 $0x1, v52;
	v54 =	vor.u32 v35, v33  }
0x4d: {  	[tilespmem:s1+$0x10] =	vst v28;
	v24 =	vor.u32 v32, v53;
	v55 =	vor.u32 v29, v54;
	v56 =	vshll.u32 v26, $0x1  }
0x4e: {  	[tilespmem:s1+$0x20] =	vst v27;
	v57 =	vand.u32 $0xFFFF8000, v26;
	v58 =	vshrl.u32 v26, $0xE;
	v29 =	vand.u32 $0x7FFE, v56  }
0x4f: {  	[tilespmem:s1+$0x30] =	vst v25;
	v26 =	vand.u32 $0x1, v58;
	v59 =	vor.u32 v57, v29;
	v60 =	vshll.u32 v34, $0x1  }
0x50: {  	[tilespmem:s1+$0x40] =	vst v24;
	v61 =	vand.u32 $0xFFFF8000, v34;
	v62 =	vshrl.u32 v34, $0xE;
	v27 =	vand.u32 $0x7FFE, v60  }
0x51: {  	[tilespmem:s1+$0x50] =	vst v55;
	v25 =	vor.u32 v26, v59;
	v63 =	vand.u32 $0x1, v62;
	v24 =	vor.u32 v61, v27  }
0x52: {  	[tilespmem:s1+$0x60] =	vst v25;
	v24 =	vor.u32 v63, v24  }
0x53: {  	s22 =	simm.s32 $0x0;
	s23 =	simm.s32 $0x0;
	[tilespmem:s1+$0x70] =	vst v24  }
0x54: {  	[tilespmem:s17], [sflag:$0x1] =	stream.indirect.gather [hbm4b:s4+s16], $0x40, s22, s16, $0xb8;
	[tilespmem:$0xE400] =	vst v63  }
.LBB2_4:
0x55: {  	_ =	swait.ge [sflag:s18], $0x2000;
	s24 =	sshllo.u32 s23, $0x1  }
0x56: {  	p0 =	seq.s32 s23, $0x0;
	[sflag:s18] =	ssyncset.done $0x0;
	s1 =	sshll.u32 s24, $0x7  }
0x57: {  	s25 =	simm.s32 @!p0 $0x2;
	[sflag:s18] =	ssyncadd.s32 $0xFFFFE000;
	s1 =	sand.u32 $0x3FFFFF80, s1  }
0x58: {  	[tilespmem:s19], [sflag:$0x1] =	stream.indirect.gather [hbm4b:s4+s16], $0x40, s1, s16, $0xb8;
	[tilespmem:$0xE400] =	vst v63  }
0x59: {  	_ =	swait.ge @!p0 [sflag:s25], $0x400  }
0x5a: {  	[sflag:s25] =	ssyncset.done @!p0 $0x0  }
0x5b: {  	[sflag:s25] =	ssyncadd.s32 @!p0 $0xFFFFFC00  }
0x5c: {  	_ =	swait.ge @!p0 [sflag:s25], $0x400  }
0x5d: {  	[sflag:s25] =	ssyncset.done @!p0 $0x0  }
0x5e: {  	[sflag:s25] =	ssyncadd.s32 @!p0 $0xFFFFFC00  }
0x5f: {  	_ =	swait.ge @!p0 [sflag:s25], $0x400  }
0x60: {  	[sflag:s25] =	ssyncset.done @!p0 $0x0  }
0x61: {  	[sflag:s25] =	ssyncadd.s32 @!p0 $0xFFFFFC00  }
0x62: {  	_ =	swait.ge @!p0 [sflag:s25], $0x400  }
0x63: {  	[sflag:s25] =	ssyncset.done @!p0 $0x0  }
0x64: {  	[sflag:s25] =	ssyncadd.s32 @!p0 $0xFFFFFC00  }
0x65: {  	s26 =	sand.u32 $0x70, s22;
	_ =	swait.ge @!p0 [sflag:s25], $0x400  }
0x66: {  	s31 =	sand.u32 $0x20, s22;
	v24 =	vor.u32 s26, v0;
	[sflag:s25] =	ssyncset.done @!p0 $0x0  }
0x67: {  	v25 =	vor.u32 s31, v0;
	v29 =	vor.u32 s31, v2;
	v34 =	vor.u32 s31, v4;
	[sflag:s25] =	ssyncadd.s32 @!p0 $0xFFFFFC00  }
0x68: {  	v35 =	vor.u32 s31, v6;
	v61 =	vor.u32 s31, v8;
	v44 =	vor.u32 s31, v10;
	_ =	swait.ge @!p0 [sflag:s25], $0x400  }
0x69: {  	s26 =	sor.u32 $0x10, s31;
	v47 =	vor.u32 s31, v12;
	v57 =	vor.u32 s31, v15;
	v49 =	vor.u32 s31, v14;
	[sflag:s25] =	ssyncset.done @!p0 $0x0  }
0x6a: {  	v30 =	vshll.u32 v24, $0x6;
	v26 =	vor.u32 s26, v0;
	v27 =	vand.u32 $0x28, v25;
	[sflag:s25] =	ssyncadd.s32 @!p0 $0xFFFFFC00  }
0x6b: {  	v25 =	vshll.u32 v25, $0x7;
	v32 =	vor.u32 v1, v30;
	v28 =	vand.u32 $0x38, v26;
	_ =	swait.ge @!p0 [sflag:s25], $0x400  }
0x6c: {  	v33 =	vand.u32 $0x28, v29;
	v29 =	vshll.u32 v29, $0x7;
	v28 =	vor.u32 v28, v32;
	[sflag:s25] =	ssyncset.done @!p0 $0x0  }
0x6d: {  	v31 =	vand.u32 $0x78, v24;
	v36 =	vand.u32 $0x28, v34;
	v60 =	vand.u32 $0x28, v35;
	[sflag:s25] =	ssyncadd.s32 @!p0 $0xFFFFFC00  }
0x6e: {  	v35 =	vshll.u32 v35, $0x7;
	v46 =	vand.u32 $0x28, v44;
	v44 =	vshll.u32 v44, $0x7;
	_ =	swait.ge @!p0 [sflag:s25], $0x400  }
0x6f: {  	v48 =	vand.u32 $0x28, v47;
	v24 =	vshll.u32 v26, $0x7;
	v26 =	vor.u32 s26, v2;
	[sflag:s25] =	ssyncset.done @!p0 $0x0  }
0x70: {  	v25 =	vor.u32 v31, v25;
	v55 =	vor.u32 v5, v30;
	v37 =	vor.u32 v31, v24;
	[sflag:s25] =	ssyncadd.s32 @!p0 $0xFFFFFC00  }
0x71: {  	v24 =	vor.u32 v3, v30;
	v38 =	vand.u32 $0x38, v26;
	v37 =	vor.u32 v1, v37;
	v28 =	vld.idx.msk [tilespmem:v28+s17+$0x0], $0xffff  }
0x72: {  	v59 =	vor.u32 v7, v30;
	v44 =	vor.u32 v31, v44;
	v38 =	vor.u32 v38, v24  }
0x73: {  	v27 =	vor.u32 v27, v32;
	v39 =	vor.u32 v1, v25;
	v25 =	vor.u32 v31, v29  }
0x74: {  	v29 =	vshll.u32 v34, $0x7;
	v36 =	vor.u32 v36, v55;
	v34 =	vor.u32 v60, v59  }
0x75: {  	v60 =	vshll.u32 v57, $0x7;
	v40 =	vor.u32 v1, v25;
	v25 =	vshll.u32 v26, $0x7  }
0x76: {  	v33 =	vor.u32 v33, v24;
	v26 =	vor.u32 s26, v4;
	v41 =	vor.u32 v31, v25;
	[tilespmem:v37+s20+$0x0] =	vst.idx.msk $0xffff, v28  }
0x77: {  	v29 =	vor.u32 v31, v29;
	v42 =	vand.u32 $0x38, v26;
	v41 =	vor.u32 v1, v41;
	v37 =	vld.idx.msk [tilespmem:v38+s17+$0x0], $0xffff  }
0x78: {  	v43 =	vor.u32 v1, v29;
	v29 =	vor.u32 v31, v35;
	v42 =	vor.u32 v42, v55  }
0x79: {  	v26 =	vshll.u32 v26, $0x7;
	v35 =	vshll.u32 v61, $0x7;
	v25 =	vor.u32 v1, v44  }
0x7a: {  	v44 =	vor.u32 v11, v30;
	v51 =	vor.u32 v1, v29;
	v29 =	vor.u32 s26, v6  }
0x7b: {  	v62 =	vor.u32 v31, v26;
	v35 =	vor.u32 v31, v35;
	v26 =	vor.u32 v9, v30;
	v63 =	vld.idx.msk [tilespmem:v27+s17+$0x0], $0xffff  }
0x7c: {  	v45 =	vand.u32 $0x38, v29;
	v52 =	vor.u32 v1, v35;
	v35 =	vand.u32 $0x28, v57;
	[tilespmem:v41+s20+$0x0] =	vst.idx.msk $0xffff, v37  }
0x7d: {  	v45 =	vor.u32 v45, v59;
	v27 =	vshll.u32 v29, $0x7;
	v38 =	vor.u32 v1, v62;
	v42 =	vld.idx.msk [tilespmem:v42+s17+$0x0], $0xffff  }
0x7e: {  	v29 =	vor.u32 s26, v8;
	v54 =	vor.u32 v31, v27;
	v28 =	vand.u32 $0x28, v61  }
0x7f: {  	v56 =	vand.u32 $0x38, v29;
	v53 =	vor.u32 v28, v26;
	v28 =	vshll.u32 v47, $0x7  }
0x80: {  	[tilespmem:v39+s20+$0x0] =	vst.idx.msk $0xffff, v63;
	v61 =	vand.u32 $0x28, v49;
	v62 =	vshll.u32 v49, $0x7;
	v50 =	vor.u32 v31, v28  }
0x81: {  	v33 =	vld.idx.msk [tilespmem:v33+s17+$0x0], $0xffff;
	v28 =	vshll.u32 v29, $0x7;
	v29 =	vor.u32 s26, v10;
	v47 =	vor.u32 v31, v62  }
0x82: {  	v62 =	vor.u32 s31, v18;
	v58 =	vor.u32 v31, v28;
	v28 =	vor.u32 v61, v32;
	[tilespmem:v38+s20+$0x0] =	vst.idx.msk $0xffff, v42  }
0x83: {  	v39 =	vor.u32 v1, v58;
	v37 =	vor.u32 v1, v54;
	v41 =	vor.u32 v56, v26;
	v45 =	vld.idx.msk [tilespmem:v45+s17+$0x0], $0xffff  }
0x84: {  	v54 =	vand.u32 $0x38, v29;
	v29 =	vshll.u32 v29, $0x7;
	v56 =	vor.u32 s26, v12  }
0x85: {  	v42 =	vor.u32 v54, v44;
	v54 =	vor.u32 v46, v44;
	v46 =	vor.u32 v13, v30  }
0x86: {  	[tilespmem:v40+s20+$0x0] =	vst.idx.msk $0xffff, v33;
	v63 =	vor.u32 v31, v29;
	v58 =	vor.u32 v48, v46;
	v48 =	vor.u32 s31, v17  }
0x87: {  	v36 =	vld.idx.msk [tilespmem:v36+s17+$0x0], $0xffff;
	v57 =	vor.u32 v1, v63;
	v38 =	vor.u32 v31, v60;
	v61 =	vshll.u32 v48, $0x7  }
0x88: {  	v40 =	vand.u32 $0x38, v56;
	v49 =	vor.u32 v1, v38;
	v63 =	vor.u32 v31, v61;
	[tilespmem:v37+s20+$0x0] =	vst.idx.msk $0xffff, v45  }
0x89: {  	v33 =	vor.u32 v40, v46;
	v27 =	vor.u32 v1, v63;
	v45 =	vand.u32 $0x28, v62;
	v41 =	vld.idx.msk [tilespmem:v41+s17+$0x0], $0xffff  }
0x8a: {  	v38 =	vor.u32 v16, v30;
	v60 =	vand.u32 $0x28, v48;
	[tilespmem:$0x1FF80] =	vst v27;
	v27 =	vor.u32 v45, v55  }
0x8b: {  	v48 =	vor.u32 v60, v24;
	v60 =	vshll.u32 v56, $0x7;
	v56 =	vor.u32 s26, v15;
	[tilespmem:$0x1FF90] =	vst v27  }
0x8c: {  	v61 =	vshll.u32 v62, $0x7;
	v30 =	vand.u32 $0x38, v56;
	v37 =	vor.u32 v31, v60;
	[tilespmem:v43+s20+$0x0] =	vst.idx.msk $0xffff, v36  }
0x8d: {  	v40 =	vor.u32 v30, v38;
	v30 =	vor.u32 s31, v19;
	v43 =	vor.u32 v1, v37;
	v34 =	vld.idx.msk [tilespmem:v34+s17+$0x0], $0xffff  }
0x8e: {  	v36 =	vor.u32 s31, v20;
	v37 =	vshll.u32 v30, $0x7;
	v30 =	vand.u32 $0x28, v30;
	[tilespmem:v39+s20+$0x0] =	vst.idx.msk $0xffff, v41  }
0x8f: {  	v63 =	vshll.u32 v56, $0x7;
	v41 =	vor.u32 v30, v59;
	v30 =	vand.u32 $0x28, v36;
	v60 =	vld.idx.msk [tilespmem:v42+s17+$0x0], $0xffff  }
0x90: {  	v56 =	vor.u32 v31, v63;
	v63 =	vor.u32 s31, v21;
	v27 =	vor.u32 v30, v26  }
0x91: {  	v45 =	vor.u32 v35, v38;
	v35 =	vor.u32 v31, v61;
	v36 =	vshll.u32 v36, $0x7;
	[tilespmem:$0x1FFA0] =	vst v27  }
0x92: {  	v62 =	vor.u32 v31, v37;
	v61 =	vor.u32 v31, v36;
	[tilespmem:v51+s20+$0x0] =	vst.idx.msk $0xffff, v34;
	v51 =	vor.u32 s26, v14  }
0x93: {  	v39 =	vor.u32 v1, v62;
	v37 =	vmovc v26;
	v26 =	vor.u32 v1, v61;
	v62 =	vand.u32 $0x38, v51  }
0x94: {  	v53 =	vld.idx.msk [tilespmem:v53+s17+$0x0], $0xffff;
	[tilespmem:v57+s20+$0x0] =	vst.idx.msk $0xffff, v60;
	v57 =	vor.u32 v62, v32;
	v62 =	vshll.u32 v63, $0x7  }
0x95: {  	v61 =	vand.u32 $0x28, v63;
	v63 =	vor.u32 s31, v22;
	v32 =	vor.u32 v31, v62  }
0x96: {  	[tilespmem:$0x1FFB0] =	vst v26;
	v34 =	vand.u32 $0x28, v63;
	v26 =	vor.u32 v1, v32  }
0x97: {  	v42 =	vor.u32 v1, v35;
	v35 =	vshll.u32 v63, $0x7;
	v33 =	vld.idx.msk [tilespmem:v33+s17+$0x0], $0xffff;
	[tilespmem:$0x1FFC0] =	vst v26;
	v26 =	vor.u32 v34, v46  }
0x98: {  	v63 =	vor.u32 v31, v35;
	[tilespmem:$0x1FFD0] =	vst v26  }
0x99: {  	v26 =	vor.u32 v1, v63;
	[tilespmem:v52+s20+$0x0] =	vst.idx.msk $0xffff, v53  }
0x9a: {  	[tilespmem:$0x1FFE0] =	vst v26  }
0x9b: {  	v35 =	vor.u32 s31, v23;
	v53 =	vld.idx.msk [tilespmem:v54+s17+$0x0], $0xffff  }
0x9c: {  	v32 =	vand.u32 $0x28, v35  }
0x9d: {  	v26 =	vor.u32 v32, v38;
	[tilespmem:v43+s20+$0x0] =	vst.idx.msk $0xffff, v33  }
0x9e: {  	[tilespmem:$0x1FFF0] =	vst v26  }
0x9f: {  	s1 =	simm.s32 $0x20;
	v56 =	vor.u32 v1, v56;
	v43 =	vld.idx.msk [tilespmem:v40+s17+$0x0], $0xffff  }
0xa0: {  	s28 =	sand.u32 $0x20, s1;
	v50 =	vor.u32 v1, v50;
	v47 =	vor.u32 v1, v47;
	v51 =	vshll.u32 v51, $0x7;
	[tilespmem:v25+s20+$0x0] =	vst.idx.msk $0xffff, v53  }
0xa1: {  	v29 =	vor.u32 s28, v6;
	v36 =	vor.u32 v61, v44;
	v51 =	vor.u32 v31, v51;
	v58 =	vld.idx.msk [tilespmem:v58+s17+$0x0], $0xffff  }
0xa2: {  	v61 =	vor.u32 s28, v0;
	v51 =	vor.u32 v1, v51;
	v62 =	vor.u32 s28, v2  }
0xa3: {  	s31 =	simm.s32 $0x8;
	v63 =	vand.u32 $0x28, v61;
	v52 =	vshll.u32 v35, $0x7;
	v54 =	vor.u32 s26, v17  }
0xa4: {  	s25 =	sand.u32 $0x70, s31;
	v33 =	vand.u32 $0x38, v54;
	v54 =	vshll.u32 v54, $0x7;
	v26 =	vor.u32 s26, v18;
	[tilespmem:v56+s20+$0x0] =	vst.idx.msk $0xffff, v43  }
0xa5: {  	v60 =	vor.u32 v33, v24;
	v24 =	vor.u32 v31, v52;
	v52 =	vor.u32 s25, v0;
	s25 =	sor.u32 $0x10, s28;
	v57 =	vld.idx.msk [tilespmem:v57+s17+$0x0], $0xffff  }
0xa6: {  	v54 =	vor.u32 v31, v54;
	v40 =	vshll.u32 v52, $0x6;
	v27 =	vor.u32 s25, v0;
	[tilespmem:v50+s20+$0x0] =	vst.idx.msk $0xffff, v58  }
0xa7: {  	v54 =	vor.u32 v1, v54;
	v35 =	vor.u32 v1, v40;
	v34 =	vand.u32 $0x38, v27;
	v45 =	vld.idx.msk [tilespmem:v45+s17+$0x0], $0xffff  }
0xa8: {  	v27 =	vshll.u32 v27, $0x7;
	v53 =	vor.u32 v34, v35;
	v25 =	vand.u32 $0x38, v26  }
0xa9: {  	v63 =	vor.u32 v63, v35;
	v26 =	vshll.u32 v26, $0x7;
	v55 =	vor.u32 v25, v55  }
0xaa: {  	v25 =	vand.u32 $0x78, v52;
	v26 =	vor.u32 v31, v26;
	v56 =	vshll.u32 v61, $0x7;
	[tilespmem:v51+s20+$0x0] =	vst.idx.msk $0xffff, v57  }
0xab: {  	v61 =	vand.u32 $0x28, v62;
	v62 =	vshll.u32 v62, $0x7;
	v27 =	vor.u32 v25, v27;
	v57 =	vld.idx.msk [tilespmem:v60+s17+$0x0], $0xffff  }
0xac: {  	v30 =	vor.u32 v1, v27;
	v27 =	vor.u32 s26, v19;
	v32 =	vor.u32 v25, v56;
	[tilespmem:v49+s20+$0x0] =	vst.idx.msk $0xffff, v45  }
0xad: {  	v56 =	vor.u32 v1, v26;
	v26 =	vand.u32 $0x38, v27;
	v50 =	vor.u32 s25, v2;
	v49 =	vld.idx.msk [tilespmem:v28+s17+$0x0], $0xffff  }
0xae: {  	v59 =	vor.u32 v26, v59;
	v58 =	vor.u32 v3, v40;
	v33 =	vand.u32 $0x38, v50  }
0xaf: {  	v26 =	vor.u32 v25, v62;
	v62 =	vor.u32 s25, v4;
	v53 =	vld.idx.msk [tilespmem:v53+s17+$0x0], $0xffff;
	v33 =	vor.u32 v33, v58  }
0xb0: {  	v51 =	vor.u32 v1, v32;
	v45 =	vor.u32 v1, v26;
	v26 =	vshll.u32 v50, $0x7;
	[tilespmem:v54+s20+$0x0] =	vst.idx.msk $0xffff, v57  }
0xb1: {  	v60 =	vor.u32 v61, v58;
	v61 =	vand.u32 $0x28, v29;
	v50 =	vor.u32 v25, v26;
	v55 =	vld.idx.msk [tilespmem:v55+s17+$0x0], $0xffff  }
0xb2: {  	v28 =	vshll.u32 v27, $0x7;
	v26 =	vor.u32 v5, v40;
	v27 =	vand.u32 $0x38, v62;
	[tilespmem:v47+s20+$0x0] =	vst.idx.msk $0xffff, v49;
	v47 =	vld.idx.msk [tilespmem:v63+s17+$0x0], $0xffff  }
0xb3: {  	v54 =	vor.u32 v27, v26;
	v27 =	vor.u32 v31, v28;
	v28 =	vor.u32 s26, v20  }
0xb4: {  	v29 =	vshll.u32 v29, $0x7;
	v57 =	vor.u32 v1, v27;
	v27 =	vand.u32 $0x38, v28  }
0xb5: {  	[tilespmem:v30+s20+$0x0] =	vst.idx.msk $0xffff, v53;
	v32 =	vor.u32 v27, v37;
	v27 =	vor.u32 v25, v29  }
0xb6: {  	v30 =	vor.u32 v1, v27;
	v27 =	vshll.u32 v62, $0x7;
	[tilespmem:v56+s20+$0x0] =	vst.idx.msk $0xffff, v55  }
0xb7: {  	v62 =	vor.u32 v25, v27;
	v27 =	vor.u32 v7, v40;
	[tilespmem:v51+s20+$0x0] =	vst.idx.msk $0xffff, v47  }
0xb8: {  	v47 =	vor.u32 v61, v27;
	v61 =	vld [tilespmem:$0x1FF80];
	_ =	sdelay $0x1  }
0xb9: {  	v33 =	vld.idx.msk [tilespmem:v33+s17+$0x0], $0xffff;
	v50 =	vor.u32 v1, v50  }
0xba: {  	v48 =	vld.idx.msk [tilespmem:v48+s17+$0x0], $0xffff;
	_ =	sdelay $0x3  }
0xbb: {  	v63 =	vor.u32 s25, v6;
	[tilespmem:v50+s20+$0x0] =	vst.idx.msk $0xffff, v33  }
0xbc: {  	v34 =	vand.u32 $0x38, v63;
	[tilespmem:v61+s20+$0x0] =	vst.idx.msk $0xffff, v48  }
0xbd: {  	v43 =	vor.u32 s28, v4;
	v56 =	vor.u32 v34, v27;
	v34 =	vld [tilespmem:$0x1FF90]  }
0xbe: {  	v52 =	vand.u32 $0x28, v43;
	v48 =	vld.idx.msk [tilespmem:v60+s17+$0x0], $0xffff  }
0xbf: {  	v43 =	vshll.u32 v43, $0x7;
	v52 =	vor.u32 v52, v26  }
0xc0: {  	v43 =	vor.u32 v25, v43  }
0xc1: {  	v43 =	vor.u32 v1, v43;
	v28 =	vshll.u32 v28, $0x7;
	v29 =	vor.u32 s28, v8  }
0xc2: {  	v28 =	vor.u32 v31, v28;
	v37 =	vor.u32 s26, v21;
	v55 =	vor.u32 v1, v62;
	v59 =	vld.idx.msk [tilespmem:v59+s17+$0x0], $0xffff  }
0xc3: {  	v53 =	vand.u32 $0x28, v29;
	v51 =	vor.u32 v1, v28;
	v28 =	vand.u32 $0x38, v37;
	v50 =	vld.idx.msk [tilespmem:v54+s17+$0x0], $0xffff;
	[tilespmem:v45+s20+$0x0] =	vst.idx.msk $0xffff, v48  }
0xc4: {  	v29 =	vshll.u32 v29, $0x7;
	v49 =	vor.u32 s28, v10;
	v44 =	vor.u32 v28, v44;
	v52 =	vld.idx.msk [tilespmem:v52+s17+$0x0], $0xffff  }
0xc5: {  	v28 =	vor.u32 v25, v29;
	v29 =	vshll.u32 v49, $0x7;
	v60 =	vand.u32 $0x28, v49;
	v49 =	vld.idx.msk [tilespmem:v34+s17+$0x0], $0xffff;
	_ =	sdelay $0x1  }
0xc6: {  	[tilespmem:v57+s20+$0x0] =	vst.idx.msk $0xffff, v59  }
0xc7: {  	v61 =	vor.u32 v1, v28;
	v28 =	vshll.u32 v63, $0x7;
	[tilespmem:v55+s20+$0x0] =	vst.idx.msk $0xffff, v50  }
0xc8: {  	v29 =	vor.u32 v25, v29;
	v63 =	vor.u32 v25, v28;
	v32 =	vld.idx.msk [tilespmem:v32+s17+$0x0], $0xffff;
	[tilespmem:v43+s20+$0x0] =	vst.idx.msk $0xffff, v52  }
0xc9: {  	v33 =	vor.u32 s28, v12;
	v57 =	vor.u32 s25, v8;
	v54 =	vor.u32 v1, v63;
	[tilespmem:v42+s20+$0x0] =	vst.idx.msk $0xffff, v49;
	v49 =	vld.idx.msk [tilespmem:v56+s17+$0x0], $0xffff  }
0xca: {  	v59 =	vshll.u32 v37, $0x7;
	v28 =	vor.u32 v9, v40;
	v50 =	vor.u32 s25, v10;
	v56 =	vld.idx.msk [tilespmem:v47+s17+$0x0], $0xffff  }
0xcb: {  	v37 =	vand.u32 $0x38, v57;
	v63 =	vor.u32 v1, v29;
	v29 =	vshll.u32 v33, $0x7;
	v41 =	vld.idx.msk [tilespmem:v41+s17+$0x0], $0xffff  }
0xcc: {  	v53 =	vor.u32 v53, v28;
	v48 =	vor.u32 v25, v29;
	v29 =	vshll.u32 v57, $0x7  }
0xcd: {  	v45 =	vor.u32 v37, v28;
	v37 =	vor.u32 s26, v22;
	[tilespmem:v51+s20+$0x0] =	vst.idx.msk $0xffff, v32;
	v32 =	vor.u32 v25, v29  }
0xce: {  	v51 =	vor.u32 s26, v23;
	v29 =	vor.u32 v11, v40;
	v34 =	vor.u32 v31, v59;
	[tilespmem:v54+s20+$0x0] =	vst.idx.msk $0xffff, v49  }
0xcf: {  	v32 =	vor.u32 v1, v32;
	v62 =	vor.u32 v1, v34;
	v34 =	vand.u32 $0x38, v37;
	[tilespmem:v30+s20+$0x0] =	vst.idx.msk $0xffff, v56  }
0xd0: {  	v57 =	vor.u32 v60, v29;
	v59 =	vand.u32 $0x38, v50;
	v46 =	vor.u32 v34, v46;
	[tilespmem:v39+s20+$0x0] =	vst.idx.msk $0xffff, v41  }
0xd1: {  	v34 =	vand.u32 $0x28, v33;
	v33 =	vor.u32 s28, v15;
	v43 =	vshll.u32 v37, $0x7;
	v30 =	vld [tilespmem:$0x1FFA0]  }
0xd2: {  	v37 =	vand.u32 $0x38, v51;
	v52 =	vor.u32 v59, v29;
	v59 =	vshll.u32 v51, $0x7;
	v45 =	vld.idx.msk [tilespmem:v45+s17+$0x0], $0xffff  }
0xd3: {  	v55 =	vand.u32 $0x28, v33;
	v38 =	vor.u32 v37, v38;
	v42 =	vor.u32 s28, v14;
	v41 =	vld.idx.msk [tilespmem:v44+s17+$0x0], $0xffff  }
0xd4: {  	v43 =	vor.u32 v31, v43;
	v33 =	vshll.u32 v33, $0x7;
	v37 =	vand.u32 $0x28, v42  }
0xd5: {  	v31 =	vor.u32 v31, v59;
	v33 =	vor.u32 v25, v33;
	v47 =	vor.u32 v37, v35  }
0xd6: {  	v54 =	vshll.u32 v50, $0x7;
	v39 =	vor.u32 v1, v43;
	v43 =	vor.u32 v1, v48;
	v51 =	vld.idx.msk [tilespmem:v53+s17+$0x0], $0xffff  }
0xd7: {  	v48 =	vor.u32 v1, v33;
	v33 =	vor.u32 v25, v54;
	[tilespmem:v32+s20+$0x0] =	vst.idx.msk $0xffff, v45  }
0xd8: {  	v59 =	vor.u32 s28, v17;
	v44 =	vor.u32 s25, v12;
	v54 =	vor.u32 v1, v31;
	[tilespmem:v62+s20+$0x0] =	vst.idx.msk $0xffff, v41;
	v62 =	vld.idx.msk [tilespmem:v52+s17+$0x0], $0xffff  }
0xd9: {  	v31 =	vand.u32 $0x28, v59;
	v60 =	vand.u32 $0x38, v44;
	v37 =	vld.idx.msk [tilespmem:v30+s17+$0x0], $0xffff;
	v30 =	vor.u32 v13, v40  }
0xda: {  	v33 =	vor.u32 v1, v33;
	v53 =	vor.u32 v60, v30;
	v60 =	vshll.u32 v59, $0x7;
	v59 =	vld [tilespmem:$0x1FFB0]  }
0xdb: {  	v46 =	vld.idx.msk [tilespmem:v46+s17+$0x0], $0xffff;
	[tilespmem:v61+s20+$0x0] =	vst.idx.msk $0xffff, v51  }
0xdc: {  	v51 =	vld.idx.msk [tilespmem:v57+s17+$0x0], $0xffff;
	_ =	sdelay $0x2  }
0xdd: {  	[tilespmem:v33+s20+$0x0] =	vst.idx.msk $0xffff, v62  }
0xde: {  	[tilespmem:v39+s20+$0x0] =	vst.idx.msk $0xffff, v46  }
0xdf: {  	[tilespmem:v63+s20+$0x0] =	vst.idx.msk $0xffff, v51  }
0xe0: {  	[tilespmem:v59+s20+$0x0] =	vst.idx.msk $0xffff, v37  }
0xe1: {  	v42 =	vshll.u32 v42, $0x7;
	v51 =	vld [tilespmem:$0x1FFC0]  }
0xe2: {  	v50 =	vor.u32 v25, v42;
	v56 =	vor.u32 s28, v18  }
0xe3: {  	v49 =	vor.u32 v1, v50;
	v50 =	vor.u32 v31, v58;
	v34 =	vor.u32 v34, v30  }
0xe4: {  	v31 =	vor.u32 v25, v60;
	v60 =	vshll.u32 v44, $0x7;
	v44 =	vor.u32 s25, v15;
	v36 =	vld.idx.msk [tilespmem:v36+s17+$0x0], $0xffff  }
0xe5: {  	v62 =	vor.u32 s28, v19;
	v45 =	vor.u32 v1, v31;
	v31 =	vand.u32 $0x28, v56  }
0xe6: {  	v61 =	vand.u32 $0x38, v44;
	v33 =	vshll.u32 v62, $0x7;
	v37 =	vor.u32 v25, v60  }
0xe7: {  	v41 =	vor.u32 v31, v26;
	v31 =	vor.u32 v16, v40;
	v46 =	vld.idx.msk [tilespmem:v53+s17+$0x0], $0xffff;
	v37 =	vor.u32 v1, v37  }
0xe8: {  	v52 =	vor.u32 v55, v31;
	v55 =	vor.u32 v61, v31;
	v61 =	vor.u32 v25, v33;
	v33 =	vld.idx.msk [tilespmem:v34+s17+$0x0], $0xffff  }
0xe9: {  	v32 =	vshll.u32 v56, $0x7;
	v53 =	vld.idx.msk [tilespmem:v38+s17+$0x0], $0xffff;
	[tilespmem:v51+s20+$0x0] =	vst.idx.msk $0xffff, v36  }
0xea: {  	v32 =	vor.u32 v25, v32;
	v36 =	vld [tilespmem:$0x1FFD0]  }
0xeb: {  	v56 =	vor.u32 s28, v20;
	v39 =	vor.u32 v1, v61;
	v61 =	vor.u32 s28, v22  }
0xec: {  	v44 =	vshll.u32 v44, $0x7;
	v63 =	vand.u32 $0x28, v61;
	v60 =	vand.u32 $0x28, v62;
	[tilespmem:v37+s20+$0x0] =	vst.idx.msk $0xffff, v46  }
0xed: {  	v62 =	vand.u32 $0x28, v56;
	v56 =	vshll.u32 v56, $0x7;
	v59 =	vor.u32 s28, v21;
	[tilespmem:v43+s20+$0x0] =	vst.idx.msk $0xffff, v33  }
0xee: {  	v42 =	vor.u32 v60, v27;
	v34 =	vor.u32 v25, v56;
	v60 =	vand.u32 $0x28, v59;
	[tilespmem:v54+s20+$0x0] =	vst.idx.msk $0xffff, v53  }
0xef: {  	v37 =	vor.u32 v1, v34;
	v34 =	vshll.u32 v59, $0x7;
	v59 =	vshll.u32 v61, $0x7;
	v61 =	vld [tilespmem:$0x1FFE0]  }
0xf0: {  	v40 =	vor.u32 v1, v32;
	v32 =	vor.u32 v25, v44  }
0xf1: {  	v56 =	vor.u32 v1, v32;
	v55 =	vld.idx.msk [tilespmem:v55+s17+$0x0], $0xffff  }
0xf2: {  	v51 =	vld.idx.msk [tilespmem:v36+s17+$0x0], $0xffff;
	_ =	sdelay $0x3  }
0xf3: {  	[tilespmem:v56+s20+$0x0] =	vst.idx.msk $0xffff, v55  }
0xf4: {  	v44 =	vor.u32 s25, v14;
	[tilespmem:v61+s20+$0x0] =	vst.idx.msk $0xffff, v51  }
0xf5: {  	v57 =	vand.u32 $0x38, v44;
	v36 =	vor.u32 v60, v29;
	v60 =	vshll.u32 v44, $0x7;
	v44 =	vld [tilespmem:$0x1FFF0];
	_ =	sdelay $0x1  }
0xf6: {  	v46 =	vor.u32 v57, v35;
	_ =	sdelay $0x1  }
0xf7: {  	v38 =	vor.u32 v62, v28;
	v43 =	vor.u32 s28, v23;
	v53 =	vor.u32 s25, v17;
	v52 =	vld.idx.msk [tilespmem:v52+s17+$0x0], $0xffff  }
0xf8: {  	v62 =	vor.u32 v25, v34;
	v34 =	vor.u32 v63, v30;
	v32 =	vor.u32 v25, v59  }
0xf9: {  	v63 =	vand.u32 $0x38, v53;
	v35 =	vor.u32 v1, v62;
	v33 =	vor.u32 v25, v60  }
0xfa: {  	v32 =	vor.u32 v1, v32;
	v62 =	vand.u32 $0x28, v43;
	v54 =	vld.idx.msk [tilespmem:v46+s17+$0x0], $0xffff;
	v55 =	vor.u32 v1, v33  }
0xfb: {  	s30 =	simm.s32 $0x10;
	s26 =	simm.s32 $0x2;
	s28 =	simm.s32 $0x40;
	v46 =	vshll.u32 v43, $0x7;
	v33 =	vor.u32 v62, v31;
	v51 =	vld.idx.msk [tilespmem:v44+s17+$0x0], $0xffff;
	v44 =	vor.u32 v63, v58  }
.LBB2_5:
0xfc: {  	s1 =	sand.u32 $0x70, s30;
	s31 =	sand.u32 $0x20, s28;
	s26 =	sadd.s32 $0x2, s26;
	[tilespmem:v48+s20+$0x0] =	vst.idx.msk $0xffff, v52;
	v48 =	vor.u32 v1, v24;
	v24 =	vor.u32 v25, v46  }
0xfd: {  	v52 =	vor.u32 s1, v0;
	v56 =	vor.u32 s31, v0;
	v57 =	vor.u32 s31, v2;
	s1 =	sor.u32 $0x10, s31;
	p0 =	slt.u32 s26, $0x1E;
	v47 =	vld.idx.msk [tilespmem:v47+s17+$0x0], $0xffff  }
0xfe: {  	v58 =	vand.u32 $0x28, v56;
	v46 =	vshll.u32 v52, $0x6;
	v59 =	vor.u32 s1, v0  }
0xff: {  	v53 =	vshll.u32 v53, $0x7;
	v43 =	vor.u32 v1, v46;
	v60 =	vand.u32 $0x38, v59;
	[tilespmem:v55+s20+$0x0] =	vst.idx.msk $0xffff, v54  }
0x100: {  	v54 =	vor.u32 v60, v43;
	v55 =	vld.idx.msk [tilespmem:v44+s17+$0x0], $0xffff;
	v44 =	vor.u32 v25, v53;
	v53 =	vor.u32 s25, v18  }
0x101: {  	v58 =	vor.u32 v58, v43;
	v60 =	vor.u32 v1, v44;
	v44 =	vand.u32 $0x38, v53;
	[tilespmem:v48+s20+$0x0] =	vst.idx.msk $0xffff, v51  }
0x102: {  	v48 =	vshll.u32 v56, $0x7;
	v56 =	vand.u32 $0x28, v57;
	v26 =	vor.u32 v44, v26  }
0x103: {  	v61 =	vor.u32 s31, v4;
	v62 =	vor.u32 s31, v6;
	v57 =	vshll.u32 v57, $0x7;
	[tilespmem:v49+s20+$0x0] =	vst.idx.msk $0xffff, v47  }
0x104: {  	v51 =	vand.u32 $0x78, v52;
	v44 =	vshll.u32 v59, $0x7;
	v47 =	vand.u32 $0x28, v61;
	v49 =	vld.idx.msk [tilespmem:v50+s17+$0x0], $0xffff  }
0x105: {  	v53 =	vshll.u32 v53, $0x7;
	v52 =	vor.u32 v51, v44;
	v50 =	vld.idx.msk [tilespmem:v54+s17+$0x0], $0xffff;
	v54 =	vor.u32 s1, v2  }
0x106: {  	v44 =	vor.u32 v3, v46;
	v52 =	vor.u32 v1, v52;
	v59 =	vand.u32 $0x38, v54;
	[tilespmem:v60+s20+$0x0] =	vst.idx.msk $0xffff, v55  }
0x107: {  	v55 =	vor.u32 v59, v44;
	v59 =	vld.idx.msk [tilespmem:v26+s17+$0x0], $0xffff;
	v26 =	vor.u32 v25, v53;
	v53 =	vor.u32 s25, v19  }
0x108: {  	v48 =	vor.u32 v51, v48;
	v58 =	vld.idx.msk [tilespmem:v58+s17+$0x0], $0xffff;
	v60 =	vor.u32 v1, v26;
	v26 =	vand.u32 $0x38, v53  }
0x109: {  	v48 =	vor.u32 v1, v48;
	v56 =	vor.u32 v56, v44;
	v27 =	vor.u32 v26, v27  }
0x10a: {  	v26 =	vor.u32 v51, v57;
	v57 =	vshll.u32 v61, $0x7;
	v61 =	vand.u32 $0x28, v62;
	[tilespmem:v45+s20+$0x0] =	vst.idx.msk $0xffff, v49  }
0x10b: {  	v45 =	vor.u32 v1, v26;
	v49 =	vor.u32 v51, v57;
	v26 =	vshll.u32 v54, $0x7;
	[tilespmem:v52+s20+$0x0] =	vst.idx.msk $0xffff, v50  }
0x10c: {  	v53 =	vshll.u32 v53, $0x7;
	v54 =	vor.u32 s1, v4;
	v52 =	vor.u32 v51, v26;
	v50 =	vld.idx.msk [tilespmem:v55+s17+$0x0], $0xffff  }
0x10d: {  	v26 =	vor.u32 v5, v46;
	v52 =	vor.u32 v1, v52;
	v55 =	vand.u32 $0x38, v54;
	[tilespmem:v60+s20+$0x0] =	vst.idx.msk $0xffff, v59  }
0x10e: {  	v55 =	vor.u32 v55, v26;
	v57 =	vld.idx.msk [tilespmem:v27+s17+$0x0], $0xffff;
	v27 =	vor.u32 v25, v53;
	v53 =	vor.u32 s25, v20  }
0x10f: {  	v47 =	vor.u32 v47, v26;
	[tilespmem:v48+s20+$0x0] =	vst.idx.msk $0xffff, v58;
	v48 =	vor.u32 v1, v27;
	v27 =	vand.u32 $0x38, v53  }
0x110: {  	v49 =	vor.u32 v1, v49;
	v58 =	vshll.u32 v62, $0x7;
	v56 =	vld.idx.msk [tilespmem:v56+s17+$0x0], $0xffff;
	v28 =	vor.u32 v27, v28  }
0x111: {  	v59 =	vor.u32 s31, v10;
	v27 =	vor.u32 v51, v58;
	v58 =	vor.u32 s31, v8;
	v41 =	vld.idx.msk [tilespmem:v41+s17+$0x0], $0xffff  }
0x112: {  	v60 =	vor.u32 v1, v27;
	v62 =	vand.u32 $0x28, v58;
	v27 =	vshll.u32 v54, $0x7;
	[tilespmem:v52+s20+$0x0] =	vst.idx.msk $0xffff, v50  }
0x113: {  	v53 =	vshll.u32 v53, $0x7;
	v54 =	vor.u32 s1, v6;
	v52 =	vor.u32 v51, v27;
	v50 =	vld.idx.msk [tilespmem:v55+s17+$0x0], $0xffff  }
0x114: {  	v27 =	vor.u32 v7, v46;
	v52 =	vor.u32 v1, v52;
	v55 =	vand.u32 $0x38, v54;
	[tilespmem:v48+s20+$0x0] =	vst.idx.msk $0xffff, v57  }
0x115: {  	v48 =	vor.u32 v55, v27;
	v55 =	vld.idx.msk [tilespmem:v28+s17+$0x0], $0xffff;
	v28 =	vor.u32 v25, v53;
	v53 =	vor.u32 s25, v21  }
0x116: {  	[tilespmem:v45+s20+$0x0] =	vst.idx.msk $0xffff, v56;
	v45 =	vor.u32 v61, v27;
	v56 =	vor.u32 v1, v28;
	v28 =	vand.u32 $0x38, v53  }
0x117: {  	v57 =	vshll.u32 v58, $0x7;
	v58 =	vand.u32 $0x28, v59;
	v47 =	vld.idx.msk [tilespmem:v47+s17+$0x0], $0xffff;
	[tilespmem:v40+s20+$0x0] =	vst.idx.msk $0xffff, v41;
	v29 =	vor.u32 v28, v29  }
0x118: {  	v28 =	vor.u32 v51, v57;
	v40 =	vshll.u32 v59, $0x7;
	v41 =	vor.u32 s31, v12;
	v42 =	vld.idx.msk [tilespmem:v42+s17+$0x0], $0xffff  }
0x119: {  	v57 =	vor.u32 v1, v28;
	v40 =	vor.u32 v51, v40;
	v28 =	vshll.u32 v54, $0x7;
	[tilespmem:v52+s20+$0x0] =	vst.idx.msk $0xffff, v50  }
0x11a: {  	v53 =	vshll.u32 v53, $0x7;
	v50 =	vor.u32 v51, v28;
	v52 =	vor.u32 s1, v8;
	v48 =	vld.idx.msk [tilespmem:v48+s17+$0x0], $0xffff  }
0x11b: {  	v28 =	vor.u32 v9, v46;
	v50 =	vor.u32 v1, v50;
	v54 =	vand.u32 $0x38, v52;
	[tilespmem:v56+s20+$0x0] =	vst.idx.msk $0xffff, v55  }
0x11c: {  	v54 =	vor.u32 v54, v28;
	v55 =	vld.idx.msk [tilespmem:v29+s17+$0x0], $0xffff;
	v29 =	vor.u32 v25, v53;
	v53 =	vor.u32 s25, v22  }
0x11d: {  	[tilespmem:v49+s20+$0x0] =	vst.idx.msk $0xffff, v47;
	v47 =	vor.u32 v62, v28;
	v49 =	vor.u32 v1, v29;
	v29 =	vand.u32 $0x38, v53  }
0x11e: {  	v40 =	vor.u32 v1, v40;
	v56 =	vand.u32 $0x28, v41;
	v45 =	vld.idx.msk [tilespmem:v45+s17+$0x0], $0xffff;
	v30 =	vor.u32 v29, v30  }
0x11f: {  	v59 =	vor.u32 s31, v14;
	v29 =	vshll.u32 v41, $0x7;
	v41 =	vor.u32 s31, v15;
	[tilespmem:v39+s20+$0x0] =	vst.idx.msk $0xffff, v42  }
0x120: {  	v39 =	vor.u32 v51, v29;
	v42 =	vand.u32 $0x28, v41;
	v29 =	vshll.u32 v52, $0x7;
	[tilespmem:v50+s20+$0x0] =	vst.idx.msk $0xffff, v48;
	v38 =	vld.idx.msk [tilespmem:v38+s17+$0x0], $0xffff  }
0x121: {  	v53 =	vshll.u32 v53, $0x7;
	v52 =	vor.u32 s1, v10;
	v48 =	vor.u32 v51, v29;
	v50 =	vld.idx.msk [tilespmem:v54+s17+$0x0], $0xffff  }
0x122: {  	v29 =	vor.u32 v11, v46;
	v54 =	vor.u32 v1, v48;
	v48 =	vand.u32 $0x38, v52;
	[tilespmem:v49+s20+$0x0] =	vst.idx.msk $0xffff, v55  }
0x123: {  	v49 =	vor.u32 v48, v29;
	v55 =	vld.idx.msk [tilespmem:v30+s17+$0x0], $0xffff;
	v30 =	vor.u32 v25, v53;
	v53 =	vor.u32 s25, v23;
	s25 =	smov.u32 s1  }
0x124: {  	[tilespmem:v60+s20+$0x0] =	vst.idx.msk $0xffff, v45;
	v45 =	vor.u32 v58, v29;
	v58 =	vor.u32 v1, v30;
	v30 =	vand.u32 $0x38, v53  }
0x125: {  	v61 =	vor.u32 v1, v39;
	v39 =	vshll.u32 v41, $0x7;
	v60 =	vld.idx.msk [tilespmem:v47+s17+$0x0], $0xffff;
	v31 =	vor.u32 v30, v31  }
0x126: {  	v41 =	vshll.u32 v59, $0x7;
	v30 =	vor.u32 v51, v39;
	v39 =	vand.u32 $0x28, v59;
	[tilespmem:v37+s20+$0x0] =	vst.idx.msk $0xffff, v38  }
0x127: {  	v48 =	vor.u32 v1, v30;
	v47 =	vor.u32 v39, v43;
	v30 =	vshll.u32 v52, $0x7;
	[tilespmem:v54+s20+$0x0] =	vst.idx.msk $0xffff, v50  }
0x128: {  	v39 =	vor.u32 s25, v12;
	v38 =	vor.u32 v51, v30;
	v37 =	vld.idx.msk [tilespmem:v49+s17+$0x0], $0xffff;
	v49 =	vshll.u32 v53, $0x7  }
0x129: {  	v30 =	vor.u32 v13, v46;
	v50 =	vand.u32 $0x38, v39;
	v38 =	vor.u32 v1, v38;
	[tilespmem:v58+s20+$0x0] =	vst.idx.msk $0xffff, v55  }
0x12a: {  	v52 =	vor.u32 v56, v30;
	v53 =	vor.u32 v50, v30;
	v50 =	vor.u32 v25, v49;
	v54 =	vld.idx.msk [tilespmem:v31+s17+$0x0], $0xffff  }
0x12b: {  	v31 =	vor.u32 v51, v41;
	v41 =	vor.u32 s31, v17;
	v55 =	vor.u32 v1, v50;
	[tilespmem:v57+s20+$0x0] =	vst.idx.msk $0xffff, v60  }
0x12c: {  	v25 =	vmovc v51;
	v49 =	vor.u32 v1, v31;
	v31 =	vand.u32 $0x28, v41;
	v41 =	vshll.u32 v41, $0x7;
	v56 =	vld.idx.msk [tilespmem:v45+s17+$0x0], $0xffff  }
0x12d: {  	v51 =	vor.u32 s31, v18;
	v50 =	vor.u32 v31, v44;
	v31 =	vor.u32 v25, v41;
	v36 =	vld.idx.msk [tilespmem:v36+s17+$0x0], $0xffff  }
0x12e: {  	v45 =	vor.u32 v1, v31;
	v31 =	vand.u32 $0x28, v51;
	[tilespmem:v38+s20+$0x0] =	vst.idx.msk $0xffff, v37;
	v37 =	vshll.u32 v39, $0x7  }
0x12f: {  	v57 =	vor.u32 s25, v15;
	v41 =	vor.u32 v31, v26;
	v53 =	vld.idx.msk [tilespmem:v53+s17+$0x0], $0xffff;
	v37 =	vor.u32 v25, v37  }
0x130: {  	v31 =	vor.u32 v16, v46;
	v38 =	vand.u32 $0x38, v57;
	v37 =	vor.u32 v1, v37;
	[tilespmem:v55+s20+$0x0] =	vst.idx.msk $0xffff, v54  }
0x131: {  	v39 =	vshll.u32 v51, $0x7;
	v46 =	vor.u32 v42, v31;
	v51 =	vor.u32 v38, v31  }
0x132: {  	v38 =	vor.u32 v25, v39;
	v39 =	vor.u32 s31, v19;
	v54 =	vor.u32 s31, v20;
	[tilespmem:v40+s20+$0x0] =	vst.idx.msk $0xffff, v56  }
0x133: {  	v40 =	vor.u32 v1, v38;
	v38 =	vand.u32 $0x28, v39;
	v39 =	vshll.u32 v39, $0x7;
	v52 =	vld.idx.msk [tilespmem:v52+s17+$0x0], $0xffff;
	[tilespmem:v35+s20+$0x0] =	vst.idx.msk $0xffff, v36  }
0x134: {  	v42 =	vor.u32 v38, v27;
	v35 =	vor.u32 v25, v39;
	v36 =	vand.u32 $0x28, v54;
	v55 =	vld.idx.msk [tilespmem:v34+s17+$0x0], $0xffff  }
0x135: {  	v39 =	vor.u32 v1, v35;
	v38 =	vor.u32 v36, v28;
	v34 =	vshll.u32 v57, $0x7;
	[tilespmem:v37+s20+$0x0] =	vst.idx.msk $0xffff, v53  }
0x136: {  	v35 =	vshll.u32 v54, $0x7;
	v34 =	vor.u32 v25, v34;
	v53 =	vor.u32 s25, v14;
	v51 =	vld.idx.msk [tilespmem:v51+s17+$0x0], $0xffff  }
0x137: {  	v35 =	vor.u32 v25, v35;
	v54 =	vor.u32 v1, v34;
	v34 =	vand.u32 $0x38, v53  }
0x138: {  	v37 =	vor.u32 v1, v35;
	v35 =	vor.u32 s31, v21;
	v43 =	vor.u32 v34, v43  }
0x139: {  	v56 =	vor.u32 s31, v22;
	v34 =	vand.u32 $0x28, v35;
	v35 =	vshll.u32 v35, $0x7;
	[tilespmem:v61+s20+$0x0] =	vst.idx.msk $0xffff, v52  }
0x13a: {  	v36 =	vor.u32 v34, v29;
	v34 =	vor.u32 v25, v35;
	v52 =	vld.idx.msk [tilespmem:v46+s17+$0x0], $0xffff;
	v46 =	vand.u32 $0x28, v56  }
.Ltmp1:
0x13b: {  	v35 =	vor.u32 v1, v34;
	v34 =	vor.u32 v46, v30;
	v46 =	vshll.u32 v56, $0x7;
	[tilespmem:v32+s20+$0x0] =	vst.idx.msk $0xffff, v55;
	(pc) =	sbr.rel @p0 .LBB2_5-.Ltmp1, $4  }
0x13c: {  	v53 =	vshll.u32 v53, $0x7;
	v32 =	vor.u32 v25, v46;
	v46 =	vor.u32 s31, v23;
	[tilespmem:v54+s20+$0x0] =	vst.idx.msk $0xffff, v51;
	v51 =	vld.idx.msk [tilespmem:v33+s17+$0x0], $0xffff  }
0x13d: {  	v33 =	vor.u32 v25, v53;
	v53 =	vor.u32 s25, v17;
	v32 =	vor.u32 v1, v32;
	v54 =	vld.idx.msk [tilespmem:v43+s17+$0x0], $0xffff  }
0x13e: {  	v43 =	vand.u32 $0x28, v46;
	v55 =	vor.u32 v1, v33;
	v56 =	vand.u32 $0x38, v53  }
0x13f: {  	s28 =	sadd.s32 $0x20, s28;
	s30 =	sadd.s32 $0x8, s30;
	v46 =	vshll.u32 v46, $0x7;
	v33 =	vor.u32 v43, v31;
	v44 =	vor.u32 v56, v44  }
0x140: {  	_ =	sdelay $0x3  }
0x141: {  	[tilespmem:v48+s20+$0x0] =	vst.idx.msk $0xffff, v52  }
0x142: {  	v43 =	vld.idx.msk [tilespmem:v47+s17+$0x0], $0xffff;
	_ =	sdelay $0x2  }
0x143: {  	v53 =	vshll.u32 v53, $0x7  }
0x144: {  	v56 =	vor.u32 s25, v18;
	v47 =	vor.u32 v25, v53;
	[tilespmem:v55+s20+$0x0] =	vst.idx.msk $0xffff, v54  }
0x145: {  	v57 =	vand.u32 $0x38, v56;
	v47 =	vor.u32 v1, v47;
	v44 =	vld.idx.msk [tilespmem:v44+s17+$0x0], $0xffff;
	[tilespmem:v49+s20+$0x0] =	vst.idx.msk $0xffff, v43  }
0x146: {  	v26 =	vor.u32 v57, v26;
	v43 =	vld.idx.msk [tilespmem:v50+s17+$0x0], $0xffff;
	_ =	sdelay $0x2  }
0x147: {  	v48 =	vshll.u32 v56, $0x7  }
0x148: {  	v59 =	vor.u32 s25, v19;
	v58 =	vor.u32 v25, v48;
	[tilespmem:v47+s20+$0x0] =	vst.idx.msk $0xffff, v44  }
0x149: {  	v60 =	vand.u32 $0x38, v59;
	v44 =	vor.u32 v1, v58;
	v26 =	vld.idx.msk [tilespmem:v26+s17+$0x0], $0xffff;
	[tilespmem:v45+s20+$0x0] =	vst.idx.msk $0xffff, v43  }
0x14a: {  	v27 =	vor.u32 v60, v27;
	v41 =	vld.idx.msk [tilespmem:v41+s17+$0x0], $0xffff;
	_ =	sdelay $0x2  }
0x14b: {  	v61 =	vshll.u32 v59, $0x7  }
0x14c: {  	v62 =	vor.u32 s25, v20;
	[tilespmem:v44+s20+$0x0] =	vst.idx.msk $0xffff, v26;
	v26 =	vor.u32 v25, v61  }
0x14d: {  	v63 =	vand.u32 $0x38, v62;
	v27 =	vld.idx.msk [tilespmem:v27+s17+$0x0], $0xffff;
	v26 =	vor.u32 v1, v26;
	[tilespmem:v40+s20+$0x0] =	vst.idx.msk $0xffff, v41  }
0x14e: {  	v28 =	vor.u32 v63, v28;
	v40 =	vld.idx.msk [tilespmem:v42+s17+$0x0], $0xffff;
	_ =	sdelay $0x2  }
0x14f: {  	v47 =	vshll.u32 v62, $0x7  }
0x150: {  	[tilespmem:v26+s20+$0x0] =	vst.idx.msk $0xffff, v27;
	v26 =	vor.u32 v25, v47;
	v27 =	vor.u32 s25, v21  }
0x151: {  	v28 =	vld.idx.msk [tilespmem:v28+s17+$0x0], $0xffff;
	v26 =	vor.u32 v1, v26;
	v48 =	vand.u32 $0x38, v27;
	[tilespmem:v39+s20+$0x0] =	vst.idx.msk $0xffff, v40  }
0x152: {  	v29 =	vor.u32 v48, v29;
	v38 =	vld.idx.msk [tilespmem:v38+s17+$0x0], $0xffff;
	_ =	sdelay $0x2  }
0x153: {  	v27 =	vshll.u32 v27, $0x7  }
0x154: {  	[tilespmem:v26+s20+$0x0] =	vst.idx.msk $0xffff, v28;
	v26 =	vor.u32 v25, v27;
	v27 =	vor.u32 s25, v22  }
0x155: {  	v28 =	vld.idx.msk [tilespmem:v29+s17+$0x0], $0xffff;
	v26 =	vor.u32 v1, v26;
	v29 =	vand.u32 $0x38, v27;
	[tilespmem:v37+s20+$0x0] =	vst.idx.msk $0xffff, v38  }
0x156: {  	v29 =	vor.u32 v29, v30;
	v30 =	vld.idx.msk [tilespmem:v36+s17+$0x0], $0xffff;
	_ =	sdelay $0x2  }
0x157: {  	v27 =	vshll.u32 v27, $0x7  }
0x158: {  	[tilespmem:v26+s20+$0x0] =	vst.idx.msk $0xffff, v28;
	v26 =	vor.u32 v25, v27;
	v27 =	vor.u32 s25, v23  }
0x159: {  	v28 =	vld.idx.msk [tilespmem:v29+s17+$0x0], $0xffff;
	v26 =	vor.u32 v1, v26;
	v29 =	vand.u32 $0x38, v27;
	[tilespmem:v35+s20+$0x0] =	vst.idx.msk $0xffff, v30  }
0x15a: {  	v29 =	vor.u32 v29, v31;
	v30 =	vld.idx.msk [tilespmem:v34+s17+$0x0], $0xffff;
	_ =	sdelay $0x2  }
0x15b: {  	v27 =	vshll.u32 v27, $0x7  }
0x15c: {  	v24 =	vor.u32 v1, v24;
	[tilespmem:v26+s20+$0x0] =	vst.idx.msk $0xffff, v28;
	v26 =	vor.u32 v25, v27  }
0x15d: {  	v25 =	vor.u32 v25, v46;
	v27 =	vld.idx.msk [tilespmem:v29+s17+$0x0], $0xffff;
	v26 =	vor.u32 v1, v26;
	[tilespmem:v32+s20+$0x0] =	vst.idx.msk $0xffff, v30  }
0x15e: {  	v25 =	vor.u32 v1, v25;
	v28 =	vld.idx.msk [tilespmem:v33+s17+$0x0], $0xffff;
	_ =	sdelay $0x1  }
0x15f: {  	s1 =	sshll.u32 s23, $0x13  }
0x160: {  	s1 =	sor.u32 s6, s1;
	[tilespmem:v24+s20+$0x0] =	vst.idx.msk $0xffff, v51  }
0x161: {  	s1 =	sshrl.u32 s1, $0x3;
	[tilespmem:v26+s20+$0x0] =	vst.idx.msk $0xffff, v27  }
0x162: {  	s26 =	sadd.s32 s2, s1;
	[tilespmem:v25+s20+$0x0] =	vst.idx.msk $0xffff, v28  }
0x163: {  	[hbm4b:s26+s3] =	stream.linear.scatter [tilespmem:s20], [sflag:$0x2], $0x400, $0x38;
	[tilespmem:$0xE400] =	vst v63  }
0x164: {  	s31 =	sadd.s32 s1, s7;
	s26 =	simm.s32 $0xA800  }
0x165: {  	[hbm4b:s31+s3] =	stream.linear.scatter [tilespmem:s26], [sflag:$0x2], $0x400, $0x38;
	[tilespmem:$0xE400] =	vst v63  }
0x166: {  	s26 =	sadd.s32 s1, s8;
	s31 =	simm.s32 $0xAC00  }
0x167: {  	[hbm4b:s26+s3] =	stream.linear.scatter [tilespmem:s31], [sflag:$0x2], $0x400, $0x38;
	[tilespmem:$0xE400] =	vst v63  }
0x168: {  	s26 =	sadd.s32 s1, s9;
	s31 =	simm.s32 $0xB000  }
0x169: {  	[hbm4b:s26+s3] =	stream.linear.scatter [tilespmem:s31], [sflag:$0x2], $0x400, $0x38;
	[tilespmem:$0xE400] =	vst v63  }
0x16a: {  	s26 =	sadd.s32 s1, s10;
	s31 =	simm.s32 $0xB400  }
0x16b: {  	[hbm4b:s26+s3] =	stream.linear.scatter [tilespmem:s31], [sflag:$0x2], $0x400, $0x38;
	[tilespmem:$0xE400] =	vst v63  }
0x16c: {  	s26 =	sadd.s32 s1, s11;
	s31 =	simm.s32 $0xB800  }
0x16d: {  	[hbm4b:s26+s3] =	stream.linear.scatter [tilespmem:s31], [sflag:$0x2], $0x400, $0x38;
	[tilespmem:$0xE400] =	vst v63  }
0x16e: {  	s26 =	sadd.s32 s1, s12;
	s31 =	simm.s32 $0xBC00  }
0x16f: {  	[hbm4b:s26+s3] =	stream.linear.scatter [tilespmem:s31], [sflag:$0x2], $0x400, $0x38;
	[tilespmem:$0xE400] =	vst v63  }
0x170: {  	p0 =	seq.s32 s23, $0x63;
	s1 =	sadd.s32 s1, s13;
	s31 =	simm.s32 $0xC000  }
0x171: {  	[hbm4b:s1+s3] =	stream.linear.scatter [tilespmem:s31], [sflag:$0x2], $0x400, $0x38;
	[tilespmem:$0xE400] =	vst v63  }
0x172: {  	p1 =	seq.s32 @!p0 s23, $0x0;
	s1 =	sshll.u32 @!p0 s23, $0x8;
	_ =	swait.ge [sflag:s18], $0x2000  }
0x173: {  	s25 =	simm.s32 @!p0 $0x80;
	s1 =	sand.u32 @!p0 $0x3FFFFF00, s1;
	[sflag:s18] =	ssyncset.done $0x0  }
0x174: {  	s26 =	simm.s32 @!p0 $0x6400;
	s1 =	sadd.s32 @!p0 $0x100, s1;
	[sflag:s18] =	ssyncadd.s32 $0xFFFFE000  }
0x175: {  	[tilespmem:s26], [sflag:$0x1] =	stream.indirect.gather @!p0 [hbm4b:s4+s25], $0x40, s1, s25, $0xb8;
	[tilespmem:$0xE400] =	vst v63  }
0x176: {  	p0 =	por p0, !p1  }
0x177: {  	_ =	swait.ge @p0 [sflag:s21], $0x400  }
0x178: {  	[sflag:s21] =	ssyncset.done @p0 $0x0  }
0x179: {  	[sflag:s21] =	ssyncadd.s32 @p0 $0xFFFFFC00  }
0x17a: {  	_ =	swait.ge @p0 [sflag:s21], $0x400  }
0x17b: {  	[sflag:s21] =	ssyncset.done @p0 $0x0  }
0x17c: {  	[sflag:s21] =	ssyncadd.s32 @p0 $0xFFFFFC00  }
0x17d: {  	_ =	swait.ge @p0 [sflag:s21], $0x400  }
0x17e: {  	[sflag:s21] =	ssyncset.done @p0 $0x0  }
0x17f: {  	[sflag:s21] =	ssyncadd.s32 @p0 $0xFFFFFC00  }
0x180: {  	_ =	swait.ge @p0 [sflag:s21], $0x400  }
0x181: {  	[sflag:s21] =	ssyncset.done @p0 $0x0  }
0x182: {  	s25 =	simm.s32 $0x0;
	[sflag:s21] =	ssyncadd.s32 @p0 $0xFFFFFC00  }
0x183: {  	s26 =	sand.u32 $0x70, s25;
	s1 =	sand.u32 $0x20, s25;
	_ =	swait.ge @p0 [sflag:s21], $0x400  }
0x184: {  	v24 =	vor.u32 s26, v0;
	v25 =	vor.u32 s1, v0;
	[sflag:s21] =	ssyncset.done @p0 $0x0  }
0x185: {  	v29 =	vor.u32 s1, v2;
	v50 =	vor.u32 s1, v4;
	v51 =	vor.u32 s1, v6;
	[sflag:s21] =	ssyncadd.s32 @p0 $0xFFFFFC00  }
0x186: {  	s26 =	sor.u32 $0x10, s1;
	v62 =	vor.u32 s1, v8;
	v63 =	vor.u32 s1, v10;
	v56 =	vor.u32 s1, v12;
	_ =	swait.ge @p0 [sflag:s21], $0x400  }
0x187: {  	v30 =	vshll.u32 v24, $0x6;
	v26 =	vor.u32 s26, v0;
	v27 =	vand.u32 $0x28, v25;
	[sflag:s21] =	ssyncset.done @p0 $0x0  }
0x188: {  	v25 =	vshll.u32 v25, $0x7;
	v49 =	vand.u32 $0x28, v29;
	v29 =	vshll.u32 v29, $0x7;
	[sflag:s21] =	ssyncadd.s32 @p0 $0xFFFFFC00  }
0x189: {  	v31 =	vand.u32 $0x78, v24;
	v32 =	vor.u32 v1, v30;
	v28 =	vand.u32 $0x38, v26;
	_ =	swait.ge @p0 [sflag:s21], $0x400  }
0x18a: {  	v57 =	vand.u32 $0x28, v50;
	v34 =	vand.u32 $0x28, v51;
	v28 =	vor.u32 v28, v32;
	[sflag:s21] =	ssyncset.done @p0 $0x0  }
0x18b: {  	v35 =	vshll.u32 v51, $0x7;
	v46 =	vand.u32 $0x28, v63;
	v44 =	vshll.u32 v63, $0x7;
	[sflag:s21] =	ssyncadd.s32 @p0 $0xFFFFFC00  }
0x18c: {  	v48 =	vand.u32 $0x28, v56;
	v24 =	vshll.u32 v26, $0x7;
	v26 =	vor.u32 s26, v2;
	_ =	swait.ge @p0 [sflag:s21], $0x400  }
0x18d: {  	v25 =	vor.u32 v31, v25;
	v55 =	vor.u32 v5, v30;
	v44 =	vor.u32 v31, v44;
	[sflag:s21] =	ssyncset.done @p0 $0x0  }
0x18e: {  	v27 =	vor.u32 v27, v32;
	v58 =	vor.u32 v31, v24;
	v24 =	vor.u32 v3, v30;
	[sflag:s21] =	ssyncadd.s32 @p0 $0xFFFFFC00  }
0x18f: {  	v59 =	vand.u32 $0x38, v26;
	v39 =	vor.u32 v1, v25;
	v37 =	vor.u32 v1, v58;
	v28 =	vld.idx.msk [tilespmem:v28+s19+$0x0], $0xffff  }
0x190: {  	v25 =	vor.u32 v31, v29;
	v29 =	vshll.u32 v50, $0x7;
	v38 =	vor.u32 v59, v24  }
0x191: {  	v36 =	vor.u32 v57, v55;
	v33 =	vor.u32 v49, v24;
	v40 =	vor.u32 v1, v25  }
0x192: {  	v29 =	vor.u32 v31, v29;
	v25 =	vshll.u32 v26, $0x7;
	v26 =	vor.u32 s26, v4  }
0x193: {  	v59 =	vor.u32 v7, v30;
	v60 =	vor.u32 v31, v25;
	v61 =	vand.u32 $0x38, v26  }
0x194: {  	v43 =	vor.u32 v1, v29;
	v29 =	vor.u32 v31, v35;
	v26 =	vshll.u32 v26, $0x7;
	[tilespmem:v37+s29+$0x0] =	vst.idx.msk $0xffff, v28  }
0x195: {  	v35 =	vshll.u32 v62, $0x7;
	v34 =	vor.u32 v34, v59;
	v41 =	vor.u32 v1, v60;
	v37 =	vld.idx.msk [tilespmem:v38+s19+$0x0], $0xffff  }
0x196: {  	v25 =	vor.u32 v1, v44;
	v44 =	vor.u32 v11, v30;
	v42 =	vor.u32 v61, v55  }
0x197: {  	v51 =	vor.u32 v1, v29;
	v29 =	vor.u32 s26, v6;
	v53 =	vor.u32 v31, v26;
	v57 =	vld.idx.msk [tilespmem:v27+s19+$0x0], $0xffff  }
0x198: {  	v35 =	vor.u32 v31, v35;
	v26 =	vor.u32 v9, v30;
	v54 =	vand.u32 $0x38, v29  }
0x199: {  	v61 =	vor.u32 s1, v15;
	v52 =	vor.u32 v1, v35;
	v45 =	vor.u32 v54, v59  }
0x19a: {  	v35 =	vand.u32 $0x28, v61;
	v54 =	vor.u32 v46, v44;
	v46 =	vor.u32 v13, v30;
	[tilespmem:v41+s29+$0x0] =	vst.idx.msk $0xffff, v37  }
0x19b: {  	v27 =	vshll.u32 v29, $0x7;
	v28 =	vand.u32 $0x28, v62;
	v38 =	vor.u32 v1, v53;
	v42 =	vld.idx.msk [tilespmem:v42+s19+$0x0], $0xffff  }
0x19c: {  	v29 =	vor.u32 s26, v8;
	[tilespmem:v39+s29+$0x0] =	vst.idx.msk $0xffff, v57;
	v53 =	vor.u32 v28, v26;
	v28 =	vshll.u32 v56, $0x7  }
0x19d: {  	v58 =	vor.u32 v31, v27;
	v33 =	vld.idx.msk [tilespmem:v33+s19+$0x0], $0xffff;
	v63 =	vor.u32 v31, v28;
	v28 =	vshll.u32 v29, $0x7  }
0x19e: {  	v60 =	vand.u32 $0x38, v29;
	v62 =	vor.u32 s1, v14;
	v57 =	vor.u32 v31, v28  }
0x19f: {  	v56 =	vor.u32 s26, v12;
	v50 =	vor.u32 v1, v63;
	v39 =	vor.u32 v1, v57  }
0x1a0: {  	v29 =	vor.u32 s26, v10;
	v37 =	vor.u32 v1, v58;
	v41 =	vor.u32 v60, v26;
	[tilespmem:v38+s29+$0x0] =	vst.idx.msk $0xffff, v42  }
0x1a1: {  	v58 =	vand.u32 $0x38, v29;
	v60 =	vshll.u32 v61, $0x7;
	v61 =	vand.u32 $0x28, v62;
	v45 =	vld.idx.msk [tilespmem:v45+s19+$0x0], $0xffff  }
0x1a2: {  	v62 =	vshll.u32 v62, $0x7;
	v29 =	vshll.u32 v29, $0x7;
	[tilespmem:v40+s29+$0x0] =	vst.idx.msk $0xffff, v33;
	v40 =	vand.u32 $0x38, v56  }
0x1a3: {  	v28 =	vor.u32 v61, v32;
	v63 =	vor.u32 v31, v29;
	v47 =	vor.u32 v31, v62  }
0x1a4: {  	v42 =	vor.u32 v58, v44;
	v58 =	vor.u32 v48, v46;
	v48 =	vor.u32 s1, v17  }
0x1a5: {  	v36 =	vld.idx.msk [tilespmem:v36+s19+$0x0], $0xffff;
	v33 =	vor.u32 v40, v46;
	v57 =	vor.u32 v1, v63;
	v61 =	vshll.u32 v48, $0x7  }
0x1a6: {  	v62 =	vor.u32 s1, v18;
	v38 =	vor.u32 v31, v60;
	v63 =	vor.u32 v31, v61;
	[tilespmem:v37+s29+$0x0] =	vst.idx.msk $0xffff, v45  }
0x1a7: {  	v49 =	vor.u32 v1, v38;
	v27 =	vor.u32 v1, v63;
	v45 =	vand.u32 $0x28, v62;
	v41 =	vld.idx.msk [tilespmem:v41+s19+$0x0], $0xffff  }
0x1a8: {  	v60 =	vand.u32 $0x28, v48;
	v38 =	vor.u32 v16, v30;
	[tilespmem:$0x1FF00] =	vst v27;
	v27 =	vor.u32 v45, v55  }
0x1a9: {  	v48 =	vor.u32 v60, v24;
	v60 =	vshll.u32 v56, $0x7;
	v56 =	vor.u32 s26, v15;
	[tilespmem:$0x1FF10] =	vst v27  }
0x1aa: {  	v61 =	vshll.u32 v62, $0x7;
	v30 =	vand.u32 $0x38, v56;
	v37 =	vor.u32 v31, v60;
	[tilespmem:v43+s29+$0x0] =	vst.idx.msk $0xffff, v36  }
0x1ab: {  	v40 =	vor.u32 v30, v38;
	v30 =	vor.u32 s1, v19;
	v43 =	vor.u32 v1, v37;
	v34 =	vld.idx.msk [tilespmem:v34+s19+$0x0], $0xffff  }
0x1ac: {  	v36 =	vor.u32 s1, v20;
	v37 =	vshll.u32 v30, $0x7;
	v30 =	vand.u32 $0x28, v30;
	[tilespmem:v39+s29+$0x0] =	vst.idx.msk $0xffff, v41  }
0x1ad: {  	v63 =	vshll.u32 v56, $0x7;
	v41 =	vor.u32 v30, v59;
	v30 =	vand.u32 $0x28, v36;
	v60 =	vld.idx.msk [tilespmem:v42+s19+$0x0], $0xffff  }
0x1ae: {  	v56 =	vor.u32 v31, v63;
	v63 =	vor.u32 s1, v21;
	v27 =	vor.u32 v30, v26  }
0x1af: {  	v45 =	vor.u32 v35, v38;
	v35 =	vor.u32 v31, v61;
	v36 =	vshll.u32 v36, $0x7;
	[tilespmem:$0x1FF20] =	vst v27  }
0x1b0: {  	v62 =	vor.u32 v31, v37;
	v61 =	vor.u32 v31, v36;
	[tilespmem:v51+s29+$0x0] =	vst.idx.msk $0xffff, v34;
	v51 =	vor.u32 s26, v14  }
0x1b1: {  	v39 =	vor.u32 v1, v62;
	v37 =	vmovc v26;
	v26 =	vor.u32 v1, v61;
	v62 =	vand.u32 $0x38, v51  }
0x1b2: {  	v53 =	vld.idx.msk [tilespmem:v53+s19+$0x0], $0xffff;
	[tilespmem:v57+s29+$0x0] =	vst.idx.msk $0xffff, v60;
	v57 =	vor.u32 v62, v32;
	v62 =	vshll.u32 v63, $0x7  }
0x1b3: {  	v61 =	vand.u32 $0x28, v63;
	v63 =	vor.u32 s1, v22;
	v32 =	vor.u32 v31, v62  }
0x1b4: {  	[tilespmem:$0x1FF30] =	vst v26;
	v34 =	vand.u32 $0x28, v63;
	v26 =	vor.u32 v1, v32  }
0x1b5: {  	v42 =	vor.u32 v1, v35;
	v35 =	vshll.u32 v63, $0x7;
	v33 =	vld.idx.msk [tilespmem:v33+s19+$0x0], $0xffff;
	[tilespmem:$0x1FF40] =	vst v26;
	v26 =	vor.u32 v34, v46  }
0x1b6: {  	v63 =	vor.u32 v31, v35;
	[tilespmem:$0x1FF50] =	vst v26  }
0x1b7: {  	v26 =	vor.u32 v1, v63;
	[tilespmem:v52+s29+$0x0] =	vst.idx.msk $0xffff, v53  }
0x1b8: {  	[tilespmem:$0x1FF60] =	vst v26  }
0x1b9: {  	v35 =	vor.u32 s1, v23;
	v53 =	vld.idx.msk [tilespmem:v54+s19+$0x0], $0xffff  }
0x1ba: {  	v32 =	vand.u32 $0x28, v35  }
0x1bb: {  	v26 =	vor.u32 v32, v38;
	[tilespmem:v43+s29+$0x0] =	vst.idx.msk $0xffff, v33  }
0x1bc: {  	[tilespmem:$0x1FF70] =	vst v26  }
0x1bd: {  	v56 =	vor.u32 v1, v56;
	v51 =	vshll.u32 v51, $0x7;
	v43 =	vld.idx.msk [tilespmem:v40+s19+$0x0], $0xffff  }
0x1be: {  	v51 =	vor.u32 v31, v51;
	s1 =	simm.s32 $0x20;
	[tilespmem:v25+s29+$0x0] =	vst.idx.msk $0xffff, v53  }
0x1bf: {  	v47 =	vor.u32 v1, v47;
	v36 =	vor.u32 v61, v44;
	v51 =	vor.u32 v1, v51;
	s28 =	sand.u32 $0x20, s1;
	v58 =	vld.idx.msk [tilespmem:v58+s19+$0x0], $0xffff  }
0x1c0: {  	v61 =	vor.u32 s28, v0;
	v62 =	vor.u32 s28, v2;
	v29 =	vor.u32 s28, v6  }
0x1c1: {  	s31 =	simm.s32 $0x8;
	v52 =	vshll.u32 v35, $0x7;
	v63 =	vand.u32 $0x28, v61;
	v54 =	vor.u32 s26, v17  }
0x1c2: {  	s25 =	sand.u32 $0x70, s31;
	v33 =	vand.u32 $0x38, v54;
	v54 =	vshll.u32 v54, $0x7;
	v26 =	vor.u32 s26, v18;
	[tilespmem:v56+s29+$0x0] =	vst.idx.msk $0xffff, v43  }
0x1c3: {  	v60 =	vor.u32 v33, v24;
	v24 =	vor.u32 v31, v52;
	v52 =	vor.u32 s25, v0;
	s25 =	sor.u32 $0x10, s28;
	v57 =	vld.idx.msk [tilespmem:v57+s19+$0x0], $0xffff  }
0x1c4: {  	v54 =	vor.u32 v31, v54;
	v40 =	vshll.u32 v52, $0x6;
	v27 =	vor.u32 s25, v0;
	[tilespmem:v50+s29+$0x0] =	vst.idx.msk $0xffff, v58  }
0x1c5: {  	v54 =	vor.u32 v1, v54;
	v35 =	vor.u32 v1, v40;
	v34 =	vand.u32 $0x38, v27;
	v45 =	vld.idx.msk [tilespmem:v45+s19+$0x0], $0xffff  }
0x1c6: {  	v27 =	vshll.u32 v27, $0x7;
	v53 =	vor.u32 v34, v35;
	v25 =	vand.u32 $0x38, v26  }
0x1c7: {  	v63 =	vor.u32 v63, v35;
	v26 =	vshll.u32 v26, $0x7;
	v55 =	vor.u32 v25, v55  }
0x1c8: {  	v25 =	vand.u32 $0x78, v52;
	v26 =	vor.u32 v31, v26;
	v56 =	vshll.u32 v61, $0x7;
	[tilespmem:v51+s29+$0x0] =	vst.idx.msk $0xffff, v57  }
0x1c9: {  	v61 =	vand.u32 $0x28, v62;
	v62 =	vshll.u32 v62, $0x7;
	v27 =	vor.u32 v25, v27;
	v57 =	vld.idx.msk [tilespmem:v60+s19+$0x0], $0xffff  }
0x1ca: {  	v30 =	vor.u32 v1, v27;
	v27 =	vor.u32 s26, v19;
	v32 =	vor.u32 v25, v56;
	[tilespmem:v49+s29+$0x0] =	vst.idx.msk $0xffff, v45  }
0x1cb: {  	v56 =	vor.u32 v1, v26;
	v26 =	vand.u32 $0x38, v27;
	v50 =	vor.u32 s25, v2;
	v49 =	vld.idx.msk [tilespmem:v28+s19+$0x0], $0xffff  }
0x1cc: {  	v59 =	vor.u32 v26, v59;
	v58 =	vor.u32 v3, v40;
	v33 =	vand.u32 $0x38, v50  }
0x1cd: {  	v26 =	vor.u32 v25, v62;
	v62 =	vor.u32 s25, v4;
	v53 =	vld.idx.msk [tilespmem:v53+s19+$0x0], $0xffff;
	v33 =	vor.u32 v33, v58  }
0x1ce: {  	v51 =	vor.u32 v1, v32;
	v45 =	vor.u32 v1, v26;
	v26 =	vshll.u32 v50, $0x7;
	[tilespmem:v54+s29+$0x0] =	vst.idx.msk $0xffff, v57  }
0x1cf: {  	v60 =	vor.u32 v61, v58;
	v61 =	vand.u32 $0x28, v29;
	v50 =	vor.u32 v25, v26;
	v55 =	vld.idx.msk [tilespmem:v55+s19+$0x0], $0xffff  }
0x1d0: {  	v28 =	vshll.u32 v27, $0x7;
	v26 =	vor.u32 v5, v40;
	v27 =	vand.u32 $0x38, v62;
	[tilespmem:v47+s29+$0x0] =	vst.idx.msk $0xffff, v49;
	v47 =	vld.idx.msk [tilespmem:v63+s19+$0x0], $0xffff  }
0x1d1: {  	v54 =	vor.u32 v27, v26;
	v27 =	vor.u32 v31, v28;
	v28 =	vor.u32 s26, v20  }
0x1d2: {  	v29 =	vshll.u32 v29, $0x7;
	v57 =	vor.u32 v1, v27;
	v27 =	vand.u32 $0x38, v28  }
0x1d3: {  	[tilespmem:v30+s29+$0x0] =	vst.idx.msk $0xffff, v53;
	v32 =	vor.u32 v27, v37;
	v27 =	vor.u32 v25, v29  }
0x1d4: {  	v30 =	vor.u32 v1, v27;
	v27 =	vshll.u32 v62, $0x7;
	[tilespmem:v56+s29+$0x0] =	vst.idx.msk $0xffff, v55  }
0x1d5: {  	v62 =	vor.u32 v25, v27;
	v27 =	vor.u32 v7, v40;
	[tilespmem:v51+s29+$0x0] =	vst.idx.msk $0xffff, v47  }
0x1d6: {  	v47 =	vor.u32 v61, v27;
	v61 =	vld [tilespmem:$0x1FF00];
	_ =	sdelay $0x1  }
0x1d7: {  	v33 =	vld.idx.msk [tilespmem:v33+s19+$0x0], $0xffff;
	v50 =	vor.u32 v1, v50  }
0x1d8: {  	v48 =	vld.idx.msk [tilespmem:v48+s19+$0x0], $0xffff;
	_ =	sdelay $0x3  }
0x1d9: {  	v63 =	vor.u32 s25, v6;
	[tilespmem:v50+s29+$0x0] =	vst.idx.msk $0xffff, v33  }
0x1da: {  	v34 =	vand.u32 $0x38, v63;
	[tilespmem:v61+s29+$0x0] =	vst.idx.msk $0xffff, v48  }
0x1db: {  	v43 =	vor.u32 s28, v4;
	v56 =	vor.u32 v34, v27;
	v34 =	vld [tilespmem:$0x1FF10]  }
0x1dc: {  	v52 =	vand.u32 $0x28, v43;
	v48 =	vld.idx.msk [tilespmem:v60+s19+$0x0], $0xffff  }
0x1dd: {  	v43 =	vshll.u32 v43, $0x7;
	v52 =	vor.u32 v52, v26  }
0x1de: {  	v43 =	vor.u32 v25, v43  }
0x1df: {  	v43 =	vor.u32 v1, v43;
	v28 =	vshll.u32 v28, $0x7;
	v29 =	vor.u32 s28, v8  }
0x1e0: {  	v28 =	vor.u32 v31, v28;
	v37 =	vor.u32 s26, v21;
	v55 =	vor.u32 v1, v62;
	v59 =	vld.idx.msk [tilespmem:v59+s19+$0x0], $0xffff  }
0x1e1: {  	v53 =	vand.u32 $0x28, v29;
	v51 =	vor.u32 v1, v28;
	v28 =	vand.u32 $0x38, v37;
	v50 =	vld.idx.msk [tilespmem:v54+s19+$0x0], $0xffff;
	[tilespmem:v45+s29+$0x0] =	vst.idx.msk $0xffff, v48  }
0x1e2: {  	v29 =	vshll.u32 v29, $0x7;
	v49 =	vor.u32 s28, v10;
	v44 =	vor.u32 v28, v44;
	v52 =	vld.idx.msk [tilespmem:v52+s19+$0x0], $0xffff  }
0x1e3: {  	v28 =	vor.u32 v25, v29;
	v29 =	vshll.u32 v49, $0x7;
	v60 =	vand.u32 $0x28, v49;
	v49 =	vld.idx.msk [tilespmem:v34+s19+$0x0], $0xffff;
	_ =	sdelay $0x1  }
0x1e4: {  	[tilespmem:v57+s29+$0x0] =	vst.idx.msk $0xffff, v59  }
0x1e5: {  	v61 =	vor.u32 v1, v28;
	v28 =	vshll.u32 v63, $0x7;
	[tilespmem:v55+s29+$0x0] =	vst.idx.msk $0xffff, v50  }
0x1e6: {  	v29 =	vor.u32 v25, v29;
	v63 =	vor.u32 v25, v28;
	v32 =	vld.idx.msk [tilespmem:v32+s19+$0x0], $0xffff;
	[tilespmem:v43+s29+$0x0] =	vst.idx.msk $0xffff, v52  }
0x1e7: {  	v33 =	vor.u32 s28, v12;
	v57 =	vor.u32 s25, v8;
	v54 =	vor.u32 v1, v63;
	[tilespmem:v42+s29+$0x0] =	vst.idx.msk $0xffff, v49;
	v49 =	vld.idx.msk [tilespmem:v56+s19+$0x0], $0xffff  }
0x1e8: {  	v59 =	vshll.u32 v37, $0x7;
	v28 =	vor.u32 v9, v40;
	v50 =	vor.u32 s25, v10;
	v56 =	vld.idx.msk [tilespmem:v47+s19+$0x0], $0xffff  }
0x1e9: {  	v37 =	vand.u32 $0x38, v57;
	v63 =	vor.u32 v1, v29;
	v29 =	vshll.u32 v33, $0x7;
	v41 =	vld.idx.msk [tilespmem:v41+s19+$0x0], $0xffff  }
0x1ea: {  	v53 =	vor.u32 v53, v28;
	v48 =	vor.u32 v25, v29;
	v29 =	vshll.u32 v57, $0x7  }
0x1eb: {  	v45 =	vor.u32 v37, v28;
	v37 =	vor.u32 s26, v22;
	[tilespmem:v51+s29+$0x0] =	vst.idx.msk $0xffff, v32;
	v32 =	vor.u32 v25, v29  }
0x1ec: {  	v51 =	vor.u32 s26, v23;
	v29 =	vor.u32 v11, v40;
	v34 =	vor.u32 v31, v59;
	[tilespmem:v54+s29+$0x0] =	vst.idx.msk $0xffff, v49  }
0x1ed: {  	v32 =	vor.u32 v1, v32;
	v62 =	vor.u32 v1, v34;
	v34 =	vand.u32 $0x38, v37;
	[tilespmem:v30+s29+$0x0] =	vst.idx.msk $0xffff, v56  }
0x1ee: {  	v57 =	vor.u32 v60, v29;
	v59 =	vand.u32 $0x38, v50;
	v46 =	vor.u32 v34, v46;
	[tilespmem:v39+s29+$0x0] =	vst.idx.msk $0xffff, v41  }
0x1ef: {  	v34 =	vand.u32 $0x28, v33;
	v33 =	vor.u32 s28, v15;
	v43 =	vshll.u32 v37, $0x7;
	v30 =	vld [tilespmem:$0x1FF20]  }
0x1f0: {  	v37 =	vand.u32 $0x38, v51;
	v52 =	vor.u32 v59, v29;
	v59 =	vshll.u32 v51, $0x7;
	v45 =	vld.idx.msk [tilespmem:v45+s19+$0x0], $0xffff  }
0x1f1: {  	v55 =	vand.u32 $0x28, v33;
	v38 =	vor.u32 v37, v38;
	v42 =	vor.u32 s28, v14;
	v41 =	vld.idx.msk [tilespmem:v44+s19+$0x0], $0xffff  }
0x1f2: {  	v43 =	vor.u32 v31, v43;
	v33 =	vshll.u32 v33, $0x7;
	v37 =	vand.u32 $0x28, v42  }
0x1f3: {  	v31 =	vor.u32 v31, v59;
	v33 =	vor.u32 v25, v33;
	v47 =	vor.u32 v37, v35  }
0x1f4: {  	v54 =	vshll.u32 v50, $0x7;
	v39 =	vor.u32 v1, v43;
	v43 =	vor.u32 v1, v48;
	v51 =	vld.idx.msk [tilespmem:v53+s19+$0x0], $0xffff  }
0x1f5: {  	v48 =	vor.u32 v1, v33;
	v33 =	vor.u32 v25, v54;
	[tilespmem:v32+s29+$0x0] =	vst.idx.msk $0xffff, v45  }
0x1f6: {  	v59 =	vor.u32 s28, v17;
	v44 =	vor.u32 s25, v12;
	v54 =	vor.u32 v1, v31;
	[tilespmem:v62+s29+$0x0] =	vst.idx.msk $0xffff, v41;
	v62 =	vld.idx.msk [tilespmem:v52+s19+$0x0], $0xffff  }
0x1f7: {  	v31 =	vand.u32 $0x28, v59;
	v60 =	vand.u32 $0x38, v44;
	v37 =	vld.idx.msk [tilespmem:v30+s19+$0x0], $0xffff;
	v30 =	vor.u32 v13, v40  }
0x1f8: {  	v33 =	vor.u32 v1, v33;
	v53 =	vor.u32 v60, v30;
	v60 =	vshll.u32 v59, $0x7;
	v59 =	vld [tilespmem:$0x1FF30]  }
0x1f9: {  	v46 =	vld.idx.msk [tilespmem:v46+s19+$0x0], $0xffff;
	[tilespmem:v61+s29+$0x0] =	vst.idx.msk $0xffff, v51  }
0x1fa: {  	v51 =	vld.idx.msk [tilespmem:v57+s19+$0x0], $0xffff;
	_ =	sdelay $0x2  }
0x1fb: {  	[tilespmem:v33+s29+$0x0] =	vst.idx.msk $0xffff, v62  }
0x1fc: {  	[tilespmem:v39+s29+$0x0] =	vst.idx.msk $0xffff, v46  }
0x1fd: {  	[tilespmem:v63+s29+$0x0] =	vst.idx.msk $0xffff, v51  }
0x1fe: {  	[tilespmem:v59+s29+$0x0] =	vst.idx.msk $0xffff, v37  }
0x1ff: {  	v42 =	vshll.u32 v42, $0x7;
	v51 =	vld [tilespmem:$0x1FF40]  }
0x200: {  	v50 =	vor.u32 v25, v42;
	v56 =	vor.u32 s28, v18  }
0x201: {  	v49 =	vor.u32 v1, v50;
	v50 =	vor.u32 v31, v58;
	v34 =	vor.u32 v34, v30  }
0x202: {  	v31 =	vor.u32 v25, v60;
	v60 =	vshll.u32 v44, $0x7;
	v44 =	vor.u32 s25, v15;
	v36 =	vld.idx.msk [tilespmem:v36+s19+$0x0], $0xffff  }
0x203: {  	v62 =	vor.u32 s28, v19;
	v45 =	vor.u32 v1, v31;
	v31 =	vand.u32 $0x28, v56  }
0x204: {  	v61 =	vand.u32 $0x38, v44;
	v33 =	vshll.u32 v62, $0x7;
	v37 =	vor.u32 v25, v60  }
0x205: {  	v41 =	vor.u32 v31, v26;
	v31 =	vor.u32 v16, v40;
	v46 =	vld.idx.msk [tilespmem:v53+s19+$0x0], $0xffff;
	v37 =	vor.u32 v1, v37  }
0x206: {  	v52 =	vor.u32 v55, v31;
	v55 =	vor.u32 v61, v31;
	v61 =	vor.u32 v25, v33;
	v33 =	vld.idx.msk [tilespmem:v34+s19+$0x0], $0xffff  }
0x207: {  	v32 =	vshll.u32 v56, $0x7;
	v53 =	vld.idx.msk [tilespmem:v38+s19+$0x0], $0xffff;
	[tilespmem:v51+s29+$0x0] =	vst.idx.msk $0xffff, v36  }
0x208: {  	v32 =	vor.u32 v25, v32;
	v36 =	vld [tilespmem:$0x1FF50]  }
0x209: {  	v56 =	vor.u32 s28, v20;
	v39 =	vor.u32 v1, v61;
	v61 =	vor.u32 s28, v22  }
0x20a: {  	v44 =	vshll.u32 v44, $0x7;
	v63 =	vand.u32 $0x28, v61;
	v60 =	vand.u32 $0x28, v62;
	[tilespmem:v37+s29+$0x0] =	vst.idx.msk $0xffff, v46  }
0x20b: {  	v62 =	vand.u32 $0x28, v56;
	v56 =	vshll.u32 v56, $0x7;
	v59 =	vor.u32 s28, v21;
	[tilespmem:v43+s29+$0x0] =	vst.idx.msk $0xffff, v33  }
0x20c: {  	v42 =	vor.u32 v60, v27;
	v34 =	vor.u32 v25, v56;
	v60 =	vand.u32 $0x28, v59;
	[tilespmem:v54+s29+$0x0] =	vst.idx.msk $0xffff, v53  }
0x20d: {  	v37 =	vor.u32 v1, v34;
	v34 =	vshll.u32 v59, $0x7;
	v59 =	vshll.u32 v61, $0x7;
	v61 =	vld [tilespmem:$0x1FF60]  }
0x20e: {  	v40 =	vor.u32 v1, v32;
	v32 =	vor.u32 v25, v44  }
0x20f: {  	v56 =	vor.u32 v1, v32;
	v55 =	vld.idx.msk [tilespmem:v55+s19+$0x0], $0xffff  }
0x210: {  	v51 =	vld.idx.msk [tilespmem:v36+s19+$0x0], $0xffff;
	_ =	sdelay $0x3  }
0x211: {  	[tilespmem:v56+s29+$0x0] =	vst.idx.msk $0xffff, v55  }
0x212: {  	v44 =	vor.u32 s25, v14;
	[tilespmem:v61+s29+$0x0] =	vst.idx.msk $0xffff, v51  }
0x213: {  	v57 =	vand.u32 $0x38, v44;
	v36 =	vor.u32 v60, v29;
	v60 =	vshll.u32 v44, $0x7;
	v44 =	vld [tilespmem:$0x1FF70];
	_ =	sdelay $0x1  }
0x214: {  	v46 =	vor.u32 v57, v35;
	_ =	sdelay $0x1  }
0x215: {  	v38 =	vor.u32 v62, v28;
	v43 =	vor.u32 s28, v23;
	v53 =	vor.u32 s25, v17;
	v52 =	vld.idx.msk [tilespmem:v52+s19+$0x0], $0xffff  }
0x216: {  	v62 =	vor.u32 v25, v34;
	v34 =	vor.u32 v63, v30;
	v32 =	vor.u32 v25, v59  }
0x217: {  	v63 =	vand.u32 $0x38, v53;
	v35 =	vor.u32 v1, v62;
	v33 =	vor.u32 v25, v60  }
0x218: {  	v32 =	vor.u32 v1, v32;
	v62 =	vand.u32 $0x28, v43;
	v54 =	vld.idx.msk [tilespmem:v46+s19+$0x0], $0xffff;
	v55 =	vor.u32 v1, v33  }
0x219: {  	s30 =	simm.s32 $0x10;
	s26 =	simm.s32 $0x2;
	s28 =	simm.s32 $0x40;
	v46 =	vshll.u32 v43, $0x7;
	v33 =	vor.u32 v62, v31;
	v51 =	vld.idx.msk [tilespmem:v44+s19+$0x0], $0xffff;
	v44 =	vor.u32 v63, v58  }
.LBB2_7:
0x21a: {  	s1 =	sand.u32 $0x70, s30;
	s31 =	sand.u32 $0x20, s28;
	s26 =	sadd.s32 $0x2, s26;
	[tilespmem:v48+s29+$0x0] =	vst.idx.msk $0xffff, v52;
	v48 =	vor.u32 v1, v24;
	v24 =	vor.u32 v25, v46  }
0x21b: {  	v52 =	vor.u32 s1, v0;
	v56 =	vor.u32 s31, v0;
	v57 =	vor.u32 s31, v2;
	s1 =	sor.u32 $0x10, s31;
	p0 =	slt.u32 s26, $0x1E;
	v47 =	vld.idx.msk [tilespmem:v47+s19+$0x0], $0xffff  }
0x21c: {  	v58 =	vand.u32 $0x28, v56;
	v46 =	vshll.u32 v52, $0x6;
	v59 =	vor.u32 s1, v0  }
0x21d: {  	v53 =	vshll.u32 v53, $0x7;
	v43 =	vor.u32 v1, v46;
	v60 =	vand.u32 $0x38, v59;
	[tilespmem:v55+s29+$0x0] =	vst.idx.msk $0xffff, v54  }
0x21e: {  	v54 =	vor.u32 v60, v43;
	v55 =	vld.idx.msk [tilespmem:v44+s19+$0x0], $0xffff;
	v44 =	vor.u32 v25, v53;
	v53 =	vor.u32 s25, v18  }
0x21f: {  	v58 =	vor.u32 v58, v43;
	v60 =	vor.u32 v1, v44;
	v44 =	vand.u32 $0x38, v53;
	[tilespmem:v48+s29+$0x0] =	vst.idx.msk $0xffff, v51  }
0x220: {  	v48 =	vshll.u32 v56, $0x7;
	v56 =	vand.u32 $0x28, v57;
	v26 =	vor.u32 v44, v26  }
0x221: {  	v61 =	vor.u32 s31, v4;
	v62 =	vor.u32 s31, v6;
	v57 =	vshll.u32 v57, $0x7;
	[tilespmem:v49+s29+$0x0] =	vst.idx.msk $0xffff, v47  }
0x222: {  	v51 =	vand.u32 $0x78, v52;
	v44 =	vshll.u32 v59, $0x7;
	v47 =	vand.u32 $0x28, v61;
	v49 =	vld.idx.msk [tilespmem:v50+s19+$0x0], $0xffff  }
0x223: {  	v53 =	vshll.u32 v53, $0x7;
	v52 =	vor.u32 v51, v44;
	v50 =	vld.idx.msk [tilespmem:v54+s19+$0x0], $0xffff;
	v54 =	vor.u32 s1, v2  }
0x224: {  	v44 =	vor.u32 v3, v46;
	v52 =	vor.u32 v1, v52;
	v59 =	vand.u32 $0x38, v54;
	[tilespmem:v60+s29+$0x0] =	vst.idx.msk $0xffff, v55  }
0x225: {  	v55 =	vor.u32 v59, v44;
	v59 =	vld.idx.msk [tilespmem:v26+s19+$0x0], $0xffff;
	v26 =	vor.u32 v25, v53;
	v53 =	vor.u32 s25, v19  }
0x226: {  	v48 =	vor.u32 v51, v48;
	v58 =	vld.idx.msk [tilespmem:v58+s19+$0x0], $0xffff;
	v60 =	vor.u32 v1, v26;
	v26 =	vand.u32 $0x38, v53  }
0x227: {  	v48 =	vor.u32 v1, v48;
	v56 =	vor.u32 v56, v44;
	v27 =	vor.u32 v26, v27  }
0x228: {  	v26 =	vor.u32 v51, v57;
	v57 =	vshll.u32 v61, $0x7;
	v61 =	vand.u32 $0x28, v62;
	[tilespmem:v45+s29+$0x0] =	vst.idx.msk $0xffff, v49  }
0x229: {  	v45 =	vor.u32 v1, v26;
	v49 =	vor.u32 v51, v57;
	v26 =	vshll.u32 v54, $0x7;
	[tilespmem:v52+s29+$0x0] =	vst.idx.msk $0xffff, v50  }
0x22a: {  	v53 =	vshll.u32 v53, $0x7;
	v54 =	vor.u32 s1, v4;
	v52 =	vor.u32 v51, v26;
	v50 =	vld.idx.msk [tilespmem:v55+s19+$0x0], $0xffff  }
0x22b: {  	v26 =	vor.u32 v5, v46;
	v52 =	vor.u32 v1, v52;
	v55 =	vand.u32 $0x38, v54;
	[tilespmem:v60+s29+$0x0] =	vst.idx.msk $0xffff, v59  }
0x22c: {  	v55 =	vor.u32 v55, v26;
	v57 =	vld.idx.msk [tilespmem:v27+s19+$0x0], $0xffff;
	v27 =	vor.u32 v25, v53;
	v53 =	vor.u32 s25, v20  }
0x22d: {  	v47 =	vor.u32 v47, v26;
	[tilespmem:v48+s29+$0x0] =	vst.idx.msk $0xffff, v58;
	v48 =	vor.u32 v1, v27;
	v27 =	vand.u32 $0x38, v53  }
0x22e: {  	v49 =	vor.u32 v1, v49;
	v58 =	vshll.u32 v62, $0x7;
	v56 =	vld.idx.msk [tilespmem:v56+s19+$0x0], $0xffff;
	v28 =	vor.u32 v27, v28  }
0x22f: {  	v59 =	vor.u32 s31, v10;
	v27 =	vor.u32 v51, v58;
	v58 =	vor.u32 s31, v8;
	v41 =	vld.idx.msk [tilespmem:v41+s19+$0x0], $0xffff  }
0x230: {  	v60 =	vor.u32 v1, v27;
	v62 =	vand.u32 $0x28, v58;
	v27 =	vshll.u32 v54, $0x7;
	[tilespmem:v52+s29+$0x0] =	vst.idx.msk $0xffff, v50  }
0x231: {  	v53 =	vshll.u32 v53, $0x7;
	v54 =	vor.u32 s1, v6;
	v52 =	vor.u32 v51, v27;
	v50 =	vld.idx.msk [tilespmem:v55+s19+$0x0], $0xffff  }
0x232: {  	v27 =	vor.u32 v7, v46;
	v52 =	vor.u32 v1, v52;
	v55 =	vand.u32 $0x38, v54;
	[tilespmem:v48+s29+$0x0] =	vst.idx.msk $0xffff, v57  }
0x233: {  	v48 =	vor.u32 v55, v27;
	v55 =	vld.idx.msk [tilespmem:v28+s19+$0x0], $0xffff;
	v28 =	vor.u32 v25, v53;
	v53 =	vor.u32 s25, v21  }
0x234: {  	[tilespmem:v45+s29+$0x0] =	vst.idx.msk $0xffff, v56;
	v45 =	vor.u32 v61, v27;
	v56 =	vor.u32 v1, v28;
	v28 =	vand.u32 $0x38, v53  }
0x235: {  	v57 =	vshll.u32 v58, $0x7;
	v58 =	vand.u32 $0x28, v59;
	v47 =	vld.idx.msk [tilespmem:v47+s19+$0x0], $0xffff;
	[tilespmem:v40+s29+$0x0] =	vst.idx.msk $0xffff, v41;
	v29 =	vor.u32 v28, v29  }
0x236: {  	v28 =	vor.u32 v51, v57;
	v40 =	vshll.u32 v59, $0x7;
	v41 =	vor.u32 s31, v12;
	v42 =	vld.idx.msk [tilespmem:v42+s19+$0x0], $0xffff  }
0x237: {  	v57 =	vor.u32 v1, v28;
	v40 =	vor.u32 v51, v40;
	v28 =	vshll.u32 v54, $0x7;
	[tilespmem:v52+s29+$0x0] =	vst.idx.msk $0xffff, v50  }
0x238: {  	v53 =	vshll.u32 v53, $0x7;
	v50 =	vor.u32 v51, v28;
	v52 =	vor.u32 s1, v8;
	v48 =	vld.idx.msk [tilespmem:v48+s19+$0x0], $0xffff  }
0x239: {  	v28 =	vor.u32 v9, v46;
	v50 =	vor.u32 v1, v50;
	v54 =	vand.u32 $0x38, v52;
	[tilespmem:v56+s29+$0x0] =	vst.idx.msk $0xffff, v55  }
0x23a: {  	v54 =	vor.u32 v54, v28;
	v55 =	vld.idx.msk [tilespmem:v29+s19+$0x0], $0xffff;
	v29 =	vor.u32 v25, v53;
	v53 =	vor.u32 s25, v22  }
0x23b: {  	[tilespmem:v49+s29+$0x0] =	vst.idx.msk $0xffff, v47;
	v47 =	vor.u32 v62, v28;
	v49 =	vor.u32 v1, v29;
	v29 =	vand.u32 $0x38, v53  }
0x23c: {  	v40 =	vor.u32 v1, v40;
	v56 =	vand.u32 $0x28, v41;
	v45 =	vld.idx.msk [tilespmem:v45+s19+$0x0], $0xffff;
	v30 =	vor.u32 v29, v30  }
0x23d: {  	v59 =	vor.u32 s31, v14;
	v29 =	vshll.u32 v41, $0x7;
	v41 =	vor.u32 s31, v15;
	[tilespmem:v39+s29+$0x0] =	vst.idx.msk $0xffff, v42  }
0x23e: {  	v39 =	vor.u32 v51, v29;
	v42 =	vand.u32 $0x28, v41;
	v29 =	vshll.u32 v52, $0x7;
	[tilespmem:v50+s29+$0x0] =	vst.idx.msk $0xffff, v48;
	v38 =	vld.idx.msk [tilespmem:v38+s19+$0x0], $0xffff  }
0x23f: {  	v53 =	vshll.u32 v53, $0x7;
	v52 =	vor.u32 s1, v10;
	v48 =	vor.u32 v51, v29;
	v50 =	vld.idx.msk [tilespmem:v54+s19+$0x0], $0xffff  }
0x240: {  	v29 =	vor.u32 v11, v46;
	v54 =	vor.u32 v1, v48;
	v48 =	vand.u32 $0x38, v52;
	[tilespmem:v49+s29+$0x0] =	vst.idx.msk $0xffff, v55  }
0x241: {  	v49 =	vor.u32 v48, v29;
	v55 =	vld.idx.msk [tilespmem:v30+s19+$0x0], $0xffff;
	v30 =	vor.u32 v25, v53;
	v53 =	vor.u32 s25, v23;
	s25 =	smov.u32 s1  }
0x242: {  	[tilespmem:v60+s29+$0x0] =	vst.idx.msk $0xffff, v45;
	v45 =	vor.u32 v58, v29;
	v58 =	vor.u32 v1, v30;
	v30 =	vand.u32 $0x38, v53  }
0x243: {  	v61 =	vor.u32 v1, v39;
	v39 =	vshll.u32 v41, $0x7;
	v60 =	vld.idx.msk [tilespmem:v47+s19+$0x0], $0xffff;
	v31 =	vor.u32 v30, v31  }
0x244: {  	v41 =	vshll.u32 v59, $0x7;
	v30 =	vor.u32 v51, v39;
	v39 =	vand.u32 $0x28, v59;
	[tilespmem:v37+s29+$0x0] =	vst.idx.msk $0xffff, v38  }
0x245: {  	v48 =	vor.u32 v1, v30;
	v47 =	vor.u32 v39, v43;
	v30 =	vshll.u32 v52, $0x7;
	[tilespmem:v54+s29+$0x0] =	vst.idx.msk $0xffff, v50  }
0x246: {  	v39 =	vor.u32 s25, v12;
	v38 =	vor.u32 v51, v30;
	v37 =	vld.idx.msk [tilespmem:v49+s19+$0x0], $0xffff;
	v49 =	vshll.u32 v53, $0x7  }
0x247: {  	v30 =	vor.u32 v13, v46;
	v50 =	vand.u32 $0x38, v39;
	v38 =	vor.u32 v1, v38;
	[tilespmem:v58+s29+$0x0] =	vst.idx.msk $0xffff, v55  }
0x248: {  	v52 =	vor.u32 v56, v30;
	v53 =	vor.u32 v50, v30;
	v50 =	vor.u32 v25, v49;
	v54 =	vld.idx.msk [tilespmem:v31+s19+$0x0], $0xffff  }
0x249: {  	v31 =	vor.u32 v51, v41;
	v41 =	vor.u32 s31, v17;
	v55 =	vor.u32 v1, v50;
	[tilespmem:v57+s29+$0x0] =	vst.idx.msk $0xffff, v60  }
0x24a: {  	v25 =	vmovc v51;
	v49 =	vor.u32 v1, v31;
	v31 =	vand.u32 $0x28, v41;
	v41 =	vshll.u32 v41, $0x7;
	v56 =	vld.idx.msk [tilespmem:v45+s19+$0x0], $0xffff  }
0x24b: {  	v51 =	vor.u32 s31, v18;
	v50 =	vor.u32 v31, v44;
	v31 =	vor.u32 v25, v41;
	v36 =	vld.idx.msk [tilespmem:v36+s19+$0x0], $0xffff  }
0x24c: {  	v45 =	vor.u32 v1, v31;
	v31 =	vand.u32 $0x28, v51;
	[tilespmem:v38+s29+$0x0] =	vst.idx.msk $0xffff, v37;
	v37 =	vshll.u32 v39, $0x7  }
0x24d: {  	v57 =	vor.u32 s25, v15;
	v41 =	vor.u32 v31, v26;
	v53 =	vld.idx.msk [tilespmem:v53+s19+$0x0], $0xffff;
	v37 =	vor.u32 v25, v37  }
0x24e: {  	v31 =	vor.u32 v16, v46;
	v38 =	vand.u32 $0x38, v57;
	v37 =	vor.u32 v1, v37;
	[tilespmem:v55+s29+$0x0] =	vst.idx.msk $0xffff, v54  }
0x24f: {  	v39 =	vshll.u32 v51, $0x7;
	v46 =	vor.u32 v42, v31;
	v51 =	vor.u32 v38, v31  }
0x250: {  	v38 =	vor.u32 v25, v39;
	v39 =	vor.u32 s31, v19;
	v54 =	vor.u32 s31, v20;
	[tilespmem:v40+s29+$0x0] =	vst.idx.msk $0xffff, v56  }
0x251: {  	v40 =	vor.u32 v1, v38;
	v38 =	vand.u32 $0x28, v39;
	v39 =	vshll.u32 v39, $0x7;
	v52 =	vld.idx.msk [tilespmem:v52+s19+$0x0], $0xffff;
	[tilespmem:v35+s29+$0x0] =	vst.idx.msk $0xffff, v36  }
0x252: {  	v42 =	vor.u32 v38, v27;
	v35 =	vor.u32 v25, v39;
	v36 =	vand.u32 $0x28, v54;
	v55 =	vld.idx.msk [tilespmem:v34+s19+$0x0], $0xffff  }
0x253: {  	v39 =	vor.u32 v1, v35;
	v38 =	vor.u32 v36, v28;
	v34 =	vshll.u32 v57, $0x7;
	[tilespmem:v37+s29+$0x0] =	vst.idx.msk $0xffff, v53  }
0x254: {  	v35 =	vshll.u32 v54, $0x7;
	v34 =	vor.u32 v25, v34;
	v53 =	vor.u32 s25, v14;
	v51 =	vld.idx.msk [tilespmem:v51+s19+$0x0], $0xffff  }
0x255: {  	v35 =	vor.u32 v25, v35;
	v54 =	vor.u32 v1, v34;
	v34 =	vand.u32 $0x38, v53  }
0x256: {  	v37 =	vor.u32 v1, v35;
	v35 =	vor.u32 s31, v21;
	v43 =	vor.u32 v34, v43  }
0x257: {  	v56 =	vor.u32 s31, v22;
	v34 =	vand.u32 $0x28, v35;
	v35 =	vshll.u32 v35, $0x7;
	[tilespmem:v61+s29+$0x0] =	vst.idx.msk $0xffff, v52  }
0x258: {  	v36 =	vor.u32 v34, v29;
	v34 =	vor.u32 v25, v35;
	v52 =	vld.idx.msk [tilespmem:v46+s19+$0x0], $0xffff;
	v46 =	vand.u32 $0x28, v56  }
.Ltmp2:
0x259: {  	v35 =	vor.u32 v1, v34;
	v34 =	vor.u32 v46, v30;
	v46 =	vshll.u32 v56, $0x7;
	[tilespmem:v32+s29+$0x0] =	vst.idx.msk $0xffff, v55;
	(pc) =	sbr.rel @p0 .LBB2_7-.Ltmp2, $4  }
0x25a: {  	v53 =	vshll.u32 v53, $0x7;
	v32 =	vor.u32 v25, v46;
	v46 =	vor.u32 s31, v23;
	[tilespmem:v54+s29+$0x0] =	vst.idx.msk $0xffff, v51;
	v51 =	vld.idx.msk [tilespmem:v33+s19+$0x0], $0xffff  }
0x25b: {  	v33 =	vor.u32 v25, v53;
	v53 =	vor.u32 s25, v17;
	v32 =	vor.u32 v1, v32;
	v54 =	vld.idx.msk [tilespmem:v43+s19+$0x0], $0xffff  }
0x25c: {  	v43 =	vand.u32 $0x28, v46;
	v55 =	vor.u32 v1, v33;
	v56 =	vand.u32 $0x38, v53  }
0x25d: {  	s28 =	sadd.s32 $0x20, s28;
	s30 =	sadd.s32 $0x8, s30;
	v46 =	vshll.u32 v46, $0x7;
	v33 =	vor.u32 v43, v31;
	v44 =	vor.u32 v56, v44  }
0x25e: {  	_ =	sdelay $0x3  }
0x25f: {  	[tilespmem:v48+s29+$0x0] =	vst.idx.msk $0xffff, v52  }
0x260: {  	v43 =	vld.idx.msk [tilespmem:v47+s19+$0x0], $0xffff;
	_ =	sdelay $0x2  }
0x261: {  	v62 =	vshll.u32 v53, $0x7  }
0x262: {  	v63 =	vor.u32 s25, v18;
	v47 =	vor.u32 v25, v62;
	[tilespmem:v55+s29+$0x0] =	vst.idx.msk $0xffff, v54  }
0x263: {  	v56 =	vand.u32 $0x38, v63;
	v47 =	vor.u32 v1, v47;
	v44 =	vld.idx.msk [tilespmem:v44+s19+$0x0], $0xffff;
	[tilespmem:v49+s29+$0x0] =	vst.idx.msk $0xffff, v43  }
0x264: {  	v26 =	vor.u32 v56, v26;
	v43 =	vld.idx.msk [tilespmem:v50+s19+$0x0], $0xffff;
	_ =	sdelay $0x2  }
0x265: {  	v48 =	vshll.u32 v63, $0x7  }
0x266: {  	v58 =	vor.u32 s25, v19;
	v57 =	vor.u32 v25, v48;
	[tilespmem:v47+s29+$0x0] =	vst.idx.msk $0xffff, v44  }
0x267: {  	v59 =	vand.u32 $0x38, v58;
	v44 =	vor.u32 v1, v57;
	v26 =	vld.idx.msk [tilespmem:v26+s19+$0x0], $0xffff;
	[tilespmem:v45+s29+$0x0] =	vst.idx.msk $0xffff, v43  }
0x268: {  	v27 =	vor.u32 v59, v27;
	v41 =	vld.idx.msk [tilespmem:v41+s19+$0x0], $0xffff;
	_ =	sdelay $0x2  }
0x269: {  	v60 =	vshll.u32 v58, $0x7  }
0x26a: {  	v62 =	vor.u32 s25, v20;
	v61 =	vor.u32 v25, v60;
	[tilespmem:v44+s29+$0x0] =	vst.idx.msk $0xffff, v26  }
0x26b: {  	v63 =	vand.u32 $0x38, v62;
	v26 =	vor.u32 v1, v61;
	v27 =	vld.idx.msk [tilespmem:v27+s19+$0x0], $0xffff;
	[tilespmem:v40+s29+$0x0] =	vst.idx.msk $0xffff, v41  }
0x26c: {  	v28 =	vor.u32 v63, v28;
	v40 =	vld.idx.msk [tilespmem:v42+s19+$0x0], $0xffff;
	_ =	sdelay $0x2  }
0x26d: {  	v48 =	vshll.u32 v62, $0x7  }
0x26e: {  	v49 =	vor.u32 v25, v48;
	v50 =	vor.u32 s25, v21;
	[tilespmem:v26+s29+$0x0] =	vst.idx.msk $0xffff, v27  }
0x26f: {  	v52 =	vand.u32 $0x38, v50;
	v26 =	vor.u32 v1, v49;
	v28 =	vld.idx.msk [tilespmem:v28+s19+$0x0], $0xffff;
	[tilespmem:v39+s29+$0x0] =	vst.idx.msk $0xffff, v40  }
0x270: {  	v29 =	vor.u32 v52, v29;
	v38 =	vld.idx.msk [tilespmem:v38+s19+$0x0], $0xffff;
	_ =	sdelay $0x2  }
0x271: {  	v27 =	vshll.u32 v50, $0x7  }
0x272: {  	v54 =	vor.u32 s25, v22;
	v53 =	vor.u32 v25, v27;
	[tilespmem:v26+s29+$0x0] =	vst.idx.msk $0xffff, v28  }
0x273: {  	v55 =	vand.u32 $0x38, v54;
	v26 =	vor.u32 v1, v53;
	v28 =	vld.idx.msk [tilespmem:v29+s19+$0x0], $0xffff;
	[tilespmem:v37+s29+$0x0] =	vst.idx.msk $0xffff, v38  }
0x274: {  	v29 =	vor.u32 v55, v30;
	v56 =	vld.idx.msk [tilespmem:v36+s19+$0x0], $0xffff;
	_ =	sdelay $0x2  }
0x275: {  	v27 =	vshll.u32 v54, $0x7  }
0x276: {  	v58 =	vor.u32 s25, v23;
	v57 =	vor.u32 v25, v27;
	[tilespmem:v26+s29+$0x0] =	vst.idx.msk $0xffff, v28  }
0x277: {  	v59 =	vand.u32 $0x38, v58;
	v26 =	vor.u32 v1, v57;
	v28 =	vld.idx.msk [tilespmem:v29+s19+$0x0], $0xffff;
	[tilespmem:v35+s29+$0x0] =	vst.idx.msk $0xffff, v56  }
0x278: {  	v29 =	vor.u32 v59, v31;
	v30 =	vld.idx.msk [tilespmem:v34+s19+$0x0], $0xffff;
	_ =	sdelay $0x2  }
0x279: {  	v27 =	vshll.u32 v58, $0x7  }
0x27a: {  	v24 =	vor.u32 v1, v24;
	v60 =	vor.u32 v25, v27;
	[tilespmem:v26+s29+$0x0] =	vst.idx.msk $0xffff, v28  }
0x27b: {  	v61 =	vor.u32 v25, v46;
	v26 =	vor.u32 v1, v60;
	v62 =	vld.idx.msk [tilespmem:v29+s19+$0x0], $0xffff;
	[tilespmem:v32+s29+$0x0] =	vst.idx.msk $0xffff, v30  }
0x27c: {  	v25 =	vor.u32 v1, v61;
	v63 =	vld.idx.msk [tilespmem:v33+s19+$0x0], $0xffff;
	_ =	sdelay $0x1  }
0x27d: {  	s1 =	sshll.u32 s24, $0x12  }
0x27e: {  	s1 =	sor.u32 s6, s1;
	[tilespmem:v24+s29+$0x0] =	vst.idx.msk $0xffff, v51  }
0x27f: {  	s1 =	sshrl.u32 s1, $0x3;
	[tilespmem:v26+s29+$0x0] =	vst.idx.msk $0xffff, v62  }
0x280: {  	s25 =	sadd.s32 s2, s1;
	[tilespmem:v25+s29+$0x0] =	vst.idx.msk $0xffff, v63  }
0x281: {  	[hbm4b:s25+s3] =	stream.linear.scatter [tilespmem:s29], [sflag:$0x3], $0x400, $0x38;
	[tilespmem:$0xE400] =	vst v63  }
0x282: {  	s28 =	simm.s32 $0xC800;
	s26 =	sadd.s32 s1, s7  }
0x283: {  	[hbm4b:s26+s3] =	stream.linear.scatter [tilespmem:s28], [sflag:$0x3], $0x400, $0x38;
	[tilespmem:$0xE400] =	vst v63  }
0x284: {  	s31 =	simm.s32 $0xCC00;
	s30 =	sadd.s32 s1, s8  }
0x285: {  	[hbm4b:s30+s3] =	stream.linear.scatter [tilespmem:s31], [sflag:$0x3], $0x400, $0x38;
	[tilespmem:$0xE400] =	vst v63  }
0x286: {  	s25 =	sadd.s32 s1, s9;
	s26 =	simm.s32 $0xD000  }
0x287: {  	[hbm4b:s25+s3] =	stream.linear.scatter [tilespmem:s26], [sflag:$0x3], $0x400, $0x38;
	[tilespmem:$0xE400] =	vst v63  }
0x288: {  	s23 =	sadd.s32 $0x1, s23;
	s28 =	sadd.s32 s1, s10  }
0x289: {  	[hbm4b:s28+s3] =	stream.linear.scatter [tilespmem:s0], [sflag:$0x3], $0x400, $0x38;
	[tilespmem:$0xE400] =	vst v63  }
0x28a: {  	p0 =	sne.s32 s23, $0x64;
	s30 =	sadd.s32 s1, s11  }
0x28b: {  	[hbm4b:s30+s3] =	stream.linear.scatter [tilespmem:s5], [sflag:$0x3], $0x400, $0x38;
	[tilespmem:$0xE400] =	vst v63  }
.Ltmp3:
0x28c: {  	_ = 	snop;
	(pc) =	sbr.rel @p0 .LBB2_4-.Ltmp3, $4  }
0x28d: {  	s31 =	sadd.s32 s1, s12  }
0x28e: {  	[hbm4b:s31+s3] =	stream.linear.scatter [tilespmem:s14], [sflag:$0x3], $0x400, $0x38;
	[tilespmem:$0xE400] =	vst v63  }
0x28f: {  	s1 =	sadd.s32 s1, s13  }
0x290: {  	[hbm4b:s1+s3] =	stream.linear.scatter [tilespmem:s15], [sflag:$0x3], $0x400, $0x38;
	[tilespmem:$0xE400] =	vst v63  }
0x291: {  	s1 =	simm.s32 $0x2  }
0x292: {  	_ =	swait.ge [sflag:s1], $0x400  }
0x293: {  	[sflag:s1] =	ssyncset.done $0x0  }
0x294: {  	[sflag:s1] =	ssyncadd.s32 $0xFFFFFC00  }
0x295: {  	_ =	swait.ge [sflag:s1], $0x400  }
0x296: {  	[sflag:s1] =	ssyncset.done $0x0  }
0x297: {  	[sflag:s1] =	ssyncadd.s32 $0xFFFFFC00  }
0x298: {  	_ =	swait.ge [sflag:s1], $0x400  }
0x299: {  	[sflag:s1] =	ssyncset.done $0x0  }
0x29a: {  	[sflag:s1] =	ssyncadd.s32 $0xFFFFFC00  }
0x29b: {  	_ =	swait.ge [sflag:s1], $0x400  }
0x29c: {  	[sflag:s1] =	ssyncset.done $0x0  }
0x29d: {  	[sflag:s1] =	ssyncadd.s32 $0xFFFFFC00  }
0x29e: {  	_ =	swait.ge [sflag:s1], $0x400  }
0x29f: {  	[sflag:s1] =	ssyncset.done $0x0  }
0x2a0: {  	[sflag:s1] =	ssyncadd.s32 $0xFFFFFC00  }
0x2a1: {  	_ =	swait.ge [sflag:s1], $0x400  }
0x2a2: {  	[sflag:s1] =	ssyncset.done $0x0  }
0x2a3: {  	[sflag:s1] =	ssyncadd.s32 $0xFFFFFC00  }
0x2a4: {  	_ =	swait.ge [sflag:s1], $0x400  }
0x2a5: {  	[sflag:s1] =	ssyncset.done $0x0  }
0x2a6: {  	[sflag:s1] =	ssyncadd.s32 $0xFFFFFC00  }
0x2a7: {  	_ =	swait.ge [sflag:s1], $0x400  }
0x2a8: {  	[sflag:s1] =	ssyncset.done $0x0  }
0x2a9: {  	[sflag:s1] =	ssyncadd.s32 $0xFFFFFC00  }
0x2aa: {  	_ =	swait.ge [sflag:s21], $0x400  }
0x2ab: {  	[sflag:s21] =	ssyncset.done $0x0  }
0x2ac: {  	[sflag:s21] =	ssyncadd.s32 $0xFFFFFC00  }
0x2ad: {  	_ =	swait.ge [sflag:s21], $0x400  }
0x2ae: {  	[sflag:s21] =	ssyncset.done $0x0  }
0x2af: {  	[sflag:s21] =	ssyncadd.s32 $0xFFFFFC00  }
0x2b0: {  	_ =	swait.ge [sflag:s21], $0x400  }
0x2b1: {  	[sflag:s21] =	ssyncset.done $0x0  }
0x2b2: {  	[sflag:s21] =	ssyncadd.s32 $0xFFFFFC00  }
0x2b3: {  	_ =	swait.ge [sflag:s21], $0x400  }
0x2b4: {  	[sflag:s21] =	ssyncset.done $0x0  }
0x2b5: {  	[sflag:s21] =	ssyncadd.s32 $0xFFFFFC00  }
0x2b6: {  	_ =	swait.ge [sflag:s21], $0x400  }
0x2b7: {  	[sflag:s21] =	ssyncset.done $0x0  }
0x2b8: {  	[sflag:s21] =	ssyncadd.s32 $0xFFFFFC00  }
0x2b9: {  	_ =	swait.ge [sflag:s21], $0x400  }
0x2ba: {  	[sflag:s21] =	ssyncset.done $0x0  }
0x2bb: {  	[sflag:s21] =	ssyncadd.s32 $0xFFFFFC00  }
0x2bc: {  	_ =	swait.ge [sflag:s21], $0x400  }
0x2bd: {  	[sflag:s21] =	ssyncset.done $0x0  }
0x2be: {  	[sflag:s21] =	ssyncadd.s32 $0xFFFFFC00  }
0x2bf: {  	_ =	swait.ge [sflag:s21], $0x400  }
0x2c0: {  	s22 =	rddreg [dreg:$0x5]  }
0x2c1: {  	s31 =	rddreg [dreg:$0x4];
	s22 =	sadd.s32 $0x1, s22  }
0x2c2: {  	p0 =	sne.s32 s22, s31  }
.Ltmp4:
0x2c3: {  	_ = 	snop;
	(pc) =	sbr.rel @p0 .LBB2_1-.Ltmp4, $3  }
0x2c4: {  	_ =	sdelay $0x1  }
0x2c5: {  	[sflag:s21] =	ssyncset.done $0x0  }
0x2c6: {  	[sflag:s21] =	ssyncadd.s32 $0xFFFFFC00  }
0x2c7: {  	_ =	sfence.sel $0x180000  }
0x2c8: {  	[bflag:$0x0] =	sbarrier.arrive $0xFFFF  }
0x2c9: {  	_ =	strace $0x90000047  }
0x2ca: {  	s0 =	stileid.u32;
	[bflag:$0x2] =	sbarrier.arrive $0xFFFF  }
0x2cb: {  	p0 =	sne.s32 s0, $0x0;
	s0 =	rddreg [dreg:$0x2]  }
0x2cc: {  	s0 =	sadd.s32 @!p0 $0x100000, s0  }
0x2cd: {  	[sflag:s0] =	ssyncadd.tile.s32 @!p0 $0x1;
	_ =	shalt  }
.Lfunc_end2:
_tile_overlayer_lowered:
.L_overlay_start_2:
0x2ce: {  	(tag) =	ssettag $0x2  }
0x2cf: {  	s0 =	rddreg [dreg:$0x0];
	s2 =	stileid.u32  }
0x2d0: {  	s1 =	rddreg [dreg:$0x1];
	p0 =	sne.s32 s2, $0x0  }
0x2d1: {  	s3 =	rddreg [dreg:$0x2];
	[bflag:$0x3] =	sbarrier.arrive $0xFFFF;
	s2 =	simm.s32 @!p0 $0x1C04  }
0x2d2: {  	[timem:s3], [sflag:s2] =	dma.local @!p0 [hbm:s0], s1  }
0x2d3: {  	s0 =	simm.s32 @!p0 $0x4  }
0x2d4: {  	_ =	swait.ge @!p0 [sflag:s0], s1  }
0x2d5: {  	s1 =	ssub.s32 @!p0 $0x0, s1;
	[sflag:s0] =	ssyncset.done @!p0 $0x0  }
0x2d6: {  	[sflag:s0] =	ssyncadd.s32 @!p0 s1  }
0x2d7: {  	[bflag:$0x3] =	sbarrier.arrive $0xFFFF  }
0x2d8: {  	_ =	shalt  }

</sc_bundles>
